<compile_context>
chip_gen: v7x
topology: tpu7x:2x2x1
jax: 0.10.2.dev20260603
libtpu: 0.0.44.dev20260713+nightly
codegen_flags: <defaults>
</compile_context>

<pallas_src>
import functools

import jax
import jax.numpy as jnp
from jax import lax
from jax.experimental import pallas as pl
from jax.experimental.pallas import tpu as pltpu
from jax.experimental.pallas import tpu_sc as plsc

N = 10000
NG = 64
D = 128
EPS = 1e-5
NB = 79
NP = NB * 128
NW = 32
NPT = NP // 16
E = 320000
CPT = 79
EP = NW * CPT * 128
CPT_A = 44
CPT_B = 114
CPT_MAX = max(CPT_A, CPT_B)
EPA = 16 * CPT_A * 128
EPP = 16 * (CPT_A + CPT_B) * 128
TRASH = N
DW = 16

_MESH = plsc.VectorSubcoreMesh(core_axis_name="c", subcore_axis_name="s")


def _sc_degree(dsts, zeros128, ones_blk):
    @functools.partial(
        pl.kernel,
        out_type=jax.ShapeDtypeStruct((2, NP, D), jnp.float32),
        mesh=_MESH,
        scratch_types=[
            pltpu.VMEM((CPT, 128), jnp.int32),
            pltpu.VMEM((128, D), jnp.float32),
            pltpu.VMEM_SHARED((NP, D), jnp.float32),
            pltpu.SemaphoreType.DMA,
        ],
    )
    def k(dst_hbm, zeros_hbm, ones_hbm, out_hbm, dst_scr, ones, deg, sem):
        cid = lax.axis_index("c")
        sid = lax.axis_index("s")
        slab = cid * 16 + sid
        pltpu.sync_copy(ones_hbm, ones)
        pltpu.sync_copy(dst_hbm.at[slab], dst_scr)
        base = sid * NPT
        pltpu.sync_copy(zeros_hbm.at[pl.ds(base, NPT)],
                        deg.at[pl.ds(base, NPT)])
        plsc.subcore_barrier()

        def edge_body(j, carry):
            pltpu.sync_copy(ones, deg.at[dst_scr.at[j]], add=True)
            return carry

        lax.fori_loop(0, CPT, edge_body, 0)
        plsc.subcore_barrier()
        pltpu.sync_copy(deg.at[pl.ds(base, NPT)],
                        out_hbm.at[cid, pl.ds(base, NPT)])

    return k(dsts, zeros128, ones_blk)


def _sc_propagate(y, srcs, dsts, zeros128):
    @functools.partial(
        pl.kernel,
        out_type=jax.ShapeDtypeStruct((2, NP, D), jnp.float32),
        mesh=_MESH,
        scratch_types=[
            pltpu.VMEM((4, 128), jnp.int32),
            pltpu.VMEM((4, 128), jnp.int32),
            pltpu.VMEM((2, 128, D), jnp.float32),
            pltpu.VMEM_SHARED((NP, D), jnp.float32),
            pltpu.SemaphoreType.DMA((4,)),
            pltpu.SemaphoreType.DMA((2,)),
            pltpu.SemaphoreType.DMA((2,)),
        ],
    )
    def k(y_hbm, src_hbm, dst_hbm, zeros_hbm, out_hbm, src_scr, dst_scr,
          rows, acc, isem, gsem, ssem):
        cid = lax.axis_index("c")
        sid = lax.axis_index("s")
        mycpt = jnp.where(cid == 0, CPT_A, CPT_B)
        qbase = jnp.where(cid == 0, sid * CPT_A,
                          16 * CPT_A + sid * CPT_B)
        base = sid * NPT
        pltpu.sync_copy(zeros_hbm.at[pl.ds(base, NPT)],
                        acc.at[pl.ds(base, NPT)])

        def start_idx(m, slot):
            pltpu.async_copy(src_hbm.at[qbase + m], src_scr.at[slot],
                             isem.at[slot])
            pltpu.async_copy(dst_hbm.at[qbase + m], dst_scr.at[slot],
                             isem.at[slot])

        def wait_idx(m, slot):
            pltpu.make_async_copy(src_hbm.at[qbase + m], src_scr.at[slot],
                                  isem.at[slot]).wait()
            pltpu.make_async_copy(dst_hbm.at[qbase + m], dst_scr.at[slot],
                                  isem.at[slot]).wait()

        for m in range(3):
            start_idx(m, m)
        plsc.subcore_barrier()
        wait_idx(0, 0)
        pltpu.async_copy(y_hbm.at[src_scr.at[0]], rows.at[0], gsem.at[0])

        def edge_body(j, carry):
            b = lax.rem(j, 2)
            nb = 1 - b
            s1 = lax.rem(j + 1, 4)
            s3 = lax.rem(j + 3, 4)

            @pl.when(j + 1 < mycpt)
            def _():
                wait_idx(j + 1, s1)

                @pl.when(j >= 1)
                def _():
                    pltpu.make_async_copy(
                        rows.at[nb], acc.at[dst_scr.at[lax.rem(j + 3, 4)]],
                        ssem.at[nb]).wait()

                pltpu.async_copy(y_hbm.at[src_scr.at[s1]], rows.at[nb],
                                 gsem.at[nb])

            @pl.when(j + 3 < mycpt)
            def _():
                start_idx(j + 3, s3)

            @pl.when(j < mycpt)
            def _():
                pltpu.make_async_copy(y_hbm.at[src_scr.at[lax.rem(j, 4)]],
                                      rows.at[b], gsem.at[b]).wait()
                pltpu.async_copy(rows.at[b],
                                 acc.at[dst_scr.at[lax.rem(j, 4)]],
                                 ssem.at[b], add=True)

            return carry

        lax.fori_loop(0, CPT_MAX, edge_body, 0)
        for kk in (2, 1):
            jt = mycpt - kk
            pltpu.make_async_copy(rows.at[lax.rem(jt, 2)],
                                  acc.at[dst_scr.at[lax.rem(jt, 4)]],
                                  ssem.at[lax.rem(jt, 2)]).wait()
        plsc.subcore_barrier()
        pltpu.sync_copy(acc.at[pl.ds(base, NPT)],
                        out_hbm.at[cid, pl.ds(base, NPT)])

    return k(y, srcs, dsts, zeros128)


def _tc_y1_dinv(x_p, W, deg_parts):
    def body(x_ref, w_ref, dp_ref, y_ref, dv_ref):
        i = pl.program_id(0)
        deg = dp_ref[0] + dp_ref[1] + 1.0
        rows = lax.broadcasted_iota(jnp.int32, (128, 1), 0) + i * 128
        mask = (rows < N).astype(jnp.float32)
        dinv = lax.rsqrt(deg) * mask
        dv_ref[...] = dinv
        y_ref[...] = jnp.dot(x_ref[...], w_ref[...],
                             preferred_element_type=jnp.float32) * dinv

    return pl.pallas_call(
        body,
        grid=(NB,),
        in_specs=[
            pl.BlockSpec((128, D), lambda i: (i, 0)),
            pl.BlockSpec((D, D), lambda i: (0, 0)),
            pl.BlockSpec((2, 128, D), lambda i: (0, i, 0)),
        ],
        out_specs=[
            pl.BlockSpec((128, D), lambda i: (i, 0)),
            pl.BlockSpec((128, D), lambda i: (i, 0)),
        ],
        out_shape=[
            jax.ShapeDtypeStruct((NP, D), jnp.float32),
            jax.ShapeDtypeStruct((NP, D), jnp.float32),
        ],
    )(x_p, W, deg_parts)


def _tc_combine(acc, y, dinv, b):
    def body(acc_ref, y_ref, dv_ref, b_ref, z_ref, st_ref):
        i = pl.program_id(0)
        rows = lax.broadcasted_iota(jnp.int32, (128, 1), 0) + i * 128
        mask = (rows < N).astype(jnp.float32)
        a = acc_ref[0] + acc_ref[1]
        z = (dv_ref[...] * (a + y_ref[...]) + b_ref[...]) * mask
        z_ref[...] = z

        @pl.when(i == 0)
        def _():
            st_ref[...] = jnp.zeros((8, 128), jnp.float32)

        st_ref[0:1, :] += jnp.sum(z, axis=0, keepdims=True)
        st_ref[1:2, :] += jnp.sum(z * z, axis=0, keepdims=True)

    return pl.pallas_call(
        body,
        grid=(NB,),
        in_specs=[
            pl.BlockSpec((2, 128, D), lambda i: (0, i, 0)),
            pl.BlockSpec((128, D), lambda i: (i, 0)),
            pl.BlockSpec((128, D), lambda i: (i, 0)),
            pl.BlockSpec((1, D), lambda i: (0, 0)),
        ],
        out_specs=[
            pl.BlockSpec((128, D), lambda i: (i, 0)),
            pl.BlockSpec((8, 128), lambda i: (0, 0)),
        ],
        out_shape=[
            jax.ShapeDtypeStruct((NP, D), jnp.float32),
            jax.ShapeDtypeStruct((8, 128), jnp.float32),
        ],
    )(acc, y, dinv, b)


def _bn_affine(st_ref, g_ref, be_ref):
    mean = st_ref[0:1, :] * (1.0 / N)
    var = st_ref[1:2, :] * (1.0 / N) - mean * mean
    s = g_ref[...] * lax.rsqrt(var + EPS)
    t = be_ref[...] - mean * s
    return s, t


def _tc_norm_mm(z, st, g, be, W, dinv):
    def body(z_ref, st_ref, g_ref, be_ref, w_ref, dv_ref, y_ref):
        s, t = _bn_affine(st_ref, g_ref, be_ref)
        h = jnp.maximum(z_ref[...] * s + t, 0.0)
        y_ref[...] = jnp.dot(h, w_ref[...],
                             preferred_element_type=jnp.float32) * dv_ref[...]

    return pl.pallas_call(
        body,
        grid=(NB,),
        in_specs=[
            pl.BlockSpec((128, D), lambda i: (i, 0)),
            pl.BlockSpec((8, 128), lambda i: (0, 0)),
            pl.BlockSpec((1, D), lambda i: (0, 0)),
            pl.BlockSpec((1, D), lambda i: (0, 0)),
            pl.BlockSpec((D, D), lambda i: (0, 0)),
            pl.BlockSpec((128, D), lambda i: (i, 0)),
        ],
        out_specs=pl.BlockSpec((128, D), lambda i: (i, 0)),
        out_shape=jax.ShapeDtypeStruct((NP, D), jnp.float32),
    )(z, st, g, be, W, dinv)


def _tc_pool_head(z, st, g, be, batch_p, fw1, fb1, fw2p, fb2p):
    def body(z_ref, st_ref, g_ref, be_ref, b_ref, w1_ref, b1_ref, w2_ref,
             b2_ref, o_ref, p_ref, c_ref):
        i = pl.program_id(0)
        s, t = _bn_affine(st_ref, g_ref, be_ref)
        h = jnp.maximum(z_ref[...] * s + t, 0.0)
        bb = jnp.broadcast_to(b_ref[0], (NG, 128))
        gg = lax.broadcasted_iota(jnp.int32, (NG, 128), 0)
        oh = (gg == bb).astype(jnp.float32)

        @pl.when(i == 0)
        def _():
            p_ref[...] = jnp.zeros((NG, D), jnp.float32)
            c_ref[...] = jnp.zeros((NG, D), jnp.float32)

        p_ref[...] += jnp.dot(oh, h, preferred_element_type=jnp.float32)
        c_ref[...] += jnp.broadcast_to(
            jnp.sum(oh, axis=1, keepdims=True), (NG, D))

        @pl.when(i == NB - 1)
        def _():
            pooled = p_ref[...] / jnp.maximum(c_ref[...], 1.0)
            hh = jnp.maximum(
                jnp.dot(pooled, w1_ref[...],
                        preferred_element_type=jnp.float32) + b1_ref[...],
                0.0)
            o_ref[...] = jnp.dot(hh, w2_ref[...],
                                 preferred_element_type=jnp.float32) + b2_ref[...]

    return pl.pallas_call(
        body,
        grid=(NB,),
        in_specs=[
            pl.BlockSpec((128, D), lambda i: (i, 0)),
            pl.BlockSpec((8, 128), lambda i: (0, 0)),
            pl.BlockSpec((1, D), lambda i: (0, 0)),
            pl.BlockSpec((1, D), lambda i: (0, 0)),
            pl.BlockSpec((1, 1, 128), lambda i: (i, 0, 0)),
            pl.BlockSpec((D, D), lambda i: (0, 0)),
            pl.BlockSpec((1, D), lambda i: (0, 0)),
            pl.BlockSpec((D, D), lambda i: (0, 0)),
            pl.BlockSpec((1, D), lambda i: (0, 0)),
        ],
        out_specs=pl.BlockSpec((NG, D), lambda i: (0, 0)),
        out_shape=jax.ShapeDtypeStruct((NG, D), jnp.float32),
        scratch_shapes=[
            pltpu.VMEM((NG, D), jnp.float32),
            pltpu.VMEM((NG, D), jnp.float32),
        ],
    )(z, st, g, be, batch_p, fw1, fb1, fw2p, fb2p)


def kernel(x, edge_index, batch, W1, b1, W2, b2, W3, b3, g1, be1, g2, be2,
           g3, be3, fw1, fb1, fw2, fb2):
    src = edge_index[0].astype(jnp.int32)
    dst = edge_index[1].astype(jnp.int32)
    flat_src = jnp.concatenate([src, jnp.zeros((EP - E,), jnp.int32)])
    flat_dst = jnp.concatenate([dst, jnp.full((EP - E,), TRASH, jnp.int32)])
    dsts = flat_dst.reshape(NW, CPT, 128)
    srcf = flat_src.reshape(NW * CPT, 128)
    dstf = flat_dst.reshape(NW * CPT, 128)
    x_p = jnp.pad(x, ((0, NP - N), (0, 0)))
    batch_p = jnp.pad(batch.astype(jnp.int32), (0, NP - N),
                      constant_values=NG).reshape(NB, 1, 128)
    b1r, b2r, b3r = b1.reshape(1, D), b2.reshape(1, D), b3.reshape(1, D)
    g1r, g2r, g3r = g1.reshape(1, D), g2.reshape(1, D), g3.reshape(1, D)
    be1r, be2r, be3r = be1.reshape(1, D), be2.reshape(1, D), be3.reshape(1, D)
    fb1r = fb1.reshape(1, D)
    fw2p = jnp.pad(fw2, ((0, 0), (0, D - fw2.shape[1])))
    fb2p = jnp.pad(fb2, (0, D - fb2.shape[0])).reshape(1, D)

    zeros128 = jnp.zeros((NP, D), jnp.float32)
    ones_blk = jnp.ones((128, D), jnp.float32)
    deg_parts = _sc_degree(dsts, zeros128, ones_blk)

    y1, dinv = _tc_y1_dinv(x_p, W1, deg_parts)
    acc1 = _sc_propagate(y1, srcf, dstf, zeros128)
    z1, st1 = _tc_combine(acc1, y1, dinv, b1r)

    y2 = _tc_norm_mm(z1, st1, g1r, be1r, W2, dinv)
    acc2 = _sc_propagate(y2, srcf, dstf, zeros128)
    z2, st2 = _tc_combine(acc2, y2, dinv, b2r)

    y3 = _tc_norm_mm(z2, st2, g2r, be2r, W3, dinv)
    acc3 = _sc_propagate(y3, srcf, dstf, zeros128)
    z3, st3 = _tc_combine(acc3, y3, dinv, b3r)

    out = _tc_pool_head(z3, st3, g3r, be3r, batch_p, fw1, fb1r, fw2p, fb2p)
    return out[:, :16]

# --- scband reference (transcript-rebuilt; emitter-appended) ---
"""Pipeline reference for scband-toy-57234734186917 (READ-ONLY COPY).

The authoritative reference and input builder live on the scoring server;
editing this copy changes nothing except your own understanding.
"""

import jax, jax.numpy as jnp
import numpy as np

N_NODES = 10000
N_EDGES = 320000
D_IN = 128
D_H = 128
D_OUT = 16
N_GRAPHS = 64
EPS = 1e-5


def _glorot(key, shape):
    fan_in, fan_out = shape[0], shape[1]
    s = jnp.sqrt(6.0 / (fan_in + fan_out))
    return jax.random.uniform(key, shape, jnp.float32, -s, s)


def setup_inputs(seed: int = 0) -> dict:
    key = jax.random.key(seed)
    ks = jax.random.split(key, 16)
    x = jax.random.normal(ks[0], (N_NODES, D_IN), jnp.float32)
    edge_index = jax.random.randint(ks[1], (2, N_EDGES), 0, N_NODES, jnp.int64)
    batch = jnp.sort(jax.random.randint(ks[2], (N_NODES,), 0, N_GRAPHS, jnp.int64))
    return {
        'x': x,
        'edge_index': edge_index,
        'batch': batch,
        'W1': _glorot(ks[3], (D_IN, D_H)), 'b1': jnp.zeros((D_H,), jnp.float32),
        'W2': _glorot(ks[4], (D_H, D_H)), 'b2': jnp.zeros((D_H,), jnp.float32),
        'W3': _glorot(ks[5], (D_H, D_H)), 'b3': jnp.zeros((D_H,), jnp.float32),
        'g1': jnp.ones((D_H,), jnp.float32), 'be1': jnp.zeros((D_H,), jnp.float32),
        'g2': jnp.ones((D_H,), jnp.float32), 'be2': jnp.zeros((D_H,), jnp.float32),
        'g3': jnp.ones((D_H,), jnp.float32), 'be3': jnp.zeros((D_H,), jnp.float32),
        'fw1': _glorot(ks[6], (D_H, D_H)), 'fb1': jnp.zeros((D_H,), jnp.float32),
        'fw2': _glorot(ks[7], (D_H, D_OUT)), 'fb2': jnp.zeros((D_OUT,), jnp.float32),
    }


def _gcn_conv(x, edge_index, W, b):
    n = x.shape[0]
    loop = jnp.arange(n, dtype=edge_index.dtype)
    src = jnp.concatenate([edge_index[0], loop])
    dst = jnp.concatenate([edge_index[1], loop])
    deg = jnp.zeros((n,), jnp.float32).at[dst].add(1.0)
    dinv = jax.lax.rsqrt(deg)
    xw = x @ W
    coef = (dinv[src] * dinv[dst])[:, None]
    msg = xw[src] * coef
    out = jnp.zeros((n, W.shape[1]), jnp.float32).at[dst].add(msg)
    return out + b


def _batchnorm(x, gamma, beta):
    mean = jnp.mean(x, axis=0, keepdims=True)
    var = jnp.var(x, axis=0, keepdims=True)
    return (x - mean) * jax.lax.rsqrt(var + EPS) * gamma + beta


def _global_mean_pool(x, batch, num_graphs):
    sums = jax.ops.segment_sum(x, batch, num_segments=num_graphs)
    cnts = jax.ops.segment_sum(jnp.ones((x.shape[0],), jnp.float32), batch, num_segments=num_graphs)
    return sums / jnp.maximum(cnts, 1.0)[:, None]


def reference(x, edge_index, batch, W1, b1, W2, b2, W3, b3, g1, be1, g2, be2, g3, be3, fw1, fb1, fw2, fb2):
    h = _gcn_conv(x, edge_index, W1, b1)
    h = jax.nn.relu(_batchnorm(h, g1, be1))
    h = _gcn_conv(h, edge_index, W2, b2)
    h = jax.nn.relu(_batchnorm(h, g2, be2))
    h = _gcn_conv(h, edge_index, W3, b3)
    h = jax.nn.relu(_batchnorm(h, g3, be3))
    h = _global_mean_pool(h, batch, N_GRAPHS)
    h = jax.nn.relu(h @ fw1 + fb1)
    return h @ fw2 + fb2

if __name__ == "__main__":
    import jax
    _d = setup_inputs()
    print(jax.jit(kernel)(*tuple(_d.values())))

</pallas_src>

<mosaic_0001>
#map = affine_map<(d0, d1) -> (0, 0)>
#map1 = affine_map<(d0, d1) -> (0, 0, 0)>
module attributes {stable_mosaic.version = 14 : i64} {
  func.func @k(%arg0: i32, %arg1: i32, %arg2: memref<10112x128xf32, #tpu.memory_space<hbm>>, %arg3: memref<2528x128xi32, #tpu.memory_space<hbm>>, %arg4: memref<2528x128xi32, #tpu.memory_space<hbm>>, %arg5: memref<10112x128xf32, #tpu.memory_space<hbm>>, %arg6: memref<2x10112x128xf32, #tpu.memory_space<hbm>>, %arg7: memref<4x128xi32, #tpu.memory_space<vmem>>, %arg8: memref<4x128xi32, #tpu.memory_space<vmem>>, %arg9: memref<2x128x128xf32, #tpu.memory_space<vmem>>, %arg10: memref<10112x128xf32, #tpu.memory_space<vmem_shared>>, %arg11: memref<4x!tpu.dma_semaphore, #tpu.memory_space<semaphore_mem>>, %arg12: memref<2x!tpu.dma_semaphore, #tpu.memory_space<semaphore_mem>>, %arg13: memref<2x!tpu.dma_semaphore, #tpu.memory_space<semaphore_mem>>) attributes {dimension_semantics = [#tpu.dimension_semantics<core_parallel>, #tpu.dimension_semantics<subcore_parallel>], iteration_bounds = array<i64: 2, 16>, scalar_prefetch = 0 : i64, scratch_operands = 7 : i64, tpu.core_type = #tpu.core_type<sc_vector_subcore>, window_params = [{transform_indices = #map}, {transform_indices = #map}, {transform_indices = #map}, {transform_indices = #map}, {transform_indices = #map1}]} {
    %eq3A = arith.constant 0 : i32
    %eq3A_0 = arith.cmpi eq, %arg0, %eq3A : i32
    %jit3A = arith.constant 44 : i32
    %jit3A_1 = arith.constant 114 : i32
    %select_n3A = arith.select %eq3A_0, %jit3A, %jit3A_1 : i32
    %eq3A_2 = arith.constant 0 : i32
    %eq3A_3 = arith.cmpi eq, %arg0, %eq3A_2 : i32
    %mul3A = arith.constant 44 : i32
    %mul3A_4 = arith.muli %arg1, %mul3A : i32
    %mul3A_5 = arith.constant 114 : i32
    %mul3A_6 = arith.muli %arg1, %mul3A_5 : i32
    %add3A = arith.constant 704 : i32
    %add3A_7 = arith.addi %add3A, %mul3A_6 : i32
    %select_n3A_8 = arith.select %eq3A_3, %mul3A_4, %add3A_7 : i32
    %mul3A_9 = arith.constant 632 : i32
    %mul3A_10 = arith.muli %arg1, %mul3A_9 : i32
    "tpu.region"() ({
      %run_scoped3A = tpu.sem_alloc : memref<!tpu.dma_semaphore, #tpu.memory_space<semaphore_mem>>
      %dma_start3A_212 = arith.constant 0 : i32
      %dma_start3A_213 = tpu.memref_slice %arg10[%mul3A_10, %dma_start3A_212] : memref<10112x128xf32, #tpu.memory_space<vmem_shared>> -> memref<632x128xf32, #tpu.memory_space<vmem_shared>>
      %dma_start3A_214 = arith.constant 0 : i32
      %dma_start3A_215 = tpu.memref_slice %arg5[%mul3A_10, %dma_start3A_214] : memref<10112x128xf32, #tpu.memory_space<hbm>> -> memref<632x128xf32, #tpu.memory_space<hbm>>
      tpu.enqueue_dma source(%dma_start3A_215 : memref<632x128xf32, #tpu.memory_space<hbm>>) target(%dma_start3A_213 : memref<632x128xf32, #tpu.memory_space<vmem_shared>>) target_semaphore(%run_scoped3A : memref<!tpu.dma_semaphore, #tpu.memory_space<semaphore_mem>>)
      %dma_wait3A_216 = arith.constant 0 : i32
      %dma_wait3A_217 = tpu.memref_slice %arg10[%mul3A_10, %dma_wait3A_216] : memref<10112x128xf32, #tpu.memory_space<vmem_shared>> -> memref<632x128xf32, #tpu.memory_space<vmem_shared>>
      %dma_wait3A_218 = arith.constant 0 : i32
      %dma_wait3A_219 = tpu.memref_slice %arg5[%mul3A_10, %dma_wait3A_218] : memref<10112x128xf32, #tpu.memory_space<hbm>> -> memref<632x128xf32, #tpu.memory_space<hbm>>
      tpu.wait_dma2 semaphore(%run_scoped3A : memref<!tpu.dma_semaphore, #tpu.memory_space<semaphore_mem>>) src(%dma_wait3A_219 : memref<632x128xf32, #tpu.memory_space<hbm>>) dst(%dma_wait3A_217 : memref<632x128xf32, #tpu.memory_space<vmem_shared>>)
      tpu.yield
    }) : () -> ()
    %add3A_11 = arith.constant 0 : i32
    %add3A_12 = arith.addi %select_n3A_8, %add3A_11 : i32
    %dma_start3A = arith.constant 0 : i32
    %dma_start3A_13 = arith.constant 0 : i32
    %dma_start3A_14 = arith.constant 0 : i32
    %dma_start3A_15 = tpu.memref_slice %arg7[%dma_start3A, %dma_start3A_14] : memref<4x128xi32, #tpu.memory_space<vmem>> -> memref<1x128xi32, #tpu.memory_space<vmem>>
    %dma_start3A_16 = tpu.memref_squeeze %dma_start3A_15 : memref<1x128xi32, #tpu.memory_space<vmem>> -> memref<128xi32, #tpu.memory_space<vmem>>
    %dma_start3A_17 = arith.constant 0 : i32
    %dma_start3A_18 = tpu.memref_slice %arg3[%add3A_12, %dma_start3A_17] : memref<2528x128xi32, #tpu.memory_space<hbm>> -> memref<1x128xi32, #tpu.memory_space<hbm>>
    %dma_start3A_19 = tpu.memref_squeeze %dma_start3A_18 : memref<1x128xi32, #tpu.memory_space<hbm>> -> memref<128xi32, #tpu.memory_space<hbm>>
    %dma_start3A_20 = tpu.memref_slice %arg11[%dma_start3A_13] : memref<4x!tpu.dma_semaphore, #tpu.memory_space<semaphore_mem>> -> memref<1x!tpu.dma_semaphore, #tpu.memory_space<semaphore_mem>>
    %dma_start3A_21 = tpu.memref_squeeze %dma_start3A_20 : memref<1x!tpu.dma_semaphore, #tpu.memory_space<semaphore_mem>> -> memref<!tpu.dma_semaphore, #tpu.memory_space<semaphore_mem>>
    %dma_start3A_22 = arith.constant 0 : i32
    %dma_start3A_23 = tpu.memref_slice %arg7[%dma_start3A, %dma_start3A_22] : memref<4x128xi32, #tpu.memory_space<vmem>> -> memref<1x128xi32, #tpu.memory_space<vmem>>
    %dma_start3A_24 = tpu.memref_squeeze %dma_start3A_23 : memref<1x128xi32, #tpu.memory_space<vmem>> -> memref<128xi32, #tpu.memory_space<vmem>>
    %dma_start3A_25 = arith.constant 0 : i32
    %dma_start3A_26 = tpu.memref_slice %arg3[%add3A_12, %dma_start3A_25] : memref<2528x128xi32, #tpu.memory_space<hbm>> -> memref<1x128xi32, #tpu.memory_space<hbm>>
    %dma_start3A_27 = tpu.memref_squeeze %dma_start3A_26 : memref<1x128xi32, #tpu.memory_space<hbm>> -> memref<128xi32, #tpu.memory_space<hbm>>
    tpu.enqueue_dma source(%dma_start3A_27 : memref<128xi32, #tpu.memory_space<hbm>>) target(%dma_start3A_24 : memref<128xi32, #tpu.memory_space<vmem>>) target_semaphore(%dma_start3A_21 : memref<!tpu.dma_semaphore, #tpu.memory_space<semaphore_mem>>)
    %add3A_28 = arith.constant 0 : i32
    %add3A_29 = arith.addi %select_n3A_8, %add3A_28 : i32
    %dma_start3A_30 = arith.constant 0 : i32
    %dma_start3A_31 = arith.constant 0 : i32
    %dma_start3A_32 = arith.constant 0 : i32
    %dma_start3A_33 = tpu.memref_slice %arg8[%dma_start3A_30, %dma_start3A_32] : memref<4x128xi32, #tpu.memory_space<vmem>> -> memref<1x128xi32, #tpu.memory_space<vmem>>
    %dma_start3A_34 = tpu.memref_squeeze %dma_start3A_33 : memref<1x128xi32, #tpu.memory_space<vmem>> -> memref<128xi32, #tpu.memory_space<vmem>>
    %dma_start3A_35 = arith.constant 0 : i32
    %dma_start3A_36 = tpu.memref_slice %arg4[%add3A_29, %dma_start3A_35] : memref<2528x128xi32, #tpu.memory_space<hbm>> -> memref<1x128xi32, #tpu.memory_space<hbm>>
    %dma_start3A_37 = tpu.memref_squeeze %dma_start3A_36 : memref<1x128xi32, #tpu.memory_space<hbm>> -> memref<128xi32, #tpu.memory_space<hbm>>
    %dma_start3A_38 = tpu.memref_slice %arg11[%dma_start3A_31] : memref<4x!tpu.dma_semaphore, #tpu.memory_space<semaphore_mem>> -> memref<1x!tpu.dma_semaphore, #tpu.memory_space<semaphore_mem>>
    %dma_start3A_39 = tpu.memref_squeeze %dma_start3A_38 : memref<1x!tpu.dma_semaphore, #tpu.memory_space<semaphore_mem>> -> memref<!tpu.dma_semaphore, #tpu.memory_space<semaphore_mem>>
    %dma_start3A_40 = arith.constant 0 : i32
    %dma_start3A_41 = tpu.memref_slice %arg8[%dma_start3A_30, %dma_start3A_40] : memref<4x128xi32, #tpu.memory_space<vmem>> -> memref<1x128xi32, #tpu.memory_space<vmem>>
    %dma_start3A_42 = tpu.memref_squeeze %dma_start3A_41 : memref<1x128xi32, #tpu.memory_space<vmem>> -> memref<128xi32, #tpu.memory_space<vmem>>
    %dma_start3A_43 = arith.constant 0 : i32
    %dma_start3A_44 = tpu.memref_slice %arg4[%add3A_29, %dma_start3A_43] : memref<2528x128xi32, #tpu.memory_space<hbm>> -> memref<1x128xi32, #tpu.memory_space<hbm>>
    %dma_start3A_45 = tpu.memref_squeeze %dma_start3A_44 : memref<1x128xi32, #tpu.memory_space<hbm>> -> memref<128xi32, #tpu.memory_space<hbm>>
    tpu.enqueue_dma source(%dma_start3A_45 : memref<128xi32, #tpu.memory_space<hbm>>) target(%dma_start3A_42 : memref<128xi32, #tpu.memory_space<vmem>>) target_semaphore(%dma_start3A_39 : memref<!tpu.dma_semaphore, #tpu.memory_space<semaphore_mem>>)
    %add3A_46 = arith.constant 1 : i32
    %add3A_47 = arith.addi %select_n3A_8, %add3A_46 : i32
    %dma_start3A_48 = arith.constant 1 : i32
    %dma_start3A_49 = arith.constant 1 : i32
    %dma_start3A_50 = arith.constant 0 : i32
    %dma_start3A_51 = tpu.memref_slice %arg7[%dma_start3A_48, %dma_start3A_50] : memref<4x128xi32, #tpu.memory_space<vmem>> -> memref<1x128xi32, #tpu.memory_space<vmem>>
    %dma_start3A_52 = tpu.memref_squeeze %dma_start3A_51 : memref<1x128xi32, #tpu.memory_space<vmem>> -> memref<128xi32, #tpu.memory_space<vmem>>
    %dma_start3A_53 = arith.constant 0 : i32
    %dma_start3A_54 = tpu.memref_slice %arg3[%add3A_47, %dma_start3A_53] : memref<2528x128xi32, #tpu.memory_space<hbm>> -> memref<1x128xi32, #tpu.memory_space<hbm>>
    %dma_start3A_55 = tpu.memref_squeeze %dma_start3A_54 : memref<1x128xi32, #tpu.memory_space<hbm>> -> memref<128xi32, #tpu.memory_space<hbm>>
    %dma_start3A_56 = tpu.memref_slice %arg11[%dma_start3A_49] : memref<4x!tpu.dma_semaphore, #tpu.memory_space<semaphore_mem>> -> memref<1x!tpu.dma_semaphore, #tpu.memory_space<semaphore_mem>>
    %dma_start3A_57 = tpu.memref_squeeze %dma_start3A_56 : memref<1x!tpu.dma_semaphore, #tpu.memory_space<semaphore_mem>> -> memref<!tpu.dma_semaphore, #tpu.memory_space<semaphore_mem>>
    %dma_start3A_58 = arith.constant 0 : i32
    %dma_start3A_59 = tpu.memref_slice %arg7[%dma_start3A_48, %dma_start3A_58] : memref<4x128xi32, #tpu.memory_space<vmem>> -> memref<1x128xi32, #tpu.memory_space<vmem>>
    %dma_start3A_60 = tpu.memref_squeeze %dma_start3A_59 : memref<1x128xi32, #tpu.memory_space<vmem>> -> memref<128xi32, #tpu.memory_space<vmem>>
    %dma_start3A_61 = arith.constant 0 : i32
    %dma_start3A_62 = tpu.memref_slice %arg3[%add3A_47, %dma_start3A_61] : memref<2528x128xi32, #tpu.memory_space<hbm>> -> memref<1x128xi32, #tpu.memory_space<hbm>>
    %dma_start3A_63 = tpu.memref_squeeze %dma_start3A_62 : memref<1x128xi32, #tpu.memory_space<hbm>> -> memref<128xi32, #tpu.memory_space<hbm>>
    tpu.enqueue_dma source(%dma_start3A_63 : memref<128xi32, #tpu.memory_space<hbm>>) target(%dma_start3A_60 : memref<128xi32, #tpu.memory_space<vmem>>) target_semaphore(%dma_start3A_57 : memref<!tpu.dma_semaphore, #tpu.memory_space<semaphore_mem>>)
    %add3A_64 = arith.constant 1 : i32
    %add3A_65 = arith.addi %select_n3A_8, %add3A_64 : i32
    %dma_start3A_66 = arith.constant 1 : i32
    %dma_start3A_67 = arith.constant 1 : i32
    %dma_start3A_68 = arith.constant 0 : i32
    %dma_start3A_69 = tpu.memref_slice %arg8[%dma_start3A_66, %dma_start3A_68] : memref<4x128xi32, #tpu.memory_space<vmem>> -> memref<1x128xi32, #tpu.memory_space<vmem>>
    %dma_start3A_70 = tpu.memref_squeeze %dma_start3A_69 : memref<1x128xi32, #tpu.memory_space<vmem>> -> memref<128xi32, #tpu.memory_space<vmem>>
    %dma_start3A_71 = arith.constant 0 : i32
    %dma_start3A_72 = tpu.memref_slice %arg4[%add3A_65, %dma_start3A_71] : memref<2528x128xi32, #tpu.memory_space<hbm>> -> memref<1x128xi32, #tpu.memory_space<hbm>>
    %dma_start3A_73 = tpu.memref_squeeze %dma_start3A_72 : memref<1x128xi32, #tpu.memory_space<hbm>> -> memref<128xi32, #tpu.memory_space<hbm>>
    %dma_start3A_74 = tpu.memref_slice %arg11[%dma_start3A_67] : memref<4x!tpu.dma_semaphore, #tpu.memory_space<semaphore_mem>> -> memref<1x!tpu.dma_semaphore, #tpu.memory_space<semaphore_mem>>
    %dma_start3A_75 = tpu.memref_squeeze %dma_start3A_74 : memref<1x!tpu.dma_semaphore, #tpu.memory_space<semaphore_mem>> -> memref<!tpu.dma_semaphore, #tpu.memory_space<semaphore_mem>>
    %dma_start3A_76 = arith.constant 0 : i32
    %dma_start3A_77 = tpu.memref_slice %arg8[%dma_start3A_66, %dma_start3A_76] : memref<4x128xi32, #tpu.memory_space<vmem>> -> memref<1x128xi32, #tpu.memory_space<vmem>>
    %dma_start3A_78 = tpu.memref_squeeze %dma_start3A_77 : memref<1x128xi32, #tpu.memory_space<vmem>> -> memref<128xi32, #tpu.memory_space<vmem>>
    %dma_start3A_79 = arith.constant 0 : i32
    %dma_start3A_80 = tpu.memref_slice %arg4[%add3A_65, %dma_start3A_79] : memref<2528x128xi32, #tpu.memory_space<hbm>> -> memref<1x128xi32, #tpu.memory_space<hbm>>
    %dma_start3A_81 = tpu.memref_squeeze %dma_start3A_80 : memref<1x128xi32, #tpu.memory_space<hbm>> -> memref<128xi32, #tpu.memory_space<hbm>>
    tpu.enqueue_dma source(%dma_start3A_81 : memref<128xi32, #tpu.memory_space<hbm>>) target(%dma_start3A_78 : memref<128xi32, #tpu.memory_space<vmem>>) target_semaphore(%dma_start3A_75 : memref<!tpu.dma_semaphore, #tpu.memory_space<semaphore_mem>>)
    %add3A_82 = arith.constant 2 : i32
    %add3A_83 = arith.addi %select_n3A_8, %add3A_82 : i32
    %dma_start3A_84 = arith.constant 2 : i32
    %dma_start3A_85 = arith.constant 2 : i32
    %dma_start3A_86 = arith.constant 0 : i32
    %dma_start3A_87 = tpu.memref_slice %arg7[%dma_start3A_84, %dma_start3A_86] : memref<4x128xi32, #tpu.memory_space<vmem>> -> memref<1x128xi32, #tpu.memory_space<vmem>>
    %dma_start3A_88 = tpu.memref_squeeze %dma_start3A_87 : memref<1x128xi32, #tpu.memory_space<vmem>> -> memref<128xi32, #tpu.memory_space<vmem>>
    %dma_start3A_89 = arith.constant 0 : i32
    %dma_start3A_90 = tpu.memref_slice %arg3[%add3A_83, %dma_start3A_89] : memref<2528x128xi32, #tpu.memory_space<hbm>> -> memref<1x128xi32, #tpu.memory_space<hbm>>
    %dma_start3A_91 = tpu.memref_squeeze %dma_start3A_90 : memref<1x128xi32, #tpu.memory_space<hbm>> -> memref<128xi32, #tpu.memory_space<hbm>>
    %dma_start3A_92 = tpu.memref_slice %arg11[%dma_start3A_85] : memref<4x!tpu.dma_semaphore, #tpu.memory_space<semaphore_mem>> -> memref<1x!tpu.dma_semaphore, #tpu.memory_space<semaphore_mem>>
    %dma_start3A_93 = tpu.memref_squeeze %dma_start3A_92 : memref<1x!tpu.dma_semaphore, #tpu.memory_space<semaphore_mem>> -> memref<!tpu.dma_semaphore, #tpu.memory_space<semaphore_mem>>
    %dma_start3A_94 = arith.constant 0 : i32
    %dma_start3A_95 = tpu.memref_slice %arg7[%dma_start3A_84, %dma_start3A_94] : memref<4x128xi32, #tpu.memory_space<vmem>> -> memref<1x128xi32, #tpu.memory_space<vmem>>
    %dma_start3A_96 = tpu.memref_squeeze %dma_start3A_95 : memref<1x128xi32, #tpu.memory_space<vmem>> -> memref<128xi32, #tpu.memory_space<vmem>>
    %dma_start3A_97 = arith.constant 0 : i32
    %dma_start3A_98 = tpu.memref_slice %arg3[%add3A_83, %dma_start3A_97] : memref<2528x128xi32, #tpu.memory_space<hbm>> -> memref<1x128xi32, #tpu.memory_space<hbm>>
    %dma_start3A_99 = tpu.memref_squeeze %dma_start3A_98 : memref<1x128xi32, #tpu.memory_space<hbm>> -> memref<128xi32, #tpu.memory_space<hbm>>
    tpu.enqueue_dma source(%dma_start3A_99 : memref<128xi32, #tpu.memory_space<hbm>>) target(%dma_start3A_96 : memref<128xi32, #tpu.memory_space<vmem>>) target_semaphore(%dma_start3A_93 : memref<!tpu.dma_semaphore, #tpu.memory_space<semaphore_mem>>)
    %add3A_100 = arith.constant 2 : i32
    %add3A_101 = arith.addi %select_n3A_8, %add3A_100 : i32
    %dma_start3A_102 = arith.constant 2 : i32
    %dma_start3A_103 = arith.constant 2 : i32
    %dma_start3A_104 = arith.constant 0 : i32
    %dma_start3A_105 = tpu.memref_slice %arg8[%dma_start3A_102, %dma_start3A_104] : memref<4x128xi32, #tpu.memory_space<vmem>> -> memref<1x128xi32, #tpu.memory_space<vmem>>
    %dma_start3A_106 = tpu.memref_squeeze %dma_start3A_105 : memref<1x128xi32, #tpu.memory_space<vmem>> -> memref<128xi32, #tpu.memory_space<vmem>>
    %dma_start3A_107 = arith.constant 0 : i32
    %dma_start3A_108 = tpu.memref_slice %arg4[%add3A_101, %dma_start3A_107] : memref<2528x128xi32, #tpu.memory_space<hbm>> -> memref<1x128xi32, #tpu.memory_space<hbm>>
    %dma_start3A_109 = tpu.memref_squeeze %dma_start3A_108 : memref<1x128xi32, #tpu.memory_space<hbm>> -> memref<128xi32, #tpu.memory_space<hbm>>
    %dma_start3A_110 = tpu.memref_slice %arg11[%dma_start3A_103] : memref<4x!tpu.dma_semaphore, #tpu.memory_space<semaphore_mem>> -> memref<1x!tpu.dma_semaphore, #tpu.memory_space<semaphore_mem>>
    %dma_start3A_111 = tpu.memref_squeeze %dma_start3A_110 : memref<1x!tpu.dma_semaphore, #tpu.memory_space<semaphore_mem>> -> memref<!tpu.dma_semaphore, #tpu.memory_space<semaphore_mem>>
    %dma_start3A_112 = arith.constant 0 : i32
    %dma_start3A_113 = tpu.memref_slice %arg8[%dma_start3A_102, %dma_start3A_112] : memref<4x128xi32, #tpu.memory_space<vmem>> -> memref<1x128xi32, #tpu.memory_space<vmem>>
    %dma_start3A_114 = tpu.memref_squeeze %dma_start3A_113 : memref<1x128xi32, #tpu.memory_space<vmem>> -> memref<128xi32, #tpu.memory_space<vmem>>
    %dma_start3A_115 = arith.constant 0 : i32
    %dma_start3A_116 = tpu.memref_slice %arg4[%add3A_101, %dma_start3A_115] : memref<2528x128xi32, #tpu.memory_space<hbm>> -> memref<1x128xi32, #tpu.memory_space<hbm>>
    %dma_start3A_117 = tpu.memref_squeeze %dma_start3A_116 : memref<1x128xi32, #tpu.memory_space<hbm>> -> memref<128xi32, #tpu.memory_space<hbm>>
    tpu.enqueue_dma source(%dma_start3A_117 : memref<128xi32, #tpu.memory_space<hbm>>) target(%dma_start3A_114 : memref<128xi32, #tpu.memory_space<vmem>>) target_semaphore(%dma_start3A_111 : memref<!tpu.dma_semaphore, #tpu.memory_space<semaphore_mem>>)
    %barrier3A = arith.constant 0 : index
    tpu.barrier barrier_id(%barrier3A)
    %add3A_118 = arith.constant 0 : i32
    %add3A_119 = arith.addi %select_n3A_8, %add3A_118 : i32
    %dma_wait3A = arith.constant 0 : i32
    %dma_wait3A_120 = arith.constant 0 : i32
    %dma_wait3A_121 = arith.constant 0 : i32
    %dma_wait3A_122 = tpu.memref_slice %arg7[%dma_wait3A, %dma_wait3A_121] : memref<4x128xi32, #tpu.memory_space<vmem>> -> memref<1x128xi32, #tpu.memory_space<vmem>>
    %dma_wait3A_123 = tpu.memref_squeeze %dma_wait3A_122 : memref<1x128xi32, #tpu.memory_space<vmem>> -> memref<128xi32, #tpu.memory_space<vmem>>
    %dma_wait3A_124 = arith.constant 0 : i32
    %dma_wait3A_125 = tpu.memref_slice %arg3[%add3A_119, %dma_wait3A_124] : memref<2528x128xi32, #tpu.memory_space<hbm>> -> memref<1x128xi32, #tpu.memory_space<hbm>>
    %dma_wait3A_126 = tpu.memref_squeeze %dma_wait3A_125 : memref<1x128xi32, #tpu.memory_space<hbm>> -> memref<128xi32, #tpu.memory_space<hbm>>
    %dma_wait3A_127 = tpu.memref_slice %arg11[%dma_wait3A_120] : memref<4x!tpu.dma_semaphore, #tpu.memory_space<semaphore_mem>> -> memref<1x!tpu.dma_semaphore, #tpu.memory_space<semaphore_mem>>
    %dma_wait3A_128 = tpu.memref_squeeze %dma_wait3A_127 : memref<1x!tpu.dma_semaphore, #tpu.memory_space<semaphore_mem>> -> memref<!tpu.dma_semaphore, #tpu.memory_space<semaphore_mem>>
    %dma_wait3A_129 = arith.constant 0 : i32
    %dma_wait3A_130 = tpu.memref_slice %arg7[%dma_wait3A, %dma_wait3A_129] : memref<4x128xi32, #tpu.memory_space<vmem>> -> memref<1x128xi32, #tpu.memory_space<vmem>>
    %dma_wait3A_131 = tpu.memref_squeeze %dma_wait3A_130 : memref<1x128xi32, #tpu.memory_space<vmem>> -> memref<128xi32, #tpu.memory_space<vmem>>
    %dma_wait3A_132 = arith.constant 0 : i32
    %dma_wait3A_133 = tpu.memref_slice %arg3[%add3A_119, %dma_wait3A_132] : memref<2528x128xi32, #tpu.memory_space<hbm>> -> memref<1x128xi32, #tpu.memory_space<hbm>>
    %dma_wait3A_134 = tpu.memref_squeeze %dma_wait3A_133 : memref<1x128xi32, #tpu.memory_space<hbm>> -> memref<128xi32, #tpu.memory_space<hbm>>
    tpu.wait_dma2 semaphore(%dma_wait3A_128 : memref<!tpu.dma_semaphore, #tpu.memory_space<semaphore_mem>>) src(%dma_wait3A_134 : memref<128xi32, #tpu.memory_space<hbm>>) dst(%dma_wait3A_131 : memref<128xi32, #tpu.memory_space<vmem>>)
    %add3A_135 = arith.constant 0 : i32
    %add3A_136 = arith.addi %select_n3A_8, %add3A_135 : i32
    %dma_wait3A_137 = arith.constant 0 : i32
    %dma_wait3A_138 = arith.constant 0 : i32
    %dma_wait3A_139 = arith.constant 0 : i32
    %dma_wait3A_140 = tpu.memref_slice %arg8[%dma_wait3A_137, %dma_wait3A_139] : memref<4x128xi32, #tpu.memory_space<vmem>> -> memref<1x128xi32, #tpu.memory_space<vmem>>
    %dma_wait3A_141 = tpu.memref_squeeze %dma_wait3A_140 : memref<1x128xi32, #tpu.memory_space<vmem>> -> memref<128xi32, #tpu.memory_space<vmem>>
    %dma_wait3A_142 = arith.constant 0 : i32
    %dma_wait3A_143 = tpu.memref_slice %arg4[%add3A_136, %dma_wait3A_142] : memref<2528x128xi32, #tpu.memory_space<hbm>> -> memref<1x128xi32, #tpu.memory_space<hbm>>
    %dma_wait3A_144 = tpu.memref_squeeze %dma_wait3A_143 : memref<1x128xi32, #tpu.memory_space<hbm>> -> memref<128xi32, #tpu.memory_space<hbm>>
    %dma_wait3A_145 = tpu.memref_slice %arg11[%dma_wait3A_138] : memref<4x!tpu.dma_semaphore, #tpu.memory_space<semaphore_mem>> -> memref<1x!tpu.dma_semaphore, #tpu.memory_space<semaphore_mem>>
    %dma_wait3A_146 = tpu.memref_squeeze %dma_wait3A_145 : memref<1x!tpu.dma_semaphore, #tpu.memory_space<semaphore_mem>> -> memref<!tpu.dma_semaphore, #tpu.memory_space<semaphore_mem>>
    %dma_wait3A_147 = arith.constant 0 : i32
    %dma_wait3A_148 = tpu.memref_slice %arg8[%dma_wait3A_137, %dma_wait3A_147] : memref<4x128xi32, #tpu.memory_space<vmem>> -> memref<1x128xi32, #tpu.memory_space<vmem>>
    %dma_wait3A_149 = tpu.memref_squeeze %dma_wait3A_148 : memref<1x128xi32, #tpu.memory_space<vmem>> -> memref<128xi32, #tpu.memory_space<vmem>>
    %dma_wait3A_150 = arith.constant 0 : i32
    %dma_wait3A_151 = tpu.memref_slice %arg4[%add3A_136, %dma_wait3A_150] : memref<2528x128xi32, #tpu.memory_space<hbm>> -> memref<1x128xi32, #tpu.memory_space<hbm>>
    %dma_wait3A_152 = tpu.memref_squeeze %dma_wait3A_151 : memref<1x128xi32, #tpu.memory_space<hbm>> -> memref<128xi32, #tpu.memory_space<hbm>>
    tpu.wait_dma2 semaphore(%dma_wait3A_146 : memref<!tpu.dma_semaphore, #tpu.memory_space<semaphore_mem>>) src(%dma_wait3A_152 : memref<128xi32, #tpu.memory_space<hbm>>) dst(%dma_wait3A_149 : memref<128xi32, #tpu.memory_space<vmem>>)
    %dma_start3A_153 = arith.constant 0 : i32
    %dma_start3A_154 = arith.constant 0 : i32
    %dma_start3A_155 = arith.constant 0 : i32
    %dma_start3A_156 = arith.constant 0 : i32
    %dma_start3A_157 = arith.constant 0 : i32
    %dma_start3A_158 = tpu.memref_slice %arg9[%dma_start3A_154, %dma_start3A_156, %dma_start3A_157] : memref<2x128x128xf32, #tpu.memory_space<vmem>> -> memref<1x128x128xf32, #tpu.memory_space<vmem>>
    %dma_start3A_159 = tpu.memref_squeeze %dma_start3A_158 : memref<1x128x128xf32, #tpu.memory_space<vmem>> -> memref<128x128xf32, #tpu.memory_space<vmem>>
    %dma_start3A_160 = arith.constant 0 : i32
    %dma_start3A_161 = tpu.memref_slice %arg7[%dma_start3A_153, %dma_start3A_160] : memref<4x128xi32, #tpu.memory_space<vmem>> -> memref<1x128xi32, #tpu.memory_space<vmem>>
    %dma_start3A_162 = tpu.memref_squeeze %dma_start3A_161 : memref<1x128xi32, #tpu.memory_space<vmem>> -> memref<128xi32, #tpu.memory_space<vmem>>
    %dma_start3A_163 = arith.constant 0 : i32
    %dma_start3A_164 = arith.constant 0 : i32
    %dma_start3A_165 = tpu.memref_slice %arg2[%dma_start3A_163, %dma_start3A_164] : memref<10112x128xf32, #tpu.memory_space<hbm>> -> memref<10112x128xf32, #tpu.memory_space<hbm>>
    %dma_start3A_166 = tpu.memref_slice %arg12[%dma_start3A_155] : memref<2x!tpu.dma_semaphore, #tpu.memory_space<semaphore_mem>> -> memref<1x!tpu.dma_semaphore, #tpu.memory_space<semaphore_mem>>
    %dma_start3A_167 = tpu.memref_squeeze %dma_start3A_166 : memref<1x!tpu.dma_semaphore, #tpu.memory_space<semaphore_mem>> -> memref<!tpu.dma_semaphore, #tpu.memory_space<semaphore_mem>>
    tpu.enqueue_indirect_dma source(%dma_start3A_165 : memref<10112x128xf32, #tpu.memory_space<hbm>>) target(%dma_start3A_159 : memref<128x128xf32, #tpu.memory_space<vmem>>) offsets(%dma_start3A_162 : memref<128xi32, #tpu.memory_space<vmem>>) semaphore(%dma_start3A_167 : memref<!tpu.dma_semaphore, #tpu.memory_space<semaphore_mem>>)
    %scan3A = arith.constant 0 : i32
    %scan3A_168 = arith.constant 0 : i32
    %scan3A_169 = arith.constant 114 : i32
    %scan3A_170 = arith.addi %scan3A_168, %scan3A_169 : i32
    %scan3A_171 = arith.constant 1 : i32
    scf.for %scan3A_212 = %scan3A_168 to %scan3A_170 step %scan3A_171  : i32 {
      %rem3A_213 = arith.constant 2 : i32
      %rem3A_214 = arith.remsi %scan3A_212, %rem3A_213 : i32
      %sub3A_215 = arith.constant 1 : i32
      %sub3A_216 = arith.subi %sub3A_215, %rem3A_214 : i32
      %add3A_217 = arith.constant 1 : i32
      %add3A_218 = arith.addi %scan3A_212, %add3A_217 : i32
      %rem3A_219 = arith.constant 4 : i32
      %rem3A_220 = arith.remsi %add3A_218, %rem3A_219 : i32
      %add3A_221 = arith.constant 3 : i32
      %add3A_222 = arith.addi %scan3A_212, %add3A_221 : i32
      %rem3A_223 = arith.constant 4 : i32
      %rem3A_224 = arith.remsi %add3A_222, %rem3A_223 : i32
      %add3A_225 = arith.constant 1 : i32
      %add3A_226 = arith.addi %scan3A_212, %add3A_225 : i32
      %lt3A = arith.cmpi slt, %add3A_226, %select_n3A : i32
      %convert_element_type3A = arith.extui %lt3A : i1 to i32
      %cond3A = arith.constant 0 : i32
      %cond3A_227 = arith.cmpi ne, %convert_element_type3A, %cond3A : i32
      scf.if %cond3A_227 {
        %add3A_238 = arith.constant 1 : i32
        %add3A_239 = arith.addi %scan3A_212, %add3A_238 : i32
        %add3A_240 = arith.addi %select_n3A_8, %add3A_239 : i32
        %dma_wait3A_241 = arith.constant 0 : i32
        %dma_wait3A_242 = tpu.memref_slice %arg7[%rem3A_220, %dma_wait3A_241] : memref<4x128xi32, #tpu.memory_space<vmem>> -> memref<1x128xi32, #tpu.memory_space<vmem>>
        %dma_wait3A_243 = tpu.memref_squeeze %dma_wait3A_242 : memref<1x128xi32, #tpu.memory_space<vmem>> -> memref<128xi32, #tpu.memory_space<vmem>>
        %dma_wait3A_244 = arith.constant 0 : i32
        %dma_wait3A_245 = tpu.memref_slice %arg3[%add3A_240, %dma_wait3A_244] : memref<2528x128xi32, #tpu.memory_space<hbm>> -> memref<1x128xi32, #tpu.memory_space<hbm>>
        %dma_wait3A_246 = tpu.memref_squeeze %dma_wait3A_245 : memref<1x128xi32, #tpu.memory_space<hbm>> -> memref<128xi32, #tpu.memory_space<hbm>>
        %dma_wait3A_247 = tpu.memref_slice %arg11[%rem3A_220] : memref<4x!tpu.dma_semaphore, #tpu.memory_space<semaphore_mem>> -> memref<1x!tpu.dma_semaphore, #tpu.memory_space<semaphore_mem>>
        %dma_wait3A_248 = tpu.memref_squeeze %dma_wait3A_247 : memref<1x!tpu.dma_semaphore, #tpu.memory_space<semaphore_mem>> -> memref<!tpu.dma_semaphore, #tpu.memory_space<semaphore_mem>>
        %dma_wait3A_249 = arith.constant 0 : i32
        %dma_wait3A_250 = tpu.memref_slice %arg7[%rem3A_220, %dma_wait3A_249] : memref<4x128xi32, #tpu.memory_space<vmem>> -> memref<1x128xi32, #tpu.memory_space<vmem>>
        %dma_wait3A_251 = tpu.memref_squeeze %dma_wait3A_250 : memref<1x128xi32, #tpu.memory_space<vmem>> -> memref<128xi32, #tpu.memory_space<vmem>>
        %dma_wait3A_252 = arith.constant 0 : i32
        %dma_wait3A_253 = tpu.memref_slice %arg3[%add3A_240, %dma_wait3A_252] : memref<2528x128xi32, #tpu.memory_space<hbm>> -> memref<1x128xi32, #tpu.memory_space<hbm>>
        %dma_wait3A_254 = tpu.memref_squeeze %dma_wait3A_253 : memref<1x128xi32, #tpu.memory_space<hbm>> -> memref<128xi32, #tpu.memory_space<hbm>>
        tpu.wait_dma2 semaphore(%dma_wait3A_248 : memref<!tpu.dma_semaphore, #tpu.memory_space<semaphore_mem>>) src(%dma_wait3A_254 : memref<128xi32, #tpu.memory_space<hbm>>) dst(%dma_wait3A_251 : memref<128xi32, #tpu.memory_space<vmem>>)
        %add3A_255 = arith.addi %select_n3A_8, %add3A_239 : i32
        %dma_wait3A_256 = arith.constant 0 : i32
        %dma_wait3A_257 = tpu.memref_slice %arg8[%rem3A_220, %dma_wait3A_256] : memref<4x128xi32, #tpu.memory_space<vmem>> -> memref<1x128xi32, #tpu.memory_space<vmem>>
        %dma_wait3A_258 = tpu.memref_squeeze %dma_wait3A_257 : memref<1x128xi32, #tpu.memory_space<vmem>> -> memref<128xi32, #tpu.memory_space<vmem>>
        %dma_wait3A_259 = arith.constant 0 : i32
        %dma_wait3A_260 = tpu.memref_slice %arg4[%add3A_255, %dma_wait3A_259] : memref<2528x128xi32, #tpu.memory_space<hbm>> -> memref<1x128xi32, #tpu.memory_space<hbm>>
        %dma_wait3A_261 = tpu.memref_squeeze %dma_wait3A_260 : memref<1x128xi32, #tpu.memory_space<hbm>> -> memref<128xi32, #tpu.memory_space<hbm>>
        %dma_wait3A_262 = tpu.memref_slice %arg11[%rem3A_220] : memref<4x!tpu.dma_semaphore, #tpu.memory_space<semaphore_mem>> -> memref<1x!tpu.dma_semaphore, #tpu.memory_space<semaphore_mem>>
        %dma_wait3A_263 = tpu.memref_squeeze %dma_wait3A_262 : memref<1x!tpu.dma_semaphore, #tpu.memory_space<semaphore_mem>> -> memref<!tpu.dma_semaphore, #tpu.memory_space<semaphore_mem>>
        %dma_wait3A_264 = arith.constant 0 : i32
        %dma_wait3A_265 = tpu.memref_slice %arg8[%rem3A_220, %dma_wait3A_264] : memref<4x128xi32, #tpu.memory_space<vmem>> -> memref<1x128xi32, #tpu.memory_space<vmem>>
        %dma_wait3A_266 = tpu.memref_squeeze %dma_wait3A_265 : memref<1x128xi32, #tpu.memory_space<vmem>> -> memref<128xi32, #tpu.memory_space<vmem>>
        %dma_wait3A_267 = arith.constant 0 : i32
        %dma_wait3A_268 = tpu.memref_slice %arg4[%add3A_255, %dma_wait3A_267] : memref<2528x128xi32, #tpu.memory_space<hbm>> -> memref<1x128xi32, #tpu.memory_space<hbm>>
        %dma_wait3A_269 = tpu.memref_squeeze %dma_wait3A_268 : memref<1x128xi32, #tpu.memory_space<hbm>> -> memref<128xi32, #tpu.memory_space<hbm>>
        tpu.wait_dma2 semaphore(%dma_wait3A_263 : memref<!tpu.dma_semaphore, #tpu.memory_space<semaphore_mem>>) src(%dma_wait3A_269 : memref<128xi32, #tpu.memory_space<hbm>>) dst(%dma_wait3A_266 : memref<128xi32, #tpu.memory_space<vmem>>)
        %ge3A = arith.constant 1 : i32
        %ge3A_270 = arith.cmpi sge, %scan3A_212, %ge3A : i32
        %convert_element_type3A_271 = arith.extui %ge3A_270 : i1 to i32
        %cond3A_272 = arith.constant 0 : i32
        %cond3A_273 = arith.cmpi ne, %convert_element_type3A_271, %cond3A_272 : i32
        scf.if %cond3A_273 {
          %add3A_286 = arith.constant 3 : i32
          %add3A_287 = arith.addi %scan3A_212, %add3A_286 : i32
          %rem3A_288 = arith.constant 4 : i32
          %rem3A_289 = arith.remsi %add3A_287, %rem3A_288 : i32
          %dma_wait3A_290 = arith.constant 0 : i32
          %dma_wait3A_291 = arith.constant 0 : i32
          %dma_wait3A_292 = tpu.memref_slice %arg9[%sub3A_216, %dma_wait3A_290, %dma_wait3A_291] : memref<2x128x128xf32, #tpu.memory_space<vmem>> -> memref<1x128x128xf32, #tpu.memory_space<vmem>>
          %dma_wait3A_293 = tpu.memref_squeeze %dma_wait3A_292 : memref<1x128x128xf32, #tpu.memory_space<vmem>> -> memref<128x128xf32, #tpu.memory_space<vmem>>
          %dma_wait3A_294 = arith.constant 0 : i32
          %dma_wait3A_295 = tpu.memref_slice %arg8[%rem3A_289, %dma_wait3A_294] : memref<4x128xi32, #tpu.memory_space<vmem>> -> memref<1x128xi32, #tpu.memory_space<vmem>>
          %dma_wait3A_296 = tpu.memref_squeeze %dma_wait3A_295 : memref<1x128xi32, #tpu.memory_space<vmem>> -> memref<128xi32, #tpu.memory_space<vmem>>
          %dma_wait3A_297 = arith.constant 0 : i32
          %dma_wait3A_298 = arith.constant 0 : i32
          %dma_wait3A_299 = tpu.memref_slice %arg10[%dma_wait3A_297, %dma_wait3A_298] : memref<10112x128xf32, #tpu.memory_space<vmem_shared>> -> memref<10112x128xf32, #tpu.memory_space<vmem_shared>>
          %dma_wait3A_300 = tpu.memref_slice %arg13[%sub3A_216] : memref<2x!tpu.dma_semaphore, #tpu.memory_space<semaphore_mem>> -> memref<1x!tpu.dma_semaphore, #tpu.memory_space<semaphore_mem>>
          %dma_wait3A_301 = tpu.memref_squeeze %dma_wait3A_300 : memref<1x!tpu.dma_semaphore, #tpu.memory_space<semaphore_mem>> -> memref<!tpu.dma_semaphore, #tpu.memory_space<semaphore_mem>>
          tpu.wait_indirect_dma semaphore(%dma_wait3A_301 : memref<!tpu.dma_semaphore, #tpu.memory_space<semaphore_mem>>) src(%dma_wait3A_293 : memref<128x128xf32, #tpu.memory_space<vmem>>) dst(%dma_wait3A_299 : memref<10112x128xf32, #tpu.memory_space<vmem_shared>>)
        } else {
        }
        %dma_start3A_274 = arith.constant 0 : i32
        %dma_start3A_275 = arith.constant 0 : i32
        %dma_start3A_276 = tpu.memref_slice %arg9[%sub3A_216, %dma_start3A_274, %dma_start3A_275] : memref<2x128x128xf32, #tpu.memory_space<vmem>> -> memref<1x128x128xf32, #tpu.memory_space<vmem>>
        %dma_start3A_277 = tpu.memref_squeeze %dma_start3A_276 : memref<1x128x128xf32, #tpu.memory_space<vmem>> -> memref<128x128xf32, #tpu.memory_space<vmem>>
        %dma_start3A_278 = arith.constant 0 : i32
        %dma_start3A_279 = tpu.memref_slice %arg7[%rem3A_220, %dma_start3A_278] : memref<4x128xi32, #tpu.memory_space<vmem>> -> memref<1x128xi32, #tpu.memory_space<vmem>>
        %dma_start3A_280 = tpu.memref_squeeze %dma_start3A_279 : memref<1x128xi32, #tpu.memory_space<vmem>> -> memref<128xi32, #tpu.memory_space<vmem>>
        %dma_start3A_281 = arith.constant 0 : i32
        %dma_start3A_282 = arith.constant 0 : i32
        %dma_start3A_283 = tpu.memref_slice %arg2[%dma_start3A_281, %dma_start3A_282] : memref<10112x128xf32, #tpu.memory_space<hbm>> -> memref<10112x128xf32, #tpu.memory_space<hbm>>
        %dma_start3A_284 = tpu.memref_slice %arg12[%sub3A_216] : memref<2x!tpu.dma_semaphore, #tpu.memory_space<semaphore_mem>> -> memref<1x!tpu.dma_semaphore, #tpu.memory_space<semaphore_mem>>
        %dma_start3A_285 = tpu.memref_squeeze %dma_start3A_284 : memref<1x!tpu.dma_semaphore, #tpu.memory_space<semaphore_mem>> -> memref<!tpu.dma_semaphore, #tpu.memory_space<semaphore_mem>>
        tpu.enqueue_indirect_dma source(%dma_start3A_283 : memref<10112x128xf32, #tpu.memory_space<hbm>>) target(%dma_start3A_277 : memref<128x128xf32, #tpu.memory_space<vmem>>) offsets(%dma_start3A_280 : memref<128xi32, #tpu.memory_space<vmem>>) semaphore(%dma_start3A_285 : memref<!tpu.dma_semaphore, #tpu.memory_space<semaphore_mem>>)
      } else {
      }
      %add3A_228 = arith.constant 3 : i32
      %add3A_229 = arith.addi %scan3A_212, %add3A_228 : i32
      %lt3A_230 = arith.cmpi slt, %add3A_229, %select_n3A : i32
      %convert_element_type3A_231 = arith.extui %lt3A_230 : i1 to i32
      %cond3A_232 = arith.constant 0 : i32
      %cond3A_233 = arith.cmpi ne, %convert_element_type3A_231, %cond3A_232 : i32
      scf.if %cond3A_233 {
        %add3A_238 = arith.constant 3 : i32
        %add3A_239 = arith.addi %scan3A_212, %add3A_238 : i32
        %add3A_240 = arith.addi %select_n3A_8, %add3A_239 : i32
        %dma_start3A_241 = arith.constant 0 : i32
        %dma_start3A_242 = tpu.memref_slice %arg7[%rem3A_224, %dma_start3A_241] : memref<4x128xi32, #tpu.memory_space<vmem>> -> memref<1x128xi32, #tpu.memory_space<vmem>>
        %dma_start3A_243 = tpu.memref_squeeze %dma_start3A_242 : memref<1x128xi32, #tpu.memory_space<vmem>> -> memref<128xi32, #tpu.memory_space<vmem>>
        %dma_start3A_244 = arith.constant 0 : i32
        %dma_start3A_245 = tpu.memref_slice %arg3[%add3A_240, %dma_start3A_244] : memref<2528x128xi32, #tpu.memory_space<hbm>> -> memref<1x128xi32, #tpu.memory_space<hbm>>
        %dma_start3A_246 = tpu.memref_squeeze %dma_start3A_245 : memref<1x128xi32, #tpu.memory_space<hbm>> -> memref<128xi32, #tpu.memory_space<hbm>>
        %dma_start3A_247 = tpu.memref_slice %arg11[%rem3A_224] : memref<4x!tpu.dma_semaphore, #tpu.memory_space<semaphore_mem>> -> memref<1x!tpu.dma_semaphore, #tpu.memory_space<semaphore_mem>>
        %dma_start3A_248 = tpu.memref_squeeze %dma_start3A_247 : memref<1x!tpu.dma_semaphore, #tpu.memory_space<semaphore_mem>> -> memref<!tpu.dma_semaphore, #tpu.memory_space<semaphore_mem>>
        %dma_start3A_249 = arith.constant 0 : i32
        %dma_start3A_250 = tpu.memref_slice %arg7[%rem3A_224, %dma_start3A_249] : memref<4x128xi32, #tpu.memory_space<vmem>> -> memref<1x128xi32, #tpu.memory_space<vmem>>
        %dma_start3A_251 = tpu.memref_squeeze %dma_start3A_250 : memref<1x128xi32, #tpu.memory_space<vmem>> -> memref<128xi32, #tpu.memory_space<vmem>>
        %dma_start3A_252 = arith.constant 0 : i32
        %dma_start3A_253 = tpu.memref_slice %arg3[%add3A_240, %dma_start3A_252] : memref<2528x128xi32, #tpu.memory_space<hbm>> -> memref<1x128xi32, #tpu.memory_space<hbm>>
        %dma_start3A_254 = tpu.memref_squeeze %dma_start3A_253 : memref<1x128xi32, #tpu.memory_space<hbm>> -> memref<128xi32, #tpu.memory_space<hbm>>
        tpu.enqueue_dma source(%dma_start3A_254 : memref<128xi32, #tpu.memory_space<hbm>>) target(%dma_start3A_251 : memref<128xi32, #tpu.memory_space<vmem>>) target_semaphore(%dma_start3A_248 : memref<!tpu.dma_semaphore, #tpu.memory_space<semaphore_mem>>)
        %add3A_255 = arith.addi %select_n3A_8, %add3A_239 : i32
        %dma_start3A_256 = arith.constant 0 : i32
        %dma_start3A_257 = tpu.memref_slice %arg8[%rem3A_224, %dma_start3A_256] : memref<4x128xi32, #tpu.memory_space<vmem>> -> memref<1x128xi32, #tpu.memory_space<vmem>>
        %dma_start3A_258 = tpu.memref_squeeze %dma_start3A_257 : memref<1x128xi32, #tpu.memory_space<vmem>> -> memref<128xi32, #tpu.memory_space<vmem>>
        %dma_start3A_259 = arith.constant 0 : i32
        %dma_start3A_260 = tpu.memref_slice %arg4[%add3A_255, %dma_start3A_259] : memref<2528x128xi32, #tpu.memory_space<hbm>> -> memref<1x128xi32, #tpu.memory_space<hbm>>
        %dma_start3A_261 = tpu.memref_squeeze %dma_start3A_260 : memref<1x128xi32, #tpu.memory_space<hbm>> -> memref<128xi32, #tpu.memory_space<hbm>>
        %dma_start3A_262 = tpu.memref_slice %arg11[%rem3A_224] : memref<4x!tpu.dma_semaphore, #tpu.memory_space<semaphore_mem>> -> memref<1x!tpu.dma_semaphore, #tpu.memory_space<semaphore_mem>>
        %dma_start3A_263 = tpu.memref_squeeze %dma_start3A_262 : memref<1x!tpu.dma_semaphore, #tpu.memory_space<semaphore_mem>> -> memref<!tpu.dma_semaphore, #tpu.memory_space<semaphore_mem>>
        %dma_start3A_264 = arith.constant 0 : i32
        %dma_start3A_265 = tpu.memref_slice %arg8[%rem3A_224, %dma_start3A_264] : memref<4x128xi32, #tpu.memory_space<vmem>> -> memref<1x128xi32, #tpu.memory_space<vmem>>
        %dma_start3A_266 = tpu.memref_squeeze %dma_start3A_265 : memref<1x128xi32, #tpu.memory_space<vmem>> -> memref<128xi32, #tpu.memory_space<vmem>>
        %dma_start3A_267 = arith.constant 0 : i32
        %dma_start3A_268 = tpu.memref_slice %arg4[%add3A_255, %dma_start3A_267] : memref<2528x128xi32, #tpu.memory_space<hbm>> -> memref<1x128xi32, #tpu.memory_space<hbm>>
        %dma_start3A_269 = tpu.memref_squeeze %dma_start3A_268 : memref<1x128xi32, #tpu.memory_space<hbm>> -> memref<128xi32, #tpu.memory_space<hbm>>
        tpu.enqueue_dma source(%dma_start3A_269 : memref<128xi32, #tpu.memory_space<hbm>>) target(%dma_start3A_266 : memref<128xi32, #tpu.memory_space<vmem>>) target_semaphore(%dma_start3A_263 : memref<!tpu.dma_semaphore, #tpu.memory_space<semaphore_mem>>)
      } else {
      }
      %lt3A_234 = arith.cmpi slt, %scan3A_212, %select_n3A : i32
      %convert_element_type3A_235 = arith.extui %lt3A_234 : i1 to i32
      %cond3A_236 = arith.constant 0 : i32
      %cond3A_237 = arith.cmpi ne, %convert_element_type3A_235, %cond3A_236 : i32
      scf.if %cond3A_237 {
        %rem3A_238 = arith.constant 4 : i32
        %rem3A_239 = arith.remsi %scan3A_212, %rem3A_238 : i32
        %dma_wait3A_240 = arith.constant 0 : i32
        %dma_wait3A_241 = arith.constant 0 : i32
        %dma_wait3A_242 = tpu.memref_slice %arg9[%rem3A_214, %dma_wait3A_240, %dma_wait3A_241] : memref<2x128x128xf32, #tpu.memory_space<vmem>> -> memref<1x128x128xf32, #tpu.memory_space<vmem>>
        %dma_wait3A_243 = tpu.memref_squeeze %dma_wait3A_242 : memref<1x128x128xf32, #tpu.memory_space<vmem>> -> memref<128x128xf32, #tpu.memory_space<vmem>>
        %dma_wait3A_244 = arith.constant 0 : i32
        %dma_wait3A_245 = tpu.memref_slice %arg7[%rem3A_239, %dma_wait3A_244] : memref<4x128xi32, #tpu.memory_space<vmem>> -> memref<1x128xi32, #tpu.memory_space<vmem>>
        %dma_wait3A_246 = tpu.memref_squeeze %dma_wait3A_245 : memref<1x128xi32, #tpu.memory_space<vmem>> -> memref<128xi32, #tpu.memory_space<vmem>>
        %dma_wait3A_247 = arith.constant 0 : i32
        %dma_wait3A_248 = arith.constant 0 : i32
        %dma_wait3A_249 = tpu.memref_slice %arg2[%dma_wait3A_247, %dma_wait3A_248] : memref<10112x128xf32, #tpu.memory_space<hbm>> -> memref<10112x128xf32, #tpu.memory_space<hbm>>
        %dma_wait3A_250 = tpu.memref_slice %arg12[%rem3A_214] : memref<2x!tpu.dma_semaphore, #tpu.memory_space<semaphore_mem>> -> memref<1x!tpu.dma_semaphore, #tpu.memory_space<semaphore_mem>>
        %dma_wait3A_251 = tpu.memref_squeeze %dma_wait3A_250 : memref<1x!tpu.dma_semaphore, #tpu.memory_space<semaphore_mem>> -> memref<!tpu.dma_semaphore, #tpu.memory_space<semaphore_mem>>
        tpu.wait_indirect_dma semaphore(%dma_wait3A_251 : memref<!tpu.dma_semaphore, #tpu.memory_space<semaphore_mem>>) src(%dma_wait3A_249 : memref<10112x128xf32, #tpu.memory_space<hbm>>) dst(%dma_wait3A_243 : memref<128x128xf32, #tpu.memory_space<vmem>>)
        %rem3A_252 = arith.constant 4 : i32
        %rem3A_253 = arith.remsi %scan3A_212, %rem3A_252 : i32
        %dma_start3A_254 = arith.constant 0 : i32
        %dma_start3A_255 = arith.constant 0 : i32
        %dma_start3A_256 = tpu.memref_slice %arg9[%rem3A_214, %dma_start3A_254, %dma_start3A_255] : memref<2x128x128xf32, #tpu.memory_space<vmem>> -> memref<1x128x128xf32, #tpu.memory_space<vmem>>
        %dma_start3A_257 = tpu.memref_squeeze %dma_start3A_256 : memref<1x128x128xf32, #tpu.memory_space<vmem>> -> memref<128x128xf32, #tpu.memory_space<vmem>>
        %dma_start3A_258 = arith.constant 0 : i32
        %dma_start3A_259 = tpu.memref_slice %arg8[%rem3A_253, %dma_start3A_258] : memref<4x128xi32, #tpu.memory_space<vmem>> -> memref<1x128xi32, #tpu.memory_space<vmem>>
        %dma_start3A_260 = tpu.memref_squeeze %dma_start3A_259 : memref<1x128xi32, #tpu.memory_space<vmem>> -> memref<128xi32, #tpu.memory_space<vmem>>
        %dma_start3A_261 = arith.constant 0 : i32
        %dma_start3A_262 = arith.constant 0 : i32
        %dma_start3A_263 = tpu.memref_slice %arg10[%dma_start3A_261, %dma_start3A_262] : memref<10112x128xf32, #tpu.memory_space<vmem_shared>> -> memref<10112x128xf32, #tpu.memory_space<vmem_shared>>
        %dma_start3A_264 = tpu.memref_slice %arg13[%rem3A_214] : memref<2x!tpu.dma_semaphore, #tpu.memory_space<semaphore_mem>> -> memref<1x!tpu.dma_semaphore, #tpu.memory_space<semaphore_mem>>
        %dma_start3A_265 = tpu.memref_squeeze %dma_start3A_264 : memref<1x!tpu.dma_semaphore, #tpu.memory_space<semaphore_mem>> -> memref<!tpu.dma_semaphore, #tpu.memory_space<semaphore_mem>>
        tpu.enqueue_indirect_dma source(%dma_start3A_257 : memref<128x128xf32, #tpu.memory_space<vmem>>) target(%dma_start3A_263 : memref<10112x128xf32, #tpu.memory_space<vmem_shared>>) offsets(%dma_start3A_260 : memref<128xi32, #tpu.memory_space<vmem>>) semaphore(%dma_start3A_265 : memref<!tpu.dma_semaphore, #tpu.memory_space<semaphore_mem>>) {add = true}
      } else {
      }
    }
    %scan3A_172 = arith.constant 114 : i32
    %sub3A = arith.constant 2 : i32
    %sub3A_173 = arith.subi %select_n3A, %sub3A : i32
    %rem3A = arith.constant 2 : i32
    %rem3A_174 = arith.remsi %sub3A_173, %rem3A : i32
    %rem3A_175 = arith.constant 4 : i32
    %rem3A_176 = arith.remsi %sub3A_173, %rem3A_175 : i32
    %rem3A_177 = arith.constant 2 : i32
    %rem3A_178 = arith.remsi %sub3A_173, %rem3A_177 : i32
    %dma_wait3A_179 = arith.constant 0 : i32
    %dma_wait3A_180 = arith.constant 0 : i32
    %dma_wait3A_181 = tpu.memref_slice %arg9[%rem3A_174, %dma_wait3A_179, %dma_wait3A_180] : memref<2x128x128xf32, #tpu.memory_space<vmem>> -> memref<1x128x128xf32, #tpu.memory_space<vmem>>
    %dma_wait3A_182 = tpu.memref_squeeze %dma_wait3A_181 : memref<1x128x128xf32, #tpu.memory_space<vmem>> -> memref<128x128xf32, #tpu.memory_space<vmem>>
    %dma_wait3A_183 = arith.constant 0 : i32
    %dma_wait3A_184 = tpu.memref_slice %arg8[%rem3A_176, %dma_wait3A_183] : memref<4x128xi32, #tpu.memory_space<vmem>> -> memref<1x128xi32, #tpu.memory_space<vmem>>
    %dma_wait3A_185 = tpu.memref_squeeze %dma_wait3A_184 : memref<1x128xi32, #tpu.memory_space<vmem>> -> memref<128xi32, #tpu.memory_space<vmem>>
    %dma_wait3A_186 = arith.constant 0 : i32
    %dma_wait3A_187 = arith.constant 0 : i32
    %dma_wait3A_188 = tpu.memref_slice %arg10[%dma_wait3A_186, %dma_wait3A_187] : memref<10112x128xf32, #tpu.memory_space<vmem_shared>> -> memref<10112x128xf32, #tpu.memory_space<vmem_shared>>
    %dma_wait3A_189 = tpu.memref_slice %arg13[%rem3A_178] : memref<2x!tpu.dma_semaphore, #tpu.memory_space<semaphore_mem>> -> memref<1x!tpu.dma_semaphore, #tpu.memory_space<semaphore_mem>>
    %dma_wait3A_190 = tpu.memref_squeeze %dma_wait3A_189 : memref<1x!tpu.dma_semaphore, #tpu.memory_space<semaphore_mem>> -> memref<!tpu.dma_semaphore, #tpu.memory_space<semaphore_mem>>
    tpu.wait_indirect_dma semaphore(%dma_wait3A_190 : memref<!tpu.dma_semaphore, #tpu.memory_space<semaphore_mem>>) src(%dma_wait3A_182 : memref<128x128xf32, #tpu.memory_space<vmem>>) dst(%dma_wait3A_188 : memref<10112x128xf32, #tpu.memory_space<vmem_shared>>)
    %sub3A_191 = arith.constant 1 : i32
    %sub3A_192 = arith.subi %select_n3A, %sub3A_191 : i32
    %rem3A_193 = arith.constant 2 : i32
    %rem3A_194 = arith.remsi %sub3A_192, %rem3A_193 : i32
    %rem3A_195 = arith.constant 4 : i32
    %rem3A_196 = arith.remsi %sub3A_192, %rem3A_195 : i32
    %rem3A_197 = arith.constant 2 : i32
    %rem3A_198 = arith.remsi %sub3A_192, %rem3A_197 : i32
    %dma_wait3A_199 = arith.constant 0 : i32
    %dma_wait3A_200 = arith.constant 0 : i32
    %dma_wait3A_201 = tpu.memref_slice %arg9[%rem3A_194, %dma_wait3A_199, %dma_wait3A_200] : memref<2x128x128xf32, #tpu.memory_space<vmem>> -> memref<1x128x128xf32, #tpu.memory_space<vmem>>
    %dma_wait3A_202 = tpu.memref_squeeze %dma_wait3A_201 : memref<1x128x128xf32, #tpu.memory_space<vmem>> -> memref<128x128xf32, #tpu.memory_space<vmem>>
    %dma_wait3A_203 = arith.constant 0 : i32
    %dma_wait3A_204 = tpu.memref_slice %arg8[%rem3A_196, %dma_wait3A_203] : memref<4x128xi32, #tpu.memory_space<vmem>> -> memref<1x128xi32, #tpu.memory_space<vmem>>
    %dma_wait3A_205 = tpu.memref_squeeze %dma_wait3A_204 : memref<1x128xi32, #tpu.memory_space<vmem>> -> memref<128xi32, #tpu.memory_space<vmem>>
    %dma_wait3A_206 = arith.constant 0 : i32
    %dma_wait3A_207 = arith.constant 0 : i32
    %dma_wait3A_208 = tpu.memref_slice %arg10[%dma_wait3A_206, %dma_wait3A_207] : memref<10112x128xf32, #tpu.memory_space<vmem_shared>> -> memref<10112x128xf32, #tpu.memory_space<vmem_shared>>
    %dma_wait3A_209 = tpu.memref_slice %arg13[%rem3A_198] : memref<2x!tpu.dma_semaphore, #tpu.memory_space<semaphore_mem>> -> memref<1x!tpu.dma_semaphore, #tpu.memory_space<semaphore_mem>>
    %dma_wait3A_210 = tpu.memref_squeeze %dma_wait3A_209 : memref<1x!tpu.dma_semaphore, #tpu.memory_space<semaphore_mem>> -> memref<!tpu.dma_semaphore, #tpu.memory_space<semaphore_mem>>
    tpu.wait_indirect_dma semaphore(%dma_wait3A_210 : memref<!tpu.dma_semaphore, #tpu.memory_space<semaphore_mem>>) src(%dma_wait3A_202 : memref<128x128xf32, #tpu.memory_space<vmem>>) dst(%dma_wait3A_208 : memref<10112x128xf32, #tpu.memory_space<vmem_shared>>)
    %barrier3A_211 = arith.constant 0 : index
    tpu.barrier barrier_id(%barrier3A_211)
    "tpu.region"() ({
      %run_scoped3A = tpu.sem_alloc : memref<!tpu.dma_semaphore, #tpu.memory_space<semaphore_mem>>
      %dma_start3A_212 = arith.constant 0 : i32
      %dma_start3A_213 = tpu.memref_slice %arg6[%arg0, %mul3A_10, %dma_start3A_212] : memref<2x10112x128xf32, #tpu.memory_space<hbm>> -> memref<1x632x128xf32, #tpu.memory_space<hbm>>
      %dma_start3A_214 = tpu.memref_squeeze %dma_start3A_213 : memref<1x632x128xf32, #tpu.memory_space<hbm>> -> memref<632x128xf32, #tpu.memory_space<hbm>>
      %dma_start3A_215 = arith.constant 0 : i32
      %dma_start3A_216 = tpu.memref_slice %arg10[%mul3A_10, %dma_start3A_215] : memref<10112x128xf32, #tpu.memory_space<vmem_shared>> -> memref<632x128xf32, #tpu.memory_space<vmem_shared>>
      tpu.enqueue_dma source(%dma_start3A_216 : memref<632x128xf32, #tpu.memory_space<vmem_shared>>) target(%dma_start3A_214 : memref<632x128xf32, #tpu.memory_space<hbm>>) target_semaphore(%run_scoped3A : memref<!tpu.dma_semaphore, #tpu.memory_space<semaphore_mem>>)
      %dma_wait3A_217 = arith.constant 0 : i32
      %dma_wait3A_218 = tpu.memref_slice %arg6[%arg0, %mul3A_10, %dma_wait3A_217] : memref<2x10112x128xf32, #tpu.memory_space<hbm>> -> memref<1x632x128xf32, #tpu.memory_space<hbm>>
      %dma_wait3A_219 = tpu.memref_squeeze %dma_wait3A_218 : memref<1x632x128xf32, #tpu.memory_space<hbm>> -> memref<632x128xf32, #tpu.memory_space<hbm>>
      %dma_wait3A_220 = arith.constant 0 : i32
      %dma_wait3A_221 = tpu.memref_slice %arg10[%mul3A_10, %dma_wait3A_220] : memref<10112x128xf32, #tpu.memory_space<vmem_shared>> -> memref<632x128xf32, #tpu.memory_space<vmem_shared>>
      tpu.wait_dma2 semaphore(%run_scoped3A : memref<!tpu.dma_semaphore, #tpu.memory_space<semaphore_mem>>) src(%dma_wait3A_221 : memref<632x128xf32, #tpu.memory_space<vmem_shared>>) dst(%dma_wait3A_219 : memref<632x128xf32, #tpu.memory_space<hbm>>)
      tpu.yield
    }) : () -> ()
    return
  }
}

#map = affine_map<(d0, d1) -> (0, 0, 0)>
#map1 = affine_map<(d0, d1) -> (0, 0)>
module attributes {stable_mosaic.version = 14 : i64} {
  func.func @k(%arg0: i32, %arg1: i32, %arg2: memref<32x79x128xi32, #tpu.memory_space<hbm>>, %arg3: memref<10112x128xf32, #tpu.memory_space<hbm>>, %arg4: memref<128x128xf32, #tpu.memory_space<hbm>>, %arg5: memref<2x10112x128xf32, #tpu.memory_space<hbm>>, %arg6: memref<79x128xi32, #tpu.memory_space<vmem>>, %arg7: memref<128x128xf32, #tpu.memory_space<vmem>>, %arg8: memref<10112x128xf32, #tpu.memory_space<vmem_shared>>, %arg9: memref<!tpu.dma_semaphore, #tpu.memory_space<semaphore_mem>>) attributes {dimension_semantics = [#tpu.dimension_semantics<core_parallel>, #tpu.dimension_semantics<subcore_parallel>], iteration_bounds = array<i64: 2, 16>, scalar_prefetch = 0 : i64, scratch_operands = 4 : i64, tpu.core_type = #tpu.core_type<sc_vector_subcore>, window_params = [{transform_indices = #map}, {transform_indices = #map1}, {transform_indices = #map1}, {transform_indices = #map}]} {
    %mul3A = arith.constant 16 : i32
    %mul3A_0 = arith.muli %arg0, %mul3A : i32
    %add3A = arith.addi %mul3A_0, %arg1 : i32
    "tpu.region"() ({
      %run_scoped3A = tpu.sem_alloc : memref<!tpu.dma_semaphore, #tpu.memory_space<semaphore_mem>>
      tpu.enqueue_dma source(%arg4 : memref<128x128xf32, #tpu.memory_space<hbm>>) target(%arg7 : memref<128x128xf32, #tpu.memory_space<vmem>>) target_semaphore(%run_scoped3A : memref<!tpu.dma_semaphore, #tpu.memory_space<semaphore_mem>>)
      tpu.wait_dma2 semaphore(%run_scoped3A : memref<!tpu.dma_semaphore, #tpu.memory_space<semaphore_mem>>) src(%arg4 : memref<128x128xf32, #tpu.memory_space<hbm>>) dst(%arg7 : memref<128x128xf32, #tpu.memory_space<vmem>>)
      tpu.yield
    }) : () -> ()
    "tpu.region"() ({
      %run_scoped3A = tpu.sem_alloc : memref<!tpu.dma_semaphore, #tpu.memory_space<semaphore_mem>>
      %dma_start3A = arith.constant 0 : i32
      %dma_start3A_9 = arith.constant 0 : i32
      %dma_start3A_10 = tpu.memref_slice %arg2[%add3A, %dma_start3A, %dma_start3A_9] : memref<32x79x128xi32, #tpu.memory_space<hbm>> -> memref<1x79x128xi32, #tpu.memory_space<hbm>>
      %dma_start3A_11 = tpu.memref_squeeze %dma_start3A_10 : memref<1x79x128xi32, #tpu.memory_space<hbm>> -> memref<79x128xi32, #tpu.memory_space<hbm>>
      %dma_start3A_12 = arith.constant 0 : i32
      %dma_start3A_13 = arith.constant 0 : i32
      %dma_start3A_14 = tpu.memref_slice %arg2[%add3A, %dma_start3A_12, %dma_start3A_13] : memref<32x79x128xi32, #tpu.memory_space<hbm>> -> memref<1x79x128xi32, #tpu.memory_space<hbm>>
      %dma_start3A_15 = tpu.memref_squeeze %dma_start3A_14 : memref<1x79x128xi32, #tpu.memory_space<hbm>> -> memref<79x128xi32, #tpu.memory_space<hbm>>
      tpu.enqueue_dma source(%dma_start3A_15 : memref<79x128xi32, #tpu.memory_space<hbm>>) target(%arg6 : memref<79x128xi32, #tpu.memory_space<vmem>>) target_semaphore(%run_scoped3A : memref<!tpu.dma_semaphore, #tpu.memory_space<semaphore_mem>>)
      %dma_wait3A = arith.constant 0 : i32
      %dma_wait3A_16 = arith.constant 0 : i32
      %dma_wait3A_17 = tpu.memref_slice %arg2[%add3A, %dma_wait3A, %dma_wait3A_16] : memref<32x79x128xi32, #tpu.memory_space<hbm>> -> memref<1x79x128xi32, #tpu.memory_space<hbm>>
      %dma_wait3A_18 = tpu.memref_squeeze %dma_wait3A_17 : memref<1x79x128xi32, #tpu.memory_space<hbm>> -> memref<79x128xi32, #tpu.memory_space<hbm>>
      %dma_wait3A_19 = arith.constant 0 : i32
      %dma_wait3A_20 = arith.constant 0 : i32
      %dma_wait3A_21 = tpu.memref_slice %arg2[%add3A, %dma_wait3A_19, %dma_wait3A_20] : memref<32x79x128xi32, #tpu.memory_space<hbm>> -> memref<1x79x128xi32, #tpu.memory_space<hbm>>
      %dma_wait3A_22 = tpu.memref_squeeze %dma_wait3A_21 : memref<1x79x128xi32, #tpu.memory_space<hbm>> -> memref<79x128xi32, #tpu.memory_space<hbm>>
      tpu.wait_dma2 semaphore(%run_scoped3A : memref<!tpu.dma_semaphore, #tpu.memory_space<semaphore_mem>>) src(%dma_wait3A_22 : memref<79x128xi32, #tpu.memory_space<hbm>>) dst(%arg6 : memref<79x128xi32, #tpu.memory_space<vmem>>)
      tpu.yield
    }) : () -> ()
    %mul3A_1 = arith.constant 632 : i32
    %mul3A_2 = arith.muli %arg1, %mul3A_1 : i32
    "tpu.region"() ({
      %run_scoped3A = tpu.sem_alloc : memref<!tpu.dma_semaphore, #tpu.memory_space<semaphore_mem>>
      %dma_start3A = arith.constant 0 : i32
      %dma_start3A_9 = tpu.memref_slice %arg8[%mul3A_2, %dma_start3A] : memref<10112x128xf32, #tpu.memory_space<vmem_shared>> -> memref<632x128xf32, #tpu.memory_space<vmem_shared>>
      %dma_start3A_10 = arith.constant 0 : i32
      %dma_start3A_11 = tpu.memref_slice %arg3[%mul3A_2, %dma_start3A_10] : memref<10112x128xf32, #tpu.memory_space<hbm>> -> memref<632x128xf32, #tpu.memory_space<hbm>>
      tpu.enqueue_dma source(%dma_start3A_11 : memref<632x128xf32, #tpu.memory_space<hbm>>) target(%dma_start3A_9 : memref<632x128xf32, #tpu.memory_space<vmem_shared>>) target_semaphore(%run_scoped3A : memref<!tpu.dma_semaphore, #tpu.memory_space<semaphore_mem>>)
      %dma_wait3A = arith.constant 0 : i32
      %dma_wait3A_12 = tpu.memref_slice %arg8[%mul3A_2, %dma_wait3A] : memref<10112x128xf32, #tpu.memory_space<vmem_shared>> -> memref<632x128xf32, #tpu.memory_space<vmem_shared>>
      %dma_wait3A_13 = arith.constant 0 : i32
      %dma_wait3A_14 = tpu.memref_slice %arg3[%mul3A_2, %dma_wait3A_13] : memref<10112x128xf32, #tpu.memory_space<hbm>> -> memref<632x128xf32, #tpu.memory_space<hbm>>
      tpu.wait_dma2 semaphore(%run_scoped3A : memref<!tpu.dma_semaphore, #tpu.memory_space<semaphore_mem>>) src(%dma_wait3A_14 : memref<632x128xf32, #tpu.memory_space<hbm>>) dst(%dma_wait3A_12 : memref<632x128xf32, #tpu.memory_space<vmem_shared>>)
      tpu.yield
    }) : () -> ()
    %barrier3A = arith.constant 0 : index
    tpu.barrier barrier_id(%barrier3A)
    %scan3A = arith.constant 0 : i32
    %scan3A_3 = arith.constant 0 : i32
    %scan3A_4 = arith.constant 79 : i32
    %scan3A_5 = arith.addi %scan3A_3, %scan3A_4 : i32
    %scan3A_6 = arith.constant 1 : i32
    scf.for %scan3A_9 = %scan3A_3 to %scan3A_5 step %scan3A_6  : i32 {
      "tpu.region"() ({
        %run_scoped3A = tpu.sem_alloc : memref<!tpu.dma_semaphore, #tpu.memory_space<semaphore_mem>>
        %dma_start3A = arith.constant 0 : i32
        %dma_start3A_10 = tpu.memref_slice %arg6[%scan3A_9, %dma_start3A] : memref<79x128xi32, #tpu.memory_space<vmem>> -> memref<1x128xi32, #tpu.memory_space<vmem>>
        %dma_start3A_11 = tpu.memref_squeeze %dma_start3A_10 : memref<1x128xi32, #tpu.memory_space<vmem>> -> memref<128xi32, #tpu.memory_space<vmem>>
        %dma_start3A_12 = arith.constant 0 : i32
        %dma_start3A_13 = arith.constant 0 : i32
        %dma_start3A_14 = tpu.memref_slice %arg8[%dma_start3A_12, %dma_start3A_13] : memref<10112x128xf32, #tpu.memory_space<vmem_shared>> -> memref<10112x128xf32, #tpu.memory_space<vmem_shared>>
        tpu.enqueue_indirect_dma source(%arg7 : memref<128x128xf32, #tpu.memory_space<vmem>>) target(%dma_start3A_14 : memref<10112x128xf32, #tpu.memory_space<vmem_shared>>) offsets(%dma_start3A_11 : memref<128xi32, #tpu.memory_space<vmem>>) semaphore(%run_scoped3A : memref<!tpu.dma_semaphore, #tpu.memory_space<semaphore_mem>>) {add = true}
        %dma_wait3A = arith.constant 0 : i32
        %dma_wait3A_15 = tpu.memref_slice %arg6[%scan3A_9, %dma_wait3A] : memref<79x128xi32, #tpu.memory_space<vmem>> -> memref<1x128xi32, #tpu.memory_space<vmem>>
        %dma_wait3A_16 = tpu.memref_squeeze %dma_wait3A_15 : memref<1x128xi32, #tpu.memory_space<vmem>> -> memref<128xi32, #tpu.memory_space<vmem>>
        %dma_wait3A_17 = arith.constant 0 : i32
        %dma_wait3A_18 = arith.constant 0 : i32
        %dma_wait3A_19 = tpu.memref_slice %arg8[%dma_wait3A_17, %dma_wait3A_18] : memref<10112x128xf32, #tpu.memory_space<vmem_shared>> -> memref<10112x128xf32, #tpu.memory_space<vmem_shared>>
        tpu.wait_indirect_dma semaphore(%run_scoped3A : memref<!tpu.dma_semaphore, #tpu.memory_space<semaphore_mem>>) src(%arg7 : memref<128x128xf32, #tpu.memory_space<vmem>>) dst(%dma_wait3A_19 : memref<10112x128xf32, #tpu.memory_space<vmem_shared>>)
        tpu.yield
      }) : () -> ()
    }
    %scan3A_7 = arith.constant 79 : i32
    %barrier3A_8 = arith.constant 0 : index
    tpu.barrier barrier_id(%barrier3A_8)
    "tpu.region"() ({
      %run_scoped3A = tpu.sem_alloc : memref<!tpu.dma_semaphore, #tpu.memory_space<semaphore_mem>>
      %dma_start3A = arith.constant 0 : i32
      %dma_start3A_9 = tpu.memref_slice %arg5[%arg0, %mul3A_2, %dma_start3A] : memref<2x10112x128xf32, #tpu.memory_space<hbm>> -> memref<1x632x128xf32, #tpu.memory_space<hbm>>
      %dma_start3A_10 = tpu.memref_squeeze %dma_start3A_9 : memref<1x632x128xf32, #tpu.memory_space<hbm>> -> memref<632x128xf32, #tpu.memory_space<hbm>>
      %dma_start3A_11 = arith.constant 0 : i32
      %dma_start3A_12 = tpu.memref_slice %arg8[%mul3A_2, %dma_start3A_11] : memref<10112x128xf32, #tpu.memory_space<vmem_shared>> -> memref<632x128xf32, #tpu.memory_space<vmem_shared>>
      tpu.enqueue_dma source(%dma_start3A_12 : memref<632x128xf32, #tpu.memory_space<vmem_shared>>) target(%dma_start3A_10 : memref<632x128xf32, #tpu.memory_space<hbm>>) target_semaphore(%run_scoped3A : memref<!tpu.dma_semaphore, #tpu.memory_space<semaphore_mem>>)
      %dma_wait3A = arith.constant 0 : i32
      %dma_wait3A_13 = tpu.memref_slice %arg5[%arg0, %mul3A_2, %dma_wait3A] : memref<2x10112x128xf32, #tpu.memory_space<hbm>> -> memref<1x632x128xf32, #tpu.memory_space<hbm>>
      %dma_wait3A_14 = tpu.memref_squeeze %dma_wait3A_13 : memref<1x632x128xf32, #tpu.memory_space<hbm>> -> memref<632x128xf32, #tpu.memory_space<hbm>>
      %dma_wait3A_15 = arith.constant 0 : i32
      %dma_wait3A_16 = tpu.memref_slice %arg8[%mul3A_2, %dma_wait3A_15] : memref<10112x128xf32, #tpu.memory_space<vmem_shared>> -> memref<632x128xf32, #tpu.memory_space<vmem_shared>>
      tpu.wait_dma2 semaphore(%run_scoped3A : memref<!tpu.dma_semaphore, #tpu.memory_space<semaphore_mem>>) src(%dma_wait3A_16 : memref<632x128xf32, #tpu.memory_space<vmem_shared>>) dst(%dma_wait3A_14 : memref<632x128xf32, #tpu.memory_space<hbm>>)
      tpu.yield
    }) : () -> ()
    return
  }
}

#map = affine_map<(d0, d1) -> (0, 0)>
#map1 = affine_map<(d0, d1) -> (0, 0, 0)>
module attributes {stable_mosaic.version = 14 : i64} {
  func.func @k(%arg0: i32, %arg1: i32, %arg2: memref<10112x128xf32, #tpu.memory_space<hbm>>, %arg3: memref<2528x128xi32, #tpu.memory_space<hbm>>, %arg4: memref<2528x128xi32, #tpu.memory_space<hbm>>, %arg5: memref<10112x128xf32, #tpu.memory_space<hbm>>, %arg6: memref<2x10112x128xf32, #tpu.memory_space<hbm>>, %arg7: memref<4x128xi32, #tpu.memory_space<vmem>>, %arg8: memref<4x128xi32, #tpu.memory_space<vmem>>, %arg9: memref<2x128x128xf32, #tpu.memory_space<vmem>>, %arg10: memref<10112x128xf32, #tpu.memory_space<vmem_shared>>, %arg11: memref<4x!tpu.dma_semaphore, #tpu.memory_space<semaphore_mem>>, %arg12: memref<2x!tpu.dma_semaphore, #tpu.memory_space<semaphore_mem>>, %arg13: memref<2x!tpu.dma_semaphore, #tpu.memory_space<semaphore_mem>>) attributes {dimension_semantics = [#tpu.dimension_semantics<core_parallel>, #tpu.dimension_semantics<subcore_parallel>], iteration_bounds = array<i64: 2, 16>, scalar_prefetch = 0 : i64, scratch_operands = 7 : i64, tpu.core_type = #tpu.core_type<sc_vector_subcore>, window_params = [{transform_indices = #map}, {transform_indices = #map}, {transform_indices = #map}, {transform_indices = #map}, {transform_indices = #map1}]} {
    %eq3A = arith.constant 0 : i32
    %eq3A_0 = arith.cmpi eq, %arg0, %eq3A : i32
    %jit3A = arith.constant 44 : i32
    %jit3A_1 = arith.constant 114 : i32
    %select_n3A = arith.select %eq3A_0, %jit3A, %jit3A_1 : i32
    %eq3A_2 = arith.constant 0 : i32
    %eq3A_3 = arith.cmpi eq, %arg0, %eq3A_2 : i32
    %mul3A = arith.constant 44 : i32
    %mul3A_4 = arith.muli %arg1, %mul3A : i32
    %mul3A_5 = arith.constant 114 : i32
    %mul3A_6 = arith.muli %arg1, %mul3A_5 : i32
    %add3A = arith.constant 704 : i32
    %add3A_7 = arith.addi %add3A, %mul3A_6 : i32
    %select_n3A_8 = arith.select %eq3A_3, %mul3A_4, %add3A_7 : i32
    %mul3A_9 = arith.constant 632 : i32
    %mul3A_10 = arith.muli %arg1, %mul3A_9 : i32
    "tpu.region"() ({
      %run_scoped3A = tpu.sem_alloc : memref<!tpu.dma_semaphore, #tpu.memory_space<semaphore_mem>>
      %dma_start3A_212 = arith.constant 0 : i32
      %dma_start3A_213 = tpu.memref_slice %arg10[%mul3A_10, %dma_start3A_212] : memref<10112x128xf32, #tpu.memory_space<vmem_shared>> -> memref<632x128xf32, #tpu.memory_space<vmem_shared>>
      %dma_start3A_214 = arith.constant 0 : i32
      %dma_start3A_215 = tpu.memref_slice %arg5[%mul3A_10, %dma_start3A_214] : memref<10112x128xf32, #tpu.memory_space<hbm>> -> memref<632x128xf32, #tpu.memory_space<hbm>>
      tpu.enqueue_dma source(%dma_start3A_215 : memref<632x128xf32, #tpu.memory_space<hbm>>) target(%dma_start3A_213 : memref<632x128xf32, #tpu.memory_space<vmem_shared>>) target_semaphore(%run_scoped3A : memref<!tpu.dma_semaphore, #tpu.memory_space<semaphore_mem>>)
      %dma_wait3A_216 = arith.constant 0 : i32
      %dma_wait3A_217 = tpu.memref_slice %arg10[%mul3A_10, %dma_wait3A_216] : memref<10112x128xf32, #tpu.memory_space<vmem_shared>> -> memref<632x128xf32, #tpu.memory_space<vmem_shared>>
      %dma_wait3A_218 = arith.constant 0 : i32
      %dma_wait3A_219 = tpu.memref_slice %arg5[%mul3A_10, %dma_wait3A_218] : memref<10112x128xf32, #tpu.memory_space<hbm>> -> memref<632x128xf32, #tpu.memory_space<hbm>>
      tpu.wait_dma2 semaphore(%run_scoped3A : memref<!tpu.dma_semaphore, #tpu.memory_space<semaphore_mem>>) src(%dma_wait3A_219 : memref<632x128xf32, #tpu.memory_space<hbm>>) dst(%dma_wait3A_217 : memref<632x128xf32, #tpu.memory_space<vmem_shared>>)
      tpu.yield
    }) : () -> ()
    %add3A_11 = arith.constant 0 : i32
    %add3A_12 = arith.addi %select_n3A_8, %add3A_11 : i32
    %dma_start3A = arith.constant 0 : i32
    %dma_start3A_13 = arith.constant 0 : i32
    %dma_start3A_14 = arith.constant 0 : i32
    %dma_start3A_15 = tpu.memref_slice %arg7[%dma_start3A, %dma_start3A_14] : memref<4x128xi32, #tpu.memory_space<vmem>> -> memref<1x128xi32, #tpu.memory_space<vmem>>
    %dma_start3A_16 = tpu.memref_squeeze %dma_start3A_15 : memref<1x128xi32, #tpu.memory_space<vmem>> -> memref<128xi32, #tpu.memory_space<vmem>>
    %dma_start3A_17 = arith.constant 0 : i32
    %dma_start3A_18 = tpu.memref_slice %arg3[%add3A_12, %dma_start3A_17] : memref<2528x128xi32, #tpu.memory_space<hbm>> -> memref<1x128xi32, #tpu.memory_space<hbm>>
    %dma_start3A_19 = tpu.memref_squeeze %dma_start3A_18 : memref<1x128xi32, #tpu.memory_space<hbm>> -> memref<128xi32, #tpu.memory_space<hbm>>
    %dma_start3A_20 = tpu.memref_slice %arg11[%dma_start3A_13] : memref<4x!tpu.dma_semaphore, #tpu.memory_space<semaphore_mem>> -> memref<1x!tpu.dma_semaphore, #tpu.memory_space<semaphore_mem>>
    %dma_start3A_21 = tpu.memref_squeeze %dma_start3A_20 : memref<1x!tpu.dma_semaphore, #tpu.memory_space<semaphore_mem>> -> memref<!tpu.dma_semaphore, #tpu.memory_space<semaphore_mem>>
    %dma_start3A_22 = arith.constant 0 : i32
    %dma_start3A_23 = tpu.memref_slice %arg7[%dma_start3A, %dma_start3A_22] : memref<4x128xi32, #tpu.memory_space<vmem>> -> memref<1x128xi32, #tpu.memory_space<vmem>>
    %dma_start3A_24 = tpu.memref_squeeze %dma_start3A_23 : memref<1x128xi32, #tpu.memory_space<vmem>> -> memref<128xi32, #tpu.memory_space<vmem>>
    %dma_start3A_25 = arith.constant 0 : i32
    %dma_start3A_26 = tpu.memref_slice %arg3[%add3A_12, %dma_start3A_25] : memref<2528x128xi32, #tpu.memory_space<hbm>> -> memref<1x128xi32, #tpu.memory_space<hbm>>
    %dma_start3A_27 = tpu.memref_squeeze %dma_start3A_26 : memref<1x128xi32, #tpu.memory_space<hbm>> -> memref<128xi32, #tpu.memory_space<hbm>>
    tpu.enqueue_dma source(%dma_start3A_27 : memref<128xi32, #tpu.memory_space<hbm>>) target(%dma_start3A_24 : memref<128xi32, #tpu.memory_space<vmem>>) target_semaphore(%dma_start3A_21 : memref<!tpu.dma_semaphore, #tpu.memory_space<semaphore_mem>>)
    %add3A_28 = arith.constant 0 : i32
    %add3A_29 = arith.addi %select_n3A_8, %add3A_28 : i32
    %dma_start3A_30 = arith.constant 0 : i32
    %dma_start3A_31 = arith.constant 0 : i32
    %dma_start3A_32 = arith.constant 0 : i32
    %dma_start3A_33 = tpu.memref_slice %arg8[%dma_start3A_30, %dma_start3A_32] : memref<4x128xi32, #tpu.memory_space<vmem>> -> memref<1x128xi32, #tpu.memory_space<vmem>>
    %dma_start3A_34 = tpu.memref_squeeze %dma_start3A_33 : memref<1x128xi32, #tpu.memory_space<vmem>> -> memref<128xi32, #tpu.memory_space<vmem>>
    %dma_start3A_35 = arith.constant 0 : i32
    %dma_start3A_36 = tpu.memref_slice %arg4[%add3A_29, %dma_start3A_35] : memref<2528x128xi32, #tpu.memory_space<hbm>> -> memref<1x128xi32, #tpu.memory_space<hbm>>
    %dma_start3A_37 = tpu.memref_squeeze %dma_start3A_36 : memref<1x128xi32, #tpu.memory_space<hbm>> -> memref<128xi32, #tpu.memory_space<hbm>>
    %dma_start3A_38 = tpu.memref_slice %arg11[%dma_start3A_31] : memref<4x!tpu.dma_semaphore, #tpu.memory_space<semaphore_mem>> -> memref<1x!tpu.dma_semaphore, #tpu.memory_space<semaphore_mem>>
    %dma_start3A_39 = tpu.memref_squeeze %dma_start3A_38 : memref<1x!tpu.dma_semaphore, #tpu.memory_space<semaphore_mem>> -> memref<!tpu.dma_semaphore, #tpu.memory_space<semaphore_mem>>
    %dma_start3A_40 = arith.constant 0 : i32
    %dma_start3A_41 = tpu.memref_slice %arg8[%dma_start3A_30, %dma_start3A_40] : memref<4x128xi32, #tpu.memory_space<vmem>> -> memref<1x128xi32, #tpu.memory_space<vmem>>
    %dma_start3A_42 = tpu.memref_squeeze %dma_start3A_41 : memref<1x128xi32, #tpu.memory_space<vmem>> -> memref<128xi32, #tpu.memory_space<vmem>>
    %dma_start3A_43 = arith.constant 0 : i32
    %dma_start3A_44 = tpu.memref_slice %arg4[%add3A_29, %dma_start3A_43] : memref<2528x128xi32, #tpu.memory_space<hbm>> -> memref<1x128xi32, #tpu.memory_space<hbm>>
    %dma_start3A_45 = tpu.memref_squeeze %dma_start3A_44 : memref<1x128xi32, #tpu.memory_space<hbm>> -> memref<128xi32, #tpu.memory_space<hbm>>
    tpu.enqueue_dma source(%dma_start3A_45 : memref<128xi32, #tpu.memory_space<hbm>>) target(%dma_start3A_42 : memref<128xi32, #tpu.memory_space<vmem>>) target_semaphore(%dma_start3A_39 : memref<!tpu.dma_semaphore, #tpu.memory_space<semaphore_mem>>)
    %add3A_46 = arith.constant 1 : i32
    %add3A_47 = arith.addi %select_n3A_8, %add3A_46 : i32
    %dma_start3A_48 = arith.constant 1 : i32
    %dma_start3A_49 = arith.constant 1 : i32
    %dma_start3A_50 = arith.constant 0 : i32
    %dma_start3A_51 = tpu.memref_slice %arg7[%dma_start3A_48, %dma_start3A_50] : memref<4x128xi32, #tpu.memory_space<vmem>> -> memref<1x128xi32, #tpu.memory_space<vmem>>
    %dma_start3A_52 = tpu.memref_squeeze %dma_start3A_51 : memref<1x128xi32, #tpu.memory_space<vmem>> -> memref<128xi32, #tpu.memory_space<vmem>>
    %dma_start3A_53 = arith.constant 0 : i32
    %dma_start3A_54 = tpu.memref_slice %arg3[%add3A_47, %dma_start3A_53] : memref<2528x128xi32, #tpu.memory_space<hbm>> -> memref<1x128xi32, #tpu.memory_space<hbm>>
    %dma_start3A_55 = tpu.memref_squeeze %dma_start3A_54 : memref<1x128xi32, #tpu.memory_space<hbm>> -> memref<128xi32, #tpu.memory_space<hbm>>
    %dma_start3A_56 = tpu.memref_slice %arg11[%dma_start3A_49] : memref<4x!tpu.dma_semaphore, #tpu.memory_space<semaphore_mem>> -> memref<1x!tpu.dma_semaphore, #tpu.memory_space<semaphore_mem>>
    %dma_start3A_57 = tpu.memref_squeeze %dma_start3A_56 : memref<1x!tpu.dma_semaphore, #tpu.memory_space<semaphore_mem>> -> memref<!tpu.dma_semaphore, #tpu.memory_space<semaphore_mem>>
    %dma_start3A_58 = arith.constant 0 : i32
    %dma_start3A_59 = tpu.memref_slice %arg7[%dma_start3A_48, %dma_start3A_58] : memref<4x128xi32, #tpu.memory_space<vmem>> -> memref<1x128xi32, #tpu.memory_space<vmem>>
    %dma_start3A_60 = tpu.memref_squeeze %dma_start3A_59 : memref<1x128xi32, #tpu.memory_space<vmem>> -> memref<128xi32, #tpu.memory_space<vmem>>
    %dma_start3A_61 = arith.constant 0 : i32
    %dma_start3A_62 = tpu.memref_slice %arg3[%add3A_47, %dma_start3A_61] : memref<2528x128xi32, #tpu.memory_space<hbm>> -> memref<1x128xi32, #tpu.memory_space<hbm>>
    %dma_start3A_63 = tpu.memref_squeeze %dma_start3A_62 : memref<1x128xi32, #tpu.memory_space<hbm>> -> memref<128xi32, #tpu.memory_space<hbm>>
    tpu.enqueue_dma source(%dma_start3A_63 : memref<128xi32, #tpu.memory_space<hbm>>) target(%dma_start3A_60 : memref<128xi32, #tpu.memory_space<vmem>>) target_semaphore(%dma_start3A_57 : memref<!tpu.dma_semaphore, #tpu.memory_space<semaphore_mem>>)
    %add3A_64 = arith.constant 1 : i32
    %add3A_65 = arith.addi %select_n3A_8, %add3A_64 : i32
    %dma_start3A_66 = arith.constant 1 : i32
    %dma_start3A_67 = arith.constant 1 : i32
    %dma_start3A_68 = arith.constant 0 : i32
    %dma_start3A_69 = tpu.memref_slice %arg8[%dma_start3A_66, %dma_start3A_68] : memref<4x128xi32, #tpu.memory_space<vmem>> -> memref<1x128xi32, #tpu.memory_space<vmem>>
    %dma_start3A_70 = tpu.memref_squeeze %dma_start3A_69 : memref<1x128xi32, #tpu.memory_space<vmem>> -> memref<128xi32, #tpu.memory_space<vmem>>
    %dma_start3A_71 = arith.constant 0 : i32
    %dma_start3A_72 = tpu.memref_slice %arg4[%add3A_65, %dma_start3A_71] : memref<2528x128xi32, #tpu.memory_space<hbm>> -> memref<1x128xi32, #tpu.memory_space<hbm>>
    %dma_start3A_73 = tpu.memref_squeeze %dma_start3A_72 : memref<1x128xi32, #tpu.memory_space<hbm>> -> memref<128xi32, #tpu.memory_space<hbm>>
    %dma_start3A_74 = tpu.memref_slice %arg11[%dma_start3A_67] : memref<4x!tpu.dma_semaphore, #tpu.memory_space<semaphore_mem>> -> memref<1x!tpu.dma_semaphore, #tpu.memory_space<semaphore_mem>>
    %dma_start3A_75 = tpu.memref_squeeze %dma_start3A_74 : memref<1x!tpu.dma_semaphore, #tpu.memory_space<semaphore_mem>> -> memref<!tpu.dma_semaphore, #tpu.memory_space<semaphore_mem>>
    %dma_start3A_76 = arith.constant 0 : i32
    %dma_start3A_77 = tpu.memref_slice %arg8[%dma_start3A_66, %dma_start3A_76] : memref<4x128xi32, #tpu.memory_space<vmem>> -> memref<1x128xi32, #tpu.memory_space<vmem>>
    %dma_start3A_78 = tpu.memref_squeeze %dma_start3A_77 : memref<1x128xi32, #tpu.memory_space<vmem>> -> memref<128xi32, #tpu.memory_space<vmem>>
    %dma_start3A_79 = arith.constant 0 : i32
    %dma_start3A_80 = tpu.memref_slice %arg4[%add3A_65, %dma_start3A_79] : memref<2528x128xi32, #tpu.memory_space<hbm>> -> memref<1x128xi32, #tpu.memory_space<hbm>>
    %dma_start3A_81 = tpu.memref_squeeze %dma_start3A_80 : memref<1x128xi32, #tpu.memory_space<hbm>> -> memref<128xi32, #tpu.memory_space<hbm>>
    tpu.enqueue_dma source(%dma_start3A_81 : memref<128xi32, #tpu.memory_space<hbm>>) target(%dma_start3A_78 : memref<128xi32, #tpu.memory_space<vmem>>) target_semaphore(%dma_start3A_75 : memref<!tpu.dma_semaphore, #tpu.memory_space<semaphore_mem>>)
    %add3A_82 = arith.constant 2 : i32
    %add3A_83 = arith.addi %select_n3A_8, %add3A_82 : i32
    %dma_start3A_84 = arith.constant 2 : i32
    %dma_start3A_85 = arith.constant 2 : i32
    %dma_start3A_86 = arith.constant 0 : i32
    %dma_start3A_87 = tpu.memref_slice %arg7[%dma_start3A_84, %dma_start3A_86] : memref<4x128xi32, #tpu.memory_space<vmem>> -> memref<1x128xi32, #tpu.memory_space<vmem>>
    %dma_start3A_88 = tpu.memref_squeeze %dma_start3A_87 : memref<1x128xi32, #tpu.memory_space<vmem>> -> memref<128xi32, #tpu.memory_space<vmem>>
    %dma_start3A_89 = arith.constant 0 : i32
    %dma_start3A_90 = tpu.memref_slice %arg3[%add3A_83, %dma_start3A_89] : memref<2528x128xi32, #tpu.memory_space<hbm>> -> memref<1x128xi32, #tpu.memory_space<hbm>>
    %dma_start3A_91 = tpu.memref_squeeze %dma_start3A_90 : memref<1x128xi32, #tpu.memory_space<hbm>> -> memref<128xi32, #tpu.memory_space<hbm>>
    %dma_start3A_92 = tpu.memref_slice %arg11[%dma_start3A_85] : memref<4x!tpu.dma_semaphore, #tpu.memory_space<semaphore_mem>> -> memref<1x!tpu.dma_semaphore, #tpu.memory_space<semaphore_mem>>
    %dma_start3A_93 = tpu.memref_squeeze %dma_start3A_92 : memref<1x!tpu.dma_semaphore, #tpu.memory_space<semaphore_mem>> -> memref<!tpu.dma_semaphore, #tpu.memory_space<semaphore_mem>>
    %dma_start3A_94 = arith.constant 0 : i32
    %dma_start3A_95 = tpu.memref_slice %arg7[%dma_start3A_84, %dma_start3A_94] : memref<4x128xi32, #tpu.memory_space<vmem>> -> memref<1x128xi32, #tpu.memory_space<vmem>>
    %dma_start3A_96 = tpu.memref_squeeze %dma_start3A_95 : memref<1x128xi32, #tpu.memory_space<vmem>> -> memref<128xi32, #tpu.memory_space<vmem>>
    %dma_start3A_97 = arith.constant 0 : i32
    %dma_start3A_98 = tpu.memref_slice %arg3[%add3A_83, %dma_start3A_97] : memref<2528x128xi32, #tpu.memory_space<hbm>> -> memref<1x128xi32, #tpu.memory_space<hbm>>
    %dma_start3A_99 = tpu.memref_squeeze %dma_start3A_98 : memref<1x128xi32, #tpu.memory_space<hbm>> -> memref<128xi32, #tpu.memory_space<hbm>>
    tpu.enqueue_dma source(%dma_start3A_99 : memref<128xi32, #tpu.memory_space<hbm>>) target(%dma_start3A_96 : memref<128xi32, #tpu.memory_space<vmem>>) target_semaphore(%dma_start3A_93 : memref<!tpu.dma_semaphore, #tpu.memory_space<semaphore_mem>>)
    %add3A_100 = arith.constant 2 : i32
    %add3A_101 = arith.addi %select_n3A_8, %add3A_100 : i32
    %dma_start3A_102 = arith.constant 2 : i32
    %dma_start3A_103 = arith.constant 2 : i32
    %dma_start3A_104 = arith.constant 0 : i32
    %dma_start3A_105 = tpu.memref_slice %arg8[%dma_start3A_102, %dma_start3A_104] : memref<4x128xi32, #tpu.memory_space<vmem>> -> memref<1x128xi32, #tpu.memory_space<vmem>>
    %dma_start3A_106 = tpu.memref_squeeze %dma_start3A_105 : memref<1x128xi32, #tpu.memory_space<vmem>> -> memref<128xi32, #tpu.memory_space<vmem>>
    %dma_start3A_107 = arith.constant 0 : i32
    %dma_start3A_108 = tpu.memref_slice %arg4[%add3A_101, %dma_start3A_107] : memref<2528x128xi32, #tpu.memory_space<hbm>> -> memref<1x128xi32, #tpu.memory_space<hbm>>
    %dma_start3A_109 = tpu.memref_squeeze %dma_start3A_108 : memref<1x128xi32, #tpu.memory_space<hbm>> -> memref<128xi32, #tpu.memory_space<hbm>>
    %dma_start3A_110 = tpu.memref_slice %arg11[%dma_start3A_103] : memref<4x!tpu.dma_semaphore, #tpu.memory_space<semaphore_mem>> -> memref<1x!tpu.dma_semaphore, #tpu.memory_space<semaphore_mem>>
    %dma_start3A_111 = tpu.memref_squeeze %dma_start3A_110 : memref<1x!tpu.dma_semaphore, #tpu.memory_space<semaphore_mem>> -> memref<!tpu.dma_semaphore, #tpu.memory_space<semaphore_mem>>
    %dma_start3A_112 = arith.constant 0 : i32
    %dma_start3A_113 = tpu.memref_slice %arg8[%dma_start3A_102, %dma_start3A_112] : memref<4x128xi32, #tpu.memory_space<vmem>> -> memref<1x128xi32, #tpu.memory_space<vmem>>
    %dma_start3A_114 = tpu.memref_squeeze %dma_start3A_113 : memref<1x128xi32, #tpu.memory_space<vmem>> -> memref<128xi32, #tpu.memory_space<vmem>>
    %dma_start3A_115 = arith.constant 0 : i32
    %dma_start3A_116 = tpu.memref_slice %arg4[%add3A_101, %dma_start3A_115] : memref<2528x128xi32, #tpu.memory_space<hbm>> -> memref<1x128xi32, #tpu.memory_space<hbm>>
    %dma_start3A_117 = tpu.memref_squeeze %dma_start3A_116 : memref<1x128xi32, #tpu.memory_space<hbm>> -> memref<128xi32, #tpu.memory_space<hbm>>
    tpu.enqueue_dma source(%dma_start3A_117 : memref<128xi32, #tpu.memory_space<hbm>>) target(%dma_start3A_114 : memref<128xi32, #tpu.memory_space<vmem>>) target_semaphore(%dma_start3A_111 : memref<!tpu.dma_semaphore, #tpu.memory_space<semaphore_mem>>)
    %barrier3A = arith.constant 0 : index
    tpu.barrier barrier_id(%barrier3A)
    %add3A_118 = arith.constant 0 : i32
    %add3A_119 = arith.addi %select_n3A_8, %add3A_118 : i32
    %dma_wait3A = arith.constant 0 : i32
    %dma_wait3A_120 = arith.constant 0 : i32
    %dma_wait3A_121 = arith.constant 0 : i32
    %dma_wait3A_122 = tpu.memref_slice %arg7[%dma_wait3A, %dma_wait3A_121] : memref<4x128xi32, #tpu.memory_space<vmem>> -> memref<1x128xi32, #tpu.memory_space<vmem>>
    %dma_wait3A_123 = tpu.memref_squeeze %dma_wait3A_122 : memref<1x128xi32, #tpu.memory_space<vmem>> -> memref<128xi32, #tpu.memory_space<vmem>>
    %dma_wait3A_124 = arith.constant 0 : i32
    %dma_wait3A_125 = tpu.memref_slice %arg3[%add3A_119, %dma_wait3A_124] : memref<2528x128xi32, #tpu.memory_space<hbm>> -> memref<1x128xi32, #tpu.memory_space<hbm>>
    %dma_wait3A_126 = tpu.memref_squeeze %dma_wait3A_125 : memref<1x128xi32, #tpu.memory_space<hbm>> -> memref<128xi32, #tpu.memory_space<hbm>>
    %dma_wait3A_127 = tpu.memref_slice %arg11[%dma_wait3A_120] : memref<4x!tpu.dma_semaphore, #tpu.memory_space<semaphore_mem>> -> memref<1x!tpu.dma_semaphore, #tpu.memory_space<semaphore_mem>>
    %dma_wait3A_128 = tpu.memref_squeeze %dma_wait3A_127 : memref<1x!tpu.dma_semaphore, #tpu.memory_space<semaphore_mem>> -> memref<!tpu.dma_semaphore, #tpu.memory_space<semaphore_mem>>
    %dma_wait3A_129 = arith.constant 0 : i32
    %dma_wait3A_130 = tpu.memref_slice %arg7[%dma_wait3A, %dma_wait3A_129] : memref<4x128xi32, #tpu.memory_space<vmem>> -> memref<1x128xi32, #tpu.memory_space<vmem>>
    %dma_wait3A_131 = tpu.memref_squeeze %dma_wait3A_130 : memref<1x128xi32, #tpu.memory_space<vmem>> -> memref<128xi32, #tpu.memory_space<vmem>>
    %dma_wait3A_132 = arith.constant 0 : i32
    %dma_wait3A_133 = tpu.memref_slice %arg3[%add3A_119, %dma_wait3A_132] : memref<2528x128xi32, #tpu.memory_space<hbm>> -> memref<1x128xi32, #tpu.memory_space<hbm>>
    %dma_wait3A_134 = tpu.memref_squeeze %dma_wait3A_133 : memref<1x128xi32, #tpu.memory_space<hbm>> -> memref<128xi32, #tpu.memory_space<hbm>>
    tpu.wait_dma2 semaphore(%dma_wait3A_128 : memref<!tpu.dma_semaphore, #tpu.memory_space<semaphore_mem>>) src(%dma_wait3A_134 : memref<128xi32, #tpu.memory_space<hbm>>) dst(%dma_wait3A_131 : memref<128xi32, #tpu.memory_space<vmem>>)
    %add3A_135 = arith.constant 0 : i32
    %add3A_136 = arith.addi %select_n3A_8, %add3A_135 : i32
    %dma_wait3A_137 = arith.constant 0 : i32
    %dma_wait3A_138 = arith.constant 0 : i32
    %dma_wait3A_139 = arith.constant 0 : i32
    %dma_wait3A_140 = tpu.memref_slice %arg8[%dma_wait3A_137, %dma_wait3A_139] : memref<4x128xi32, #tpu.memory_space<vmem>> -> memref<1x128xi32, #tpu.memory_space<vmem>>
    %dma_wait3A_141 = tpu.memref_squeeze %dma_wait3A_140 : memref<1x128xi32, #tpu.memory_space<vmem>> -> memref<128xi32, #tpu.memory_space<vmem>>
    %dma_wait3A_142 = arith.constant 0 : i32
    %dma_wait3A_143 = tpu.memref_slice %arg4[%add3A_136, %dma_wait3A_142] : memref<2528x128xi32, #tpu.memory_space<hbm>> -> memref<1x128xi32, #tpu.memory_space<hbm>>
    %dma_wait3A_144 = tpu.memref_squeeze %dma_wait3A_143 : memref<1x128xi32, #tpu.memory_space<hbm>> -> memref<128xi32, #tpu.memory_space<hbm>>
    %dma_wait3A_145 = tpu.memref_slice %arg11[%dma_wait3A_138] : memref<4x!tpu.dma_semaphore, #tpu.memory_space<semaphore_mem>> -> memref<1x!tpu.dma_semaphore, #tpu.memory_space<semaphore_mem>>
    %dma_wait3A_146 = tpu.memref_squeeze %dma_wait3A_145 : memref<1x!tpu.dma_semaphore, #tpu.memory_space<semaphore_mem>> -> memref<!tpu.dma_semaphore, #tpu.memory_space<semaphore_mem>>
    %dma_wait3A_147 = arith.constant 0 : i32
    %dma_wait3A_148 = tpu.memref_slice %arg8[%dma_wait3A_137, %dma_wait3A_147] : memref<4x128xi32, #tpu.memory_space<vmem>> -> memref<1x128xi32, #tpu.memory_space<vmem>>
    %dma_wait3A_149 = tpu.memref_squeeze %dma_wait3A_148 : memref<1x128xi32, #tpu.memory_space<vmem>> -> memref<128xi32, #tpu.memory_space<vmem>>
    %dma_wait3A_150 = arith.constant 0 : i32
    %dma_wait3A_151 = tpu.memref_slice %arg4[%add3A_136, %dma_wait3A_150] : memref<2528x128xi32, #tpu.memory_space<hbm>> -> memref<1x128xi32, #tpu.memory_space<hbm>>
    %dma_wait3A_152 = tpu.memref_squeeze %dma_wait3A_151 : memref<1x128xi32, #tpu.memory_space<hbm>> -> memref<128xi32, #tpu.memory_space<hbm>>
    tpu.wait_dma2 semaphore(%dma_wait3A_146 : memref<!tpu.dma_semaphore, #tpu.memory_space<semaphore_mem>>) src(%dma_wait3A_152 : memref<128xi32, #tpu.memory_space<hbm>>) dst(%dma_wait3A_149 : memref<128xi32, #tpu.memory_space<vmem>>)
    %dma_start3A_153 = arith.constant 0 : i32
    %dma_start3A_154 = arith.constant 0 : i32
    %dma_start3A_155 = arith.constant 0 : i32
    %dma_start3A_156 = arith.constant 0 : i32
    %dma_start3A_157 = arith.constant 0 : i32
    %dma_start3A_158 = tpu.memref_slice %arg9[%dma_start3A_154, %dma_start3A_156, %dma_start3A_157] : memref<2x128x128xf32, #tpu.memory_space<vmem>> -> memref<1x128x128xf32, #tpu.memory_space<vmem>>
    %dma_start3A_159 = tpu.memref_squeeze %dma_start3A_158 : memref<1x128x128xf32, #tpu.memory_space<vmem>> -> memref<128x128xf32, #tpu.memory_space<vmem>>
    %dma_start3A_160 = arith.constant 0 : i32
    %dma_start3A_161 = tpu.memref_slice %arg7[%dma_start3A_153, %dma_start3A_160] : memref<4x128xi32, #tpu.memory_space<vmem>> -> memref<1x128xi32, #tpu.memory_space<vmem>>
    %dma_start3A_162 = tpu.memref_squeeze %dma_start3A_161 : memref<1x128xi32, #tpu.memory_space<vmem>> -> memref<128xi32, #tpu.memory_space<vmem>>
    %dma_start3A_163 = arith.constant 0 : i32
    %dma_start3A_164 = arith.constant 0 : i32
    %dma_start3A_165 = tpu.memref_slice %arg2[%dma_start3A_163, %dma_start3A_164] : memref<10112x128xf32, #tpu.memory_space<hbm>> -> memref<10112x128xf32, #tpu.memory_space<hbm>>
    %dma_start3A_166 = tpu.memref_slice %arg12[%dma_start3A_155] : memref<2x!tpu.dma_semaphore, #tpu.memory_space<semaphore_mem>> -> memref<1x!tpu.dma_semaphore, #tpu.memory_space<semaphore_mem>>
    %dma_start3A_167 = tpu.memref_squeeze %dma_start3A_166 : memref<1x!tpu.dma_semaphore, #tpu.memory_space<semaphore_mem>> -> memref<!tpu.dma_semaphore, #tpu.memory_space<semaphore_mem>>
    tpu.enqueue_indirect_dma source(%dma_start3A_165 : memref<10112x128xf32, #tpu.memory_space<hbm>>) target(%dma_start3A_159 : memref<128x128xf32, #tpu.memory_space<vmem>>) offsets(%dma_start3A_162 : memref<128xi32, #tpu.memory_space<vmem>>) semaphore(%dma_start3A_167 : memref<!tpu.dma_semaphore, #tpu.memory_space<semaphore_mem>>)
    %scan3A = arith.constant 0 : i32
    %scan3A_168 = arith.constant 0 : i32
    %scan3A_169 = arith.constant 114 : i32
    %scan3A_170 = arith.addi %scan3A_168, %scan3A_169 : i32
    %scan3A_171 = arith.constant 1 : i32
    scf.for %scan3A_212 = %scan3A_168 to %scan3A_170 step %scan3A_171  : i32 {
      %rem3A_213 = arith.constant 2 : i32
      %rem3A_214 = arith.remsi %scan3A_212, %rem3A_213 : i32
      %sub3A_215 = arith.constant 1 : i32
      %sub3A_216 = arith.subi %sub3A_215, %rem3A_214 : i32
      %add3A_217 = arith.constant 1 : i32
      %add3A_218 = arith.addi %scan3A_212, %add3A_217 : i32
      %rem3A_219 = arith.constant 4 : i32
      %rem3A_220 = arith.remsi %add3A_218, %rem3A_219 : i32
      %add3A_221 = arith.constant 3 : i32
      %add3A_222 = arith.addi %scan3A_212, %add3A_221 : i32
      %rem3A_223 = arith.constant 4 : i32
      %rem3A_224 = arith.remsi %add3A_222, %rem3A_223 : i32
      %add3A_225 = arith.constant 1 : i32
      %add3A_226 = arith.addi %scan3A_212, %add3A_225 : i32
      %lt3A = arith.cmpi slt, %add3A_226, %select_n3A : i32
      %convert_element_type3A = arith.extui %lt3A : i1 to i32
      %cond3A = arith.constant 0 : i32
      %cond3A_227 = arith.cmpi ne, %convert_element_type3A, %cond3A : i32
      scf.if %cond3A_227 {
        %add3A_238 = arith.constant 1 : i32
        %add3A_239 = arith.addi %scan3A_212, %add3A_238 : i32
        %add3A_240 = arith.addi %select_n3A_8, %add3A_239 : i32
        %dma_wait3A_241 = arith.constant 0 : i32
        %dma_wait3A_242 = tpu.memref_slice %arg7[%rem3A_220, %dma_wait3A_241] : memref<4x128xi32, #tpu.memory_space<vmem>> -> memref<1x128xi32, #tpu.memory_space<vmem>>
        %dma_wait3A_243 = tpu.memref_squeeze %dma_wait3A_242 : memref<1x128xi32, #tpu.memory_space<vmem>> -> memref<128xi32, #tpu.memory_space<vmem>>
        %dma_wait3A_244 = arith.constant 0 : i32
        %dma_wait3A_245 = tpu.memref_slice %arg3[%add3A_240, %dma_wait3A_244] : memref<2528x128xi32, #tpu.memory_space<hbm>> -> memref<1x128xi32, #tpu.memory_space<hbm>>
        %dma_wait3A_246 = tpu.memref_squeeze %dma_wait3A_245 : memref<1x128xi32, #tpu.memory_space<hbm>> -> memref<128xi32, #tpu.memory_space<hbm>>
        %dma_wait3A_247 = tpu.memref_slice %arg11[%rem3A_220] : memref<4x!tpu.dma_semaphore, #tpu.memory_space<semaphore_mem>> -> memref<1x!tpu.dma_semaphore, #tpu.memory_space<semaphore_mem>>
        %dma_wait3A_248 = tpu.memref_squeeze %dma_wait3A_247 : memref<1x!tpu.dma_semaphore, #tpu.memory_space<semaphore_mem>> -> memref<!tpu.dma_semaphore, #tpu.memory_space<semaphore_mem>>
        %dma_wait3A_249 = arith.constant 0 : i32
        %dma_wait3A_250 = tpu.memref_slice %arg7[%rem3A_220, %dma_wait3A_249] : memref<4x128xi32, #tpu.memory_space<vmem>> -> memref<1x128xi32, #tpu.memory_space<vmem>>
        %dma_wait3A_251 = tpu.memref_squeeze %dma_wait3A_250 : memref<1x128xi32, #tpu.memory_space<vmem>> -> memref<128xi32, #tpu.memory_space<vmem>>
        %dma_wait3A_252 = arith.constant 0 : i32
        %dma_wait3A_253 = tpu.memref_slice %arg3[%add3A_240, %dma_wait3A_252] : memref<2528x128xi32, #tpu.memory_space<hbm>> -> memref<1x128xi32, #tpu.memory_space<hbm>>
        %dma_wait3A_254 = tpu.memref_squeeze %dma_wait3A_253 : memref<1x128xi32, #tpu.memory_space<hbm>> -> memref<128xi32, #tpu.memory_space<hbm>>
        tpu.wait_dma2 semaphore(%dma_wait3A_248 : memref<!tpu.dma_semaphore, #tpu.memory_space<semaphore_mem>>) src(%dma_wait3A_254 : memref<128xi32, #tpu.memory_space<hbm>>) dst(%dma_wait3A_251 : memref<128xi32, #tpu.memory_space<vmem>>)
        %add3A_255 = arith.addi %select_n3A_8, %add3A_239 : i32
        %dma_wait3A_256 = arith.constant 0 : i32
        %dma_wait3A_257 = tpu.memref_slice %arg8[%rem3A_220, %dma_wait3A_256] : memref<4x128xi32, #tpu.memory_space<vmem>> -> memref<1x128xi32, #tpu.memory_space<vmem>>
        %dma_wait3A_258 = tpu.memref_squeeze %dma_wait3A_257 : memref<1x128xi32, #tpu.memory_space<vmem>> -> memref<128xi32, #tpu.memory_space<vmem>>
        %dma_wait3A_259 = arith.constant 0 : i32
        %dma_wait3A_260 = tpu.memref_slice %arg4[%add3A_255, %dma_wait3A_259] : memref<2528x128xi32, #tpu.memory_space<hbm>> -> memref<1x128xi32, #tpu.memory_space<hbm>>
        %dma_wait3A_261 = tpu.memref_squeeze %dma_wait3A_260 : memref<1x128xi32, #tpu.memory_space<hbm>> -> memref<128xi32, #tpu.memory_space<hbm>>
        %dma_wait3A_262 = tpu.memref_slice %arg11[%rem3A_220] : memref<4x!tpu.dma_semaphore, #tpu.memory_space<semaphore_mem>> -> memref<1x!tpu.dma_semaphore, #tpu.memory_space<semaphore_mem>>
        %dma_wait3A_263 = tpu.memref_squeeze %dma_wait3A_262 : memref<1x!tpu.dma_semaphore, #tpu.memory_space<semaphore_mem>> -> memref<!tpu.dma_semaphore, #tpu.memory_space<semaphore_mem>>
        %dma_wait3A_264 = arith.constant 0 : i32
        %dma_wait3A_265 = tpu.memref_slice %arg8[%rem3A_220, %dma_wait3A_264] : memref<4x128xi32, #tpu.memory_space<vmem>> -> memref<1x128xi32, #tpu.memory_space<vmem>>
        %dma_wait3A_266 = tpu.memref_squeeze %dma_wait3A_265 : memref<1x128xi32, #tpu.memory_space<vmem>> -> memref<128xi32, #tpu.memory_space<vmem>>
        %dma_wait3A_267 = arith.constant 0 : i32
        %dma_wait3A_268 = tpu.memref_slice %arg4[%add3A_255, %dma_wait3A_267] : memref<2528x128xi32, #tpu.memory_space<hbm>> -> memref<1x128xi32, #tpu.memory_space<hbm>>
        %dma_wait3A_269 = tpu.memref_squeeze %dma_wait3A_268 : memref<1x128xi32, #tpu.memory_space<hbm>> -> memref<128xi32, #tpu.memory_space<hbm>>
        tpu.wait_dma2 semaphore(%dma_wait3A_263 : memref<!tpu.dma_semaphore, #tpu.memory_space<semaphore_mem>>) src(%dma_wait3A_269 : memref<128xi32, #tpu.memory_space<hbm>>) dst(%dma_wait3A_266 : memref<128xi32, #tpu.memory_space<vmem>>)
        %ge3A = arith.constant 1 : i32
        %ge3A_270 = arith.cmpi sge, %scan3A_212, %ge3A : i32
        %convert_element_type3A_271 = arith.extui %ge3A_270 : i1 to i32
        %cond3A_272 = arith.constant 0 : i32
        %cond3A_273 = arith.cmpi ne, %convert_element_type3A_271, %cond3A_272 : i32
        scf.if %cond3A_273 {
          %add3A_286 = arith.constant 3 : i32
          %add3A_287 = arith.addi %scan3A_212, %add3A_286 : i32
          %rem3A_288 = arith.constant 4 : i32
          %rem3A_289 = arith.remsi %add3A_287, %rem3A_288 : i32
          %dma_wait3A_290 = arith.constant 0 : i32
          %dma_wait3A_291 = arith.constant 0 : i32
          %dma_wait3A_292 = tpu.memref_slice %arg9[%sub3A_216, %dma_wait3A_290, %dma_wait3A_291] : memref<2x128x128xf32, #tpu.memory_space<vmem>> -> memref<1x128x128xf32, #tpu.memory_space<vmem>>
          %dma_wait3A_293 = tpu.memref_squeeze %dma_wait3A_292 : memref<1x128x128xf32, #tpu.memory_space<vmem>> -> memref<128x128xf32, #tpu.memory_space<vmem>>
          %dma_wait3A_294 = arith.constant 0 : i32
          %dma_wait3A_295 = tpu.memref_slice %arg8[%rem3A_289, %dma_wait3A_294] : memref<4x128xi32, #tpu.memory_space<vmem>> -> memref<1x128xi32, #tpu.memory_space<vmem>>
          %dma_wait3A_296 = tpu.memref_squeeze %dma_wait3A_295 : memref<1x128xi32, #tpu.memory_space<vmem>> -> memref<128xi32, #tpu.memory_space<vmem>>
          %dma_wait3A_297 = arith.constant 0 : i32
          %dma_wait3A_298 = arith.constant 0 : i32
          %dma_wait3A_299 = tpu.memref_slice %arg10[%dma_wait3A_297, %dma_wait3A_298] : memref<10112x128xf32, #tpu.memory_space<vmem_shared>> -> memref<10112x128xf32, #tpu.memory_space<vmem_shared>>
          %dma_wait3A_300 = tpu.memref_slice %arg13[%sub3A_216] : memref<2x!tpu.dma_semaphore, #tpu.memory_space<semaphore_mem>> -> memref<1x!tpu.dma_semaphore, #tpu.memory_space<semaphore_mem>>
          %dma_wait3A_301 = tpu.memref_squeeze %dma_wait3A_300 : memref<1x!tpu.dma_semaphore, #tpu.memory_space<semaphore_mem>> -> memref<!tpu.dma_semaphore, #tpu.memory_space<semaphore_mem>>
          tpu.wait_indirect_dma semaphore(%dma_wait3A_301 : memref<!tpu.dma_semaphore, #tpu.memory_space<semaphore_mem>>) src(%dma_wait3A_293 : memref<128x128xf32, #tpu.memory_space<vmem>>) dst(%dma_wait3A_299 : memref<10112x128xf32, #tpu.memory_space<vmem_shared>>)
        } else {
        }
        %dma_start3A_274 = arith.constant 0 : i32
        %dma_start3A_275 = arith.constant 0 : i32
        %dma_start3A_276 = tpu.memref_slice %arg9[%sub3A_216, %dma_start3A_274, %dma_start3A_275] : memref<2x128x128xf32, #tpu.memory_space<vmem>> -> memref<1x128x128xf32, #tpu.memory_space<vmem>>
        %dma_start3A_277 = tpu.memref_squeeze %dma_start3A_276 : memref<1x128x128xf32, #tpu.memory_space<vmem>> -> memref<128x128xf32, #tpu.memory_space<vmem>>
        %dma_start3A_278 = arith.constant 0 : i32
        %dma_start3A_279 = tpu.memref_slice %arg7[%rem3A_220, %dma_start3A_278] : memref<4x128xi32, #tpu.memory_space<vmem>> -> memref<1x128xi32, #tpu.memory_space<vmem>>
        %dma_start3A_280 = tpu.memref_squeeze %dma_start3A_279 : memref<1x128xi32, #tpu.memory_space<vmem>> -> memref<128xi32, #tpu.memory_space<vmem>>
        %dma_start3A_281 = arith.constant 0 : i32
        %dma_start3A_282 = arith.constant 0 : i32
        %dma_start3A_283 = tpu.memref_slice %arg2[%dma_start3A_281, %dma_start3A_282] : memref<10112x128xf32, #tpu.memory_space<hbm>> -> memref<10112x128xf32, #tpu.memory_space<hbm>>
        %dma_start3A_284 = tpu.memref_slice %arg12[%sub3A_216] : memref<2x!tpu.dma_semaphore, #tpu.memory_space<semaphore_mem>> -> memref<1x!tpu.dma_semaphore, #tpu.memory_space<semaphore_mem>>
        %dma_start3A_285 = tpu.memref_squeeze %dma_start3A_284 : memref<1x!tpu.dma_semaphore, #tpu.memory_space<semaphore_mem>> -> memref<!tpu.dma_semaphore, #tpu.memory_space<semaphore_mem>>
        tpu.enqueue_indirect_dma source(%dma_start3A_283 : memref<10112x128xf32, #tpu.memory_space<hbm>>) target(%dma_start3A_277 : memref<128x128xf32, #tpu.memory_space<vmem>>) offsets(%dma_start3A_280 : memref<128xi32, #tpu.memory_space<vmem>>) semaphore(%dma_start3A_285 : memref<!tpu.dma_semaphore, #tpu.memory_space<semaphore_mem>>)
      } else {
      }
      %add3A_228 = arith.constant 3 : i32
      %add3A_229 = arith.addi %scan3A_212, %add3A_228 : i32
      %lt3A_230 = arith.cmpi slt, %add3A_229, %select_n3A : i32
      %convert_element_type3A_231 = arith.extui %lt3A_230 : i1 to i32
      %cond3A_232 = arith.constant 0 : i32
      %cond3A_233 = arith.cmpi ne, %convert_element_type3A_231, %cond3A_232 : i32
      scf.if %cond3A_233 {
        %add3A_238 = arith.constant 3 : i32
        %add3A_239 = arith.addi %scan3A_212, %add3A_238 : i32
        %add3A_240 = arith.addi %select_n3A_8, %add3A_239 : i32
        %dma_start3A_241 = arith.constant 0 : i32
        %dma_start3A_242 = tpu.memref_slice %arg7[%rem3A_224, %dma_start3A_241] : memref<4x128xi32, #tpu.memory_space<vmem>> -> memref<1x128xi32, #tpu.memory_space<vmem>>
        %dma_start3A_243 = tpu.memref_squeeze %dma_start3A_242 : memref<1x128xi32, #tpu.memory_space<vmem>> -> memref<128xi32, #tpu.memory_space<vmem>>
        %dma_start3A_244 = arith.constant 0 : i32
        %dma_start3A_245 = tpu.memref_slice %arg3[%add3A_240, %dma_start3A_244] : memref<2528x128xi32, #tpu.memory_space<hbm>> -> memref<1x128xi32, #tpu.memory_space<hbm>>
        %dma_start3A_246 = tpu.memref_squeeze %dma_start3A_245 : memref<1x128xi32, #tpu.memory_space<hbm>> -> memref<128xi32, #tpu.memory_space<hbm>>
        %dma_start3A_247 = tpu.memref_slice %arg11[%rem3A_224] : memref<4x!tpu.dma_semaphore, #tpu.memory_space<semaphore_mem>> -> memref<1x!tpu.dma_semaphore, #tpu.memory_space<semaphore_mem>>
        %dma_start3A_248 = tpu.memref_squeeze %dma_start3A_247 : memref<1x!tpu.dma_semaphore, #tpu.memory_space<semaphore_mem>> -> memref<!tpu.dma_semaphore, #tpu.memory_space<semaphore_mem>>
        %dma_start3A_249 = arith.constant 0 : i32
        %dma_start3A_250 = tpu.memref_slice %arg7[%rem3A_224, %dma_start3A_249] : memref<4x128xi32, #tpu.memory_space<vmem>> -> memref<1x128xi32, #tpu.memory_space<vmem>>
        %dma_start3A_251 = tpu.memref_squeeze %dma_start3A_250 : memref<1x128xi32, #tpu.memory_space<vmem>> -> memref<128xi32, #tpu.memory_space<vmem>>
        %dma_start3A_252 = arith.constant 0 : i32
        %dma_start3A_253 = tpu.memref_slice %arg3[%add3A_240, %dma_start3A_252] : memref<2528x128xi32, #tpu.memory_space<hbm>> -> memref<1x128xi32, #tpu.memory_space<hbm>>
        %dma_start3A_254 = tpu.memref_squeeze %dma_start3A_253 : memref<1x128xi32, #tpu.memory_space<hbm>> -> memref<128xi32, #tpu.memory_space<hbm>>
        tpu.enqueue_dma source(%dma_start3A_254 : memref<128xi32, #tpu.memory_space<hbm>>) target(%dma_start3A_251 : memref<128xi32, #tpu.memory_space<vmem>>) target_semaphore(%dma_start3A_248 : memref<!tpu.dma_semaphore, #tpu.memory_space<semaphore_mem>>)
        %add3A_255 = arith.addi %select_n3A_8, %add3A_239 : i32
        %dma_start3A_256 = arith.constant 0 : i32
        %dma_start3A_257 = tpu.memref_slice %arg8[%rem3A_224, %dma_start3A_256] : memref<4x128xi32, #tpu.memory_space<vmem>> -> memref<1x128xi32, #tpu.memory_space<vmem>>
        %dma_start3A_258 = tpu.memref_squeeze %dma_start3A_257 : memref<1x128xi32, #tpu.memory_space<vmem>> -> memref<128xi32, #tpu.memory_space<vmem>>
        %dma_start3A_259 = arith.constant 0 : i32
        %dma_start3A_260 = tpu.memref_slice %arg4[%add3A_255, %dma_start3A_259] : memref<2528x128xi32, #tpu.memory_space<hbm>> -> memref<1x128xi32, #tpu.memory_space<hbm>>
        %dma_start3A_261 = tpu.memref_squeeze %dma_start3A_260 : memref<1x128xi32, #tpu.memory_space<hbm>> -> memref<128xi32, #tpu.memory_space<hbm>>
        %dma_start3A_262 = tpu.memref_slice %arg11[%rem3A_224] : memref<4x!tpu.dma_semaphore, #tpu.memory_space<semaphore_mem>> -> memref<1x!tpu.dma_semaphore, #tpu.memory_space<semaphore_mem>>
        %dma_start3A_263 = tpu.memref_squeeze %dma_start3A_262 : memref<1x!tpu.dma_semaphore, #tpu.memory_space<semaphore_mem>> -> memref<!tpu.dma_semaphore, #tpu.memory_space<semaphore_mem>>
        %dma_start3A_264 = arith.constant 0 : i32
        %dma_start3A_265 = tpu.memref_slice %arg8[%rem3A_224, %dma_start3A_264] : memref<4x128xi32, #tpu.memory_space<vmem>> -> memref<1x128xi32, #tpu.memory_space<vmem>>
        %dma_start3A_266 = tpu.memref_squeeze %dma_start3A_265 : memref<1x128xi32, #tpu.memory_space<vmem>> -> memref<128xi32, #tpu.memory_space<vmem>>
        %dma_start3A_267 = arith.constant 0 : i32
        %dma_start3A_268 = tpu.memref_slice %arg4[%add3A_255, %dma_start3A_267] : memref<2528x128xi32, #tpu.memory_space<hbm>> -> memref<1x128xi32, #tpu.memory_space<hbm>>
        %dma_start3A_269 = tpu.memref_squeeze %dma_start3A_268 : memref<1x128xi32, #tpu.memory_space<hbm>> -> memref<128xi32, #tpu.memory_space<hbm>>
        tpu.enqueue_dma source(%dma_start3A_269 : memref<128xi32, #tpu.memory_space<hbm>>) target(%dma_start3A_266 : memref<128xi32, #tpu.memory_space<vmem>>) target_semaphore(%dma_start3A_263 : memref<!tpu.dma_semaphore, #tpu.memory_space<semaphore_mem>>)
      } else {
      }
      %lt3A_234 = arith.cmpi slt, %scan3A_212, %select_n3A : i32
      %convert_element_type3A_235 = arith.extui %lt3A_234 : i1 to i32
      %cond3A_236 = arith.constant 0 : i32
      %cond3A_237 = arith.cmpi ne, %convert_element_type3A_235, %cond3A_236 : i32
      scf.if %cond3A_237 {
        %rem3A_238 = arith.constant 4 : i32
        %rem3A_239 = arith.remsi %scan3A_212, %rem3A_238 : i32
        %dma_wait3A_240 = arith.constant 0 : i32
        %dma_wait3A_241 = arith.constant 0 : i32
        %dma_wait3A_242 = tpu.memref_slice %arg9[%rem3A_214, %dma_wait3A_240, %dma_wait3A_241] : memref<2x128x128xf32, #tpu.memory_space<vmem>> -> memref<1x128x128xf32, #tpu.memory_space<vmem>>
        %dma_wait3A_243 = tpu.memref_squeeze %dma_wait3A_242 : memref<1x128x128xf32, #tpu.memory_space<vmem>> -> memref<128x128xf32, #tpu.memory_space<vmem>>
        %dma_wait3A_244 = arith.constant 0 : i32
        %dma_wait3A_245 = tpu.memref_slice %arg7[%rem3A_239, %dma_wait3A_244] : memref<4x128xi32, #tpu.memory_space<vmem>> -> memref<1x128xi32, #tpu.memory_space<vmem>>
        %dma_wait3A_246 = tpu.memref_squeeze %dma_wait3A_245 : memref<1x128xi32, #tpu.memory_space<vmem>> -> memref<128xi32, #tpu.memory_space<vmem>>
        %dma_wait3A_247 = arith.constant 0 : i32
        %dma_wait3A_248 = arith.constant 0 : i32
        %dma_wait3A_249 = tpu.memref_slice %arg2[%dma_wait3A_247, %dma_wait3A_248] : memref<10112x128xf32, #tpu.memory_space<hbm>> -> memref<10112x128xf32, #tpu.memory_space<hbm>>
        %dma_wait3A_250 = tpu.memref_slice %arg12[%rem3A_214] : memref<2x!tpu.dma_semaphore, #tpu.memory_space<semaphore_mem>> -> memref<1x!tpu.dma_semaphore, #tpu.memory_space<semaphore_mem>>
        %dma_wait3A_251 = tpu.memref_squeeze %dma_wait3A_250 : memref<1x!tpu.dma_semaphore, #tpu.memory_space<semaphore_mem>> -> memref<!tpu.dma_semaphore, #tpu.memory_space<semaphore_mem>>
        tpu.wait_indirect_dma semaphore(%dma_wait3A_251 : memref<!tpu.dma_semaphore, #tpu.memory_space<semaphore_mem>>) src(%dma_wait3A_249 : memref<10112x128xf32, #tpu.memory_space<hbm>>) dst(%dma_wait3A_243 : memref<128x128xf32, #tpu.memory_space<vmem>>)
        %rem3A_252 = arith.constant 4 : i32
        %rem3A_253 = arith.remsi %scan3A_212, %rem3A_252 : i32
        %dma_start3A_254 = arith.constant 0 : i32
        %dma_start3A_255 = arith.constant 0 : i32
        %dma_start3A_256 = tpu.memref_slice %arg9[%rem3A_214, %dma_start3A_254, %dma_start3A_255] : memref<2x128x128xf32, #tpu.memory_space<vmem>> -> memref<1x128x128xf32, #tpu.memory_space<vmem>>
        %dma_start3A_257 = tpu.memref_squeeze %dma_start3A_256 : memref<1x128x128xf32, #tpu.memory_space<vmem>> -> memref<128x128xf32, #tpu.memory_space<vmem>>
        %dma_start3A_258 = arith.constant 0 : i32
        %dma_start3A_259 = tpu.memref_slice %arg8[%rem3A_253, %dma_start3A_258] : memref<4x128xi32, #tpu.memory_space<vmem>> -> memref<1x128xi32, #tpu.memory_space<vmem>>
        %dma_start3A_260 = tpu.memref_squeeze %dma_start3A_259 : memref<1x128xi32, #tpu.memory_space<vmem>> -> memref<128xi32, #tpu.memory_space<vmem>>
        %dma_start3A_261 = arith.constant 0 : i32
        %dma_start3A_262 = arith.constant 0 : i32
        %dma_start3A_263 = tpu.memref_slice %arg10[%dma_start3A_261, %dma_start3A_262] : memref<10112x128xf32, #tpu.memory_space<vmem_shared>> -> memref<10112x128xf32, #tpu.memory_space<vmem_shared>>
        %dma_start3A_264 = tpu.memref_slice %arg13[%rem3A_214] : memref<2x!tpu.dma_semaphore, #tpu.memory_space<semaphore_mem>> -> memref<1x!tpu.dma_semaphore, #tpu.memory_space<semaphore_mem>>
        %dma_start3A_265 = tpu.memref_squeeze %dma_start3A_264 : memref<1x!tpu.dma_semaphore, #tpu.memory_space<semaphore_mem>> -> memref<!tpu.dma_semaphore, #tpu.memory_space<semaphore_mem>>
        tpu.enqueue_indirect_dma source(%dma_start3A_257 : memref<128x128xf32, #tpu.memory_space<vmem>>) target(%dma_start3A_263 : memref<10112x128xf32, #tpu.memory_space<vmem_shared>>) offsets(%dma_start3A_260 : memref<128xi32, #tpu.memory_space<vmem>>) semaphore(%dma_start3A_265 : memref<!tpu.dma_semaphore, #tpu.memory_space<semaphore_mem>>) {add = true}
      } else {
      }
    }
    %scan3A_172 = arith.constant 114 : i32
    %sub3A = arith.constant 2 : i32
    %sub3A_173 = arith.subi %select_n3A, %sub3A : i32
    %rem3A = arith.constant 2 : i32
    %rem3A_174 = arith.remsi %sub3A_173, %rem3A : i32
    %rem3A_175 = arith.constant 4 : i32
    %rem3A_176 = arith.remsi %sub3A_173, %rem3A_175 : i32
    %rem3A_177 = arith.constant 2 : i32
    %rem3A_178 = arith.remsi %sub3A_173, %rem3A_177 : i32
    %dma_wait3A_179 = arith.constant 0 : i32
    %dma_wait3A_180 = arith.constant 0 : i32
    %dma_wait3A_181 = tpu.memref_slice %arg9[%rem3A_174, %dma_wait3A_179, %dma_wait3A_180] : memref<2x128x128xf32, #tpu.memory_space<vmem>> -> memref<1x128x128xf32, #tpu.memory_space<vmem>>
    %dma_wait3A_182 = tpu.memref_squeeze %dma_wait3A_181 : memref<1x128x128xf32, #tpu.memory_space<vmem>> -> memref<128x128xf32, #tpu.memory_space<vmem>>
    %dma_wait3A_183 = arith.constant 0 : i32
    %dma_wait3A_184 = tpu.memref_slice %arg8[%rem3A_176, %dma_wait3A_183] : memref<4x128xi32, #tpu.memory_space<vmem>> -> memref<1x128xi32, #tpu.memory_space<vmem>>
    %dma_wait3A_185 = tpu.memref_squeeze %dma_wait3A_184 : memref<1x128xi32, #tpu.memory_space<vmem>> -> memref<128xi32, #tpu.memory_space<vmem>>
    %dma_wait3A_186 = arith.constant 0 : i32
    %dma_wait3A_187 = arith.constant 0 : i32
    %dma_wait3A_188 = tpu.memref_slice %arg10[%dma_wait3A_186, %dma_wait3A_187] : memref<10112x128xf32, #tpu.memory_space<vmem_shared>> -> memref<10112x128xf32, #tpu.memory_space<vmem_shared>>
    %dma_wait3A_189 = tpu.memref_slice %arg13[%rem3A_178] : memref<2x!tpu.dma_semaphore, #tpu.memory_space<semaphore_mem>> -> memref<1x!tpu.dma_semaphore, #tpu.memory_space<semaphore_mem>>
    %dma_wait3A_190 = tpu.memref_squeeze %dma_wait3A_189 : memref<1x!tpu.dma_semaphore, #tpu.memory_space<semaphore_mem>> -> memref<!tpu.dma_semaphore, #tpu.memory_space<semaphore_mem>>
    tpu.wait_indirect_dma semaphore(%dma_wait3A_190 : memref<!tpu.dma_semaphore, #tpu.memory_space<semaphore_mem>>) src(%dma_wait3A_182 : memref<128x128xf32, #tpu.memory_space<vmem>>) dst(%dma_wait3A_188 : memref<10112x128xf32, #tpu.memory_space<vmem_shared>>)
    %sub3A_191 = arith.constant 1 : i32
    %sub3A_192 = arith.subi %select_n3A, %sub3A_191 : i32
    %rem3A_193 = arith.constant 2 : i32
    %rem3A_194 = arith.remsi %sub3A_192, %rem3A_193 : i32
    %rem3A_195 = arith.constant 4 : i32
    %rem3A_196 = arith.remsi %sub3A_192, %rem3A_195 : i32
    %rem3A_197 = arith.constant 2 : i32
    %rem3A_198 = arith.remsi %sub3A_192, %rem3A_197 : i32
    %dma_wait3A_199 = arith.constant 0 : i32
    %dma_wait3A_200 = arith.constant 0 : i32
    %dma_wait3A_201 = tpu.memref_slice %arg9[%rem3A_194, %dma_wait3A_199, %dma_wait3A_200] : memref<2x128x128xf32, #tpu.memory_space<vmem>> -> memref<1x128x128xf32, #tpu.memory_space<vmem>>
    %dma_wait3A_202 = tpu.memref_squeeze %dma_wait3A_201 : memref<1x128x128xf32, #tpu.memory_space<vmem>> -> memref<128x128xf32, #tpu.memory_space<vmem>>
    %dma_wait3A_203 = arith.constant 0 : i32
    %dma_wait3A_204 = tpu.memref_slice %arg8[%rem3A_196, %dma_wait3A_203] : memref<4x128xi32, #tpu.memory_space<vmem>> -> memref<1x128xi32, #tpu.memory_space<vmem>>
    %dma_wait3A_205 = tpu.memref_squeeze %dma_wait3A_204 : memref<1x128xi32, #tpu.memory_space<vmem>> -> memref<128xi32, #tpu.memory_space<vmem>>
    %dma_wait3A_206 = arith.constant 0 : i32
    %dma_wait3A_207 = arith.constant 0 : i32
    %dma_wait3A_208 = tpu.memref_slice %arg10[%dma_wait3A_206, %dma_wait3A_207] : memref<10112x128xf32, #tpu.memory_space<vmem_shared>> -> memref<10112x128xf32, #tpu.memory_space<vmem_shared>>
    %dma_wait3A_209 = tpu.memref_slice %arg13[%rem3A_198] : memref<2x!tpu.dma_semaphore, #tpu.memory_space<semaphore_mem>> -> memref<1x!tpu.dma_semaphore, #tpu.memory_space<semaphore_mem>>
    %dma_wait3A_210 = tpu.memref_squeeze %dma_wait3A_209 : memref<1x!tpu.dma_semaphore, #tpu.memory_space<semaphore_mem>> -> memref<!tpu.dma_semaphore, #tpu.memory_space<semaphore_mem>>
    tpu.wait_indirect_dma semaphore(%dma_wait3A_210 : memref<!tpu.dma_semaphore, #tpu.memory_space<semaphore_mem>>) src(%dma_wait3A_202 : memref<128x128xf32, #tpu.memory_space<vmem>>) dst(%dma_wait3A_208 : memref<10112x128xf32, #tpu.memory_space<vmem_shared>>)
    %barrier3A_211 = arith.constant 0 : index
    tpu.barrier barrier_id(%barrier3A_211)
    "tpu.region"() ({
      %run_scoped3A = tpu.sem_alloc : memref<!tpu.dma_semaphore, #tpu.memory_space<semaphore_mem>>
      %dma_start3A_212 = arith.constant 0 : i32
      %dma_start3A_213 = tpu.memref_slice %arg6[%arg0, %mul3A_10, %dma_start3A_212] : memref<2x10112x128xf32, #tpu.memory_space<hbm>> -> memref<1x632x128xf32, #tpu.memory_space<hbm>>
      %dma_start3A_214 = tpu.memref_squeeze %dma_start3A_213 : memref<1x632x128xf32, #tpu.memory_space<hbm>> -> memref<632x128xf32, #tpu.memory_space<hbm>>
      %dma_start3A_215 = arith.constant 0 : i32
      %dma_start3A_216 = tpu.memref_slice %arg10[%mul3A_10, %dma_start3A_215] : memref<10112x128xf32, #tpu.memory_space<vmem_shared>> -> memref<632x128xf32, #tpu.memory_space<vmem_shared>>
      tpu.enqueue_dma source(%dma_start3A_216 : memref<632x128xf32, #tpu.memory_space<vmem_shared>>) target(%dma_start3A_214 : memref<632x128xf32, #tpu.memory_space<hbm>>) target_semaphore(%run_scoped3A : memref<!tpu.dma_semaphore, #tpu.memory_space<semaphore_mem>>)
      %dma_wait3A_217 = arith.constant 0 : i32
      %dma_wait3A_218 = tpu.memref_slice %arg6[%arg0, %mul3A_10, %dma_wait3A_217] : memref<2x10112x128xf32, #tpu.memory_space<hbm>> -> memref<1x632x128xf32, #tpu.memory_space<hbm>>
      %dma_wait3A_219 = tpu.memref_squeeze %dma_wait3A_218 : memref<1x632x128xf32, #tpu.memory_space<hbm>> -> memref<632x128xf32, #tpu.memory_space<hbm>>
      %dma_wait3A_220 = arith.constant 0 : i32
      %dma_wait3A_221 = tpu.memref_slice %arg10[%mul3A_10, %dma_wait3A_220] : memref<10112x128xf32, #tpu.memory_space<vmem_shared>> -> memref<632x128xf32, #tpu.memory_space<vmem_shared>>
      tpu.wait_dma2 semaphore(%run_scoped3A : memref<!tpu.dma_semaphore, #tpu.memory_space<semaphore_mem>>) src(%dma_wait3A_221 : memref<632x128xf32, #tpu.memory_space<vmem_shared>>) dst(%dma_wait3A_219 : memref<632x128xf32, #tpu.memory_space<hbm>>)
      tpu.yield
    }) : () -> ()
    return
  }
}

#map = affine_map<(d0, d1) -> (0, 0)>
#map1 = affine_map<(d0, d1) -> (0, 0, 0)>
module attributes {stable_mosaic.version = 14 : i64} {
  func.func @k(%arg0: i32, %arg1: i32, %arg2: memref<10112x128xf32, #tpu.memory_space<hbm>>, %arg3: memref<2528x128xi32, #tpu.memory_space<hbm>>, %arg4: memref<2528x128xi32, #tpu.memory_space<hbm>>, %arg5: memref<10112x128xf32, #tpu.memory_space<hbm>>, %arg6: memref<2x10112x128xf32, #tpu.memory_space<hbm>>, %arg7: memref<4x128xi32, #tpu.memory_space<vmem>>, %arg8: memref<4x128xi32, #tpu.memory_space<vmem>>, %arg9: memref<2x128x128xf32, #tpu.memory_space<vmem>>, %arg10: memref<10112x128xf32, #tpu.memory_space<vmem_shared>>, %arg11: memref<4x!tpu.dma_semaphore, #tpu.memory_space<semaphore_mem>>, %arg12: memref<2x!tpu.dma_semaphore, #tpu.memory_space<semaphore_mem>>, %arg13: memref<2x!tpu.dma_semaphore, #tpu.memory_space<semaphore_mem>>) attributes {dimension_semantics = [#tpu.dimension_semantics<core_parallel>, #tpu.dimension_semantics<subcore_parallel>], iteration_bounds = array<i64: 2, 16>, scalar_prefetch = 0 : i64, scratch_operands = 7 : i64, tpu.core_type = #tpu.core_type<sc_vector_subcore>, window_params = [{transform_indices = #map}, {transform_indices = #map}, {transform_indices = #map}, {transform_indices = #map}, {transform_indices = #map1}]} {
    %eq3A = arith.constant 0 : i32
    %eq3A_0 = arith.cmpi eq, %arg0, %eq3A : i32
    %jit3A = arith.constant 44 : i32
    %jit3A_1 = arith.constant 114 : i32
    %select_n3A = arith.select %eq3A_0, %jit3A, %jit3A_1 : i32
    %eq3A_2 = arith.constant 0 : i32
    %eq3A_3 = arith.cmpi eq, %arg0, %eq3A_2 : i32
    %mul3A = arith.constant 44 : i32
    %mul3A_4 = arith.muli %arg1, %mul3A : i32
    %mul3A_5 = arith.constant 114 : i32
    %mul3A_6 = arith.muli %arg1, %mul3A_5 : i32
    %add3A = arith.constant 704 : i32
    %add3A_7 = arith.addi %add3A, %mul3A_6 : i32
    %select_n3A_8 = arith.select %eq3A_3, %mul3A_4, %add3A_7 : i32
    %mul3A_9 = arith.constant 632 : i32
    %mul3A_10 = arith.muli %arg1, %mul3A_9 : i32
    "tpu.region"() ({
      %run_scoped3A = tpu.sem_alloc : memref<!tpu.dma_semaphore, #tpu.memory_space<semaphore_mem>>
      %dma_start3A_212 = arith.constant 0 : i32
      %dma_start3A_213 = tpu.memref_slice %arg10[%mul3A_10, %dma_start3A_212] : memref<10112x128xf32, #tpu.memory_space<vmem_shared>> -> memref<632x128xf32, #tpu.memory_space<vmem_shared>>
      %dma_start3A_214 = arith.constant 0 : i32
      %dma_start3A_215 = tpu.memref_slice %arg5[%mul3A_10, %dma_start3A_214] : memref<10112x128xf32, #tpu.memory_space<hbm>> -> memref<632x128xf32, #tpu.memory_space<hbm>>
      tpu.enqueue_dma source(%dma_start3A_215 : memref<632x128xf32, #tpu.memory_space<hbm>>) target(%dma_start3A_213 : memref<632x128xf32, #tpu.memory_space<vmem_shared>>) target_semaphore(%run_scoped3A : memref<!tpu.dma_semaphore, #tpu.memory_space<semaphore_mem>>)
      %dma_wait3A_216 = arith.constant 0 : i32
      %dma_wait3A_217 = tpu.memref_slice %arg10[%mul3A_10, %dma_wait3A_216] : memref<10112x128xf32, #tpu.memory_space<vmem_shared>> -> memref<632x128xf32, #tpu.memory_space<vmem_shared>>
      %dma_wait3A_218 = arith.constant 0 : i32
      %dma_wait3A_219 = tpu.memref_slice %arg5[%mul3A_10, %dma_wait3A_218] : memref<10112x128xf32, #tpu.memory_space<hbm>> -> memref<632x128xf32, #tpu.memory_space<hbm>>
      tpu.wait_dma2 semaphore(%run_scoped3A : memref<!tpu.dma_semaphore, #tpu.memory_space<semaphore_mem>>) src(%dma_wait3A_219 : memref<632x128xf32, #tpu.memory_space<hbm>>) dst(%dma_wait3A_217 : memref<632x128xf32, #tpu.memory_space<vmem_shared>>)
      tpu.yield
    }) : () -> ()
    %add3A_11 = arith.constant 0 : i32
    %add3A_12 = arith.addi %select_n3A_8, %add3A_11 : i32
    %dma_start3A = arith.constant 0 : i32
    %dma_start3A_13 = arith.constant 0 : i32
    %dma_start3A_14 = arith.constant 0 : i32
    %dma_start3A_15 = tpu.memref_slice %arg7[%dma_start3A, %dma_start3A_14] : memref<4x128xi32, #tpu.memory_space<vmem>> -> memref<1x128xi32, #tpu.memory_space<vmem>>
    %dma_start3A_16 = tpu.memref_squeeze %dma_start3A_15 : memref<1x128xi32, #tpu.memory_space<vmem>> -> memref<128xi32, #tpu.memory_space<vmem>>
    %dma_start3A_17 = arith.constant 0 : i32
    %dma_start3A_18 = tpu.memref_slice %arg3[%add3A_12, %dma_start3A_17] : memref<2528x128xi32, #tpu.memory_space<hbm>> -> memref<1x128xi32, #tpu.memory_space<hbm>>
    %dma_start3A_19 = tpu.memref_squeeze %dma_start3A_18 : memref<1x128xi32, #tpu.memory_space<hbm>> -> memref<128xi32, #tpu.memory_space<hbm>>
    %dma_start3A_20 = tpu.memref_slice %arg11[%dma_start3A_13] : memref<4x!tpu.dma_semaphore, #tpu.memory_space<semaphore_mem>> -> memref<1x!tpu.dma_semaphore, #tpu.memory_space<semaphore_mem>>
    %dma_start3A_21 = tpu.memref_squeeze %dma_start3A_20 : memref<1x!tpu.dma_semaphore, #tpu.memory_space<semaphore_mem>> -> memref<!tpu.dma_semaphore, #tpu.memory_space<semaphore_mem>>
    %dma_start3A_22 = arith.constant 0 : i32
    %dma_start3A_23 = tpu.memref_slice %arg7[%dma_start3A, %dma_start3A_22] : memref<4x128xi32, #tpu.memory_space<vmem>> -> memref<1x128xi32, #tpu.memory_space<vmem>>
    %dma_start3A_24 = tpu.memref_squeeze %dma_start3A_23 : memref<1x128xi32, #tpu.memory_space<vmem>> -> memref<128xi32, #tpu.memory_space<vmem>>
    %dma_start3A_25 = arith.constant 0 : i32
    %dma_start3A_26 = tpu.memref_slice %arg3[%add3A_12, %dma_start3A_25] : memref<2528x128xi32, #tpu.memory_space<hbm>> -> memref<1x128xi32, #tpu.memory_space<hbm>>
    %dma_start3A_27 = tpu.memref_squeeze %dma_start3A_26 : memref<1x128xi32, #tpu.memory_space<hbm>> -> memref<128xi32, #tpu.memory_space<hbm>>
    tpu.enqueue_dma source(%dma_start3A_27 : memref<128xi32, #tpu.memory_space<hbm>>) target(%dma_start3A_24 : memref<128xi32, #tpu.memory_space<vmem>>) target_semaphore(%dma_start3A_21 : memref<!tpu.dma_semaphore, #tpu.memory_space<semaphore_mem>>)
    %add3A_28 = arith.constant 0 : i32
    %add3A_29 = arith.addi %select_n3A_8, %add3A_28 : i32
    %dma_start3A_30 = arith.constant 0 : i32
    %dma_start3A_31 = arith.constant 0 : i32
    %dma_start3A_32 = arith.constant 0 : i32
    %dma_start3A_33 = tpu.memref_slice %arg8[%dma_start3A_30, %dma_start3A_32] : memref<4x128xi32, #tpu.memory_space<vmem>> -> memref<1x128xi32, #tpu.memory_space<vmem>>
    %dma_start3A_34 = tpu.memref_squeeze %dma_start3A_33 : memref<1x128xi32, #tpu.memory_space<vmem>> -> memref<128xi32, #tpu.memory_space<vmem>>
    %dma_start3A_35 = arith.constant 0 : i32
    %dma_start3A_36 = tpu.memref_slice %arg4[%add3A_29, %dma_start3A_35] : memref<2528x128xi32, #tpu.memory_space<hbm>> -> memref<1x128xi32, #tpu.memory_space<hbm>>
    %dma_start3A_37 = tpu.memref_squeeze %dma_start3A_36 : memref<1x128xi32, #tpu.memory_space<hbm>> -> memref<128xi32, #tpu.memory_space<hbm>>
    %dma_start3A_38 = tpu.memref_slice %arg11[%dma_start3A_31] : memref<4x!tpu.dma_semaphore, #tpu.memory_space<semaphore_mem>> -> memref<1x!tpu.dma_semaphore, #tpu.memory_space<semaphore_mem>>
    %dma_start3A_39 = tpu.memref_squeeze %dma_start3A_38 : memref<1x!tpu.dma_semaphore, #tpu.memory_space<semaphore_mem>> -> memref<!tpu.dma_semaphore, #tpu.memory_space<semaphore_mem>>
    %dma_start3A_40 = arith.constant 0 : i32
    %dma_start3A_41 = tpu.memref_slice %arg8[%dma_start3A_30, %dma_start3A_40] : memref<4x128xi32, #tpu.memory_space<vmem>> -> memref<1x128xi32, #tpu.memory_space<vmem>>
    %dma_start3A_42 = tpu.memref_squeeze %dma_start3A_41 : memref<1x128xi32, #tpu.memory_space<vmem>> -> memref<128xi32, #tpu.memory_space<vmem>>
    %dma_start3A_43 = arith.constant 0 : i32
    %dma_start3A_44 = tpu.memref_slice %arg4[%add3A_29, %dma_start3A_43] : memref<2528x128xi32, #tpu.memory_space<hbm>> -> memref<1x128xi32, #tpu.memory_space<hbm>>
    %dma_start3A_45 = tpu.memref_squeeze %dma_start3A_44 : memref<1x128xi32, #tpu.memory_space<hbm>> -> memref<128xi32, #tpu.memory_space<hbm>>
    tpu.enqueue_dma source(%dma_start3A_45 : memref<128xi32, #tpu.memory_space<hbm>>) target(%dma_start3A_42 : memref<128xi32, #tpu.memory_space<vmem>>) target_semaphore(%dma_start3A_39 : memref<!tpu.dma_semaphore, #tpu.memory_space<semaphore_mem>>)
    %add3A_46 = arith.constant 1 : i32
    %add3A_47 = arith.addi %select_n3A_8, %add3A_46 : i32
    %dma_start3A_48 = arith.constant 1 : i32
    %dma_start3A_49 = arith.constant 1 : i32
    %dma_start3A_50 = arith.constant 0 : i32
    %dma_start3A_51 = tpu.memref_slice %arg7[%dma_start3A_48, %dma_start3A_50] : memref<4x128xi32, #tpu.memory_space<vmem>> -> memref<1x128xi32, #tpu.memory_space<vmem>>
    %dma_start3A_52 = tpu.memref_squeeze %dma_start3A_51 : memref<1x128xi32, #tpu.memory_space<vmem>> -> memref<128xi32, #tpu.memory_space<vmem>>
    %dma_start3A_53 = arith.constant 0 : i32
    %dma_start3A_54 = tpu.memref_slice %arg3[%add3A_47, %dma_start3A_53] : memref<2528x128xi32, #tpu.memory_space<hbm>> -> memref<1x128xi32, #tpu.memory_space<hbm>>
    %dma_start3A_55 = tpu.memref_squeeze %dma_start3A_54 : memref<1x128xi32, #tpu.memory_space<hbm>> -> memref<128xi32, #tpu.memory_space<hbm>>
    %dma_start3A_56 = tpu.memref_slice %arg11[%dma_start3A_49] : memref<4x!tpu.dma_semaphore, #tpu.memory_space<semaphore_mem>> -> memref<1x!tpu.dma_semaphore, #tpu.memory_space<semaphore_mem>>
    %dma_start3A_57 = tpu.memref_squeeze %dma_start3A_56 : memref<1x!tpu.dma_semaphore, #tpu.memory_space<semaphore_mem>> -> memref<!tpu.dma_semaphore, #tpu.memory_space<semaphore_mem>>
    %dma_start3A_58 = arith.constant 0 : i32
    %dma_start3A_59 = tpu.memref_slice %arg7[%dma_start3A_48, %dma_start3A_58] : memref<4x128xi32, #tpu.memory_space<vmem>> -> memref<1x128xi32, #tpu.memory_space<vmem>>
    %dma_start3A_60 = tpu.memref_squeeze %dma_start3A_59 : memref<1x128xi32, #tpu.memory_space<vmem>> -> memref<128xi32, #tpu.memory_space<vmem>>
    %dma_start3A_61 = arith.constant 0 : i32
    %dma_start3A_62 = tpu.memref_slice %arg3[%add3A_47, %dma_start3A_61] : memref<2528x128xi32, #tpu.memory_space<hbm>> -> memref<1x128xi32, #tpu.memory_space<hbm>>
    %dma_start3A_63 = tpu.memref_squeeze %dma_start3A_62 : memref<1x128xi32, #tpu.memory_space<hbm>> -> memref<128xi32, #tpu.memory_space<hbm>>
    tpu.enqueue_dma source(%dma_start3A_63 : memref<128xi32, #tpu.memory_space<hbm>>) target(%dma_start3A_60 : memref<128xi32, #tpu.memory_space<vmem>>) target_semaphore(%dma_start3A_57 : memref<!tpu.dma_semaphore, #tpu.memory_space<semaphore_mem>>)
    %add3A_64 = arith.constant 1 : i32
    %add3A_65 = arith.addi %select_n3A_8, %add3A_64 : i32
    %dma_start3A_66 = arith.constant 1 : i32
    %dma_start3A_67 = arith.constant 1 : i32
    %dma_start3A_68 = arith.constant 0 : i32
    %dma_start3A_69 = tpu.memref_slice %arg8[%dma_start3A_66, %dma_start3A_68] : memref<4x128xi32, #tpu.memory_space<vmem>> -> memref<1x128xi32, #tpu.memory_space<vmem>>
    %dma_start3A_70 = tpu.memref_squeeze %dma_start3A_69 : memref<1x128xi32, #tpu.memory_space<vmem>> -> memref<128xi32, #tpu.memory_space<vmem>>
    %dma_start3A_71 = arith.constant 0 : i32
    %dma_start3A_72 = tpu.memref_slice %arg4[%add3A_65, %dma_start3A_71] : memref<2528x128xi32, #tpu.memory_space<hbm>> -> memref<1x128xi32, #tpu.memory_space<hbm>>
    %dma_start3A_73 = tpu.memref_squeeze %dma_start3A_72 : memref<1x128xi32, #tpu.memory_space<hbm>> -> memref<128xi32, #tpu.memory_space<hbm>>
    %dma_start3A_74 = tpu.memref_slice %arg11[%dma_start3A_67] : memref<4x!tpu.dma_semaphore, #tpu.memory_space<semaphore_mem>> -> memref<1x!tpu.dma_semaphore, #tpu.memory_space<semaphore_mem>>
    %dma_start3A_75 = tpu.memref_squeeze %dma_start3A_74 : memref<1x!tpu.dma_semaphore, #tpu.memory_space<semaphore_mem>> -> memref<!tpu.dma_semaphore, #tpu.memory_space<semaphore_mem>>
    %dma_start3A_76 = arith.constant 0 : i32
    %dma_start3A_77 = tpu.memref_slice %arg8[%dma_start3A_66, %dma_start3A_76] : memref<4x128xi32, #tpu.memory_space<vmem>> -> memref<1x128xi32, #tpu.memory_space<vmem>>
    %dma_start3A_78 = tpu.memref_squeeze %dma_start3A_77 : memref<1x128xi32, #tpu.memory_space<vmem>> -> memref<128xi32, #tpu.memory_space<vmem>>
    %dma_start3A_79 = arith.constant 0 : i32
    %dma_start3A_80 = tpu.memref_slice %arg4[%add3A_65, %dma_start3A_79] : memref<2528x128xi32, #tpu.memory_space<hbm>> -> memref<1x128xi32, #tpu.memory_space<hbm>>
    %dma_start3A_81 = tpu.memref_squeeze %dma_start3A_80 : memref<1x128xi32, #tpu.memory_space<hbm>> -> memref<128xi32, #tpu.memory_space<hbm>>
    tpu.enqueue_dma source(%dma_start3A_81 : memref<128xi32, #tpu.memory_space<hbm>>) target(%dma_start3A_78 : memref<128xi32, #tpu.memory_space<vmem>>) target_semaphore(%dma_start3A_75 : memref<!tpu.dma_semaphore, #tpu.memory_space<semaphore_mem>>)
    %add3A_82 = arith.constant 2 : i32
    %add3A_83 = arith.addi %select_n3A_8, %add3A_82 : i32
    %dma_start3A_84 = arith.constant 2 : i32
    %dma_start3A_85 = arith.constant 2 : i32
    %dma_start3A_86 = arith.constant 0 : i32
    %dma_start3A_87 = tpu.memref_slice %arg7[%dma_start3A_84, %dma_start3A_86] : memref<4x128xi32, #tpu.memory_space<vmem>> -> memref<1x128xi32, #tpu.memory_space<vmem>>
    %dma_start3A_88 = tpu.memref_squeeze %dma_start3A_87 : memref<1x128xi32, #tpu.memory_space<vmem>> -> memref<128xi32, #tpu.memory_space<vmem>>
    %dma_start3A_89 = arith.constant 0 : i32
    %dma_start3A_90 = tpu.memref_slice %arg3[%add3A_83, %dma_start3A_89] : memref<2528x128xi32, #tpu.memory_space<hbm>> -> memref<1x128xi32, #tpu.memory_space<hbm>>
    %dma_start3A_91 = tpu.memref_squeeze %dma_start3A_90 : memref<1x128xi32, #tpu.memory_space<hbm>> -> memref<128xi32, #tpu.memory_space<hbm>>
    %dma_start3A_92 = tpu.memref_slice %arg11[%dma_start3A_85] : memref<4x!tpu.dma_semaphore, #tpu.memory_space<semaphore_mem>> -> memref<1x!tpu.dma_semaphore, #tpu.memory_space<semaphore_mem>>
    %dma_start3A_93 = tpu.memref_squeeze %dma_start3A_92 : memref<1x!tpu.dma_semaphore, #tpu.memory_space<semaphore_mem>> -> memref<!tpu.dma_semaphore, #tpu.memory_space<semaphore_mem>>
    %dma_start3A_94 = arith.constant 0 : i32
    %dma_start3A_95 = tpu.memref_slice %arg7[%dma_start3A_84, %dma_start3A_94] : memref<4x128xi32, #tpu.memory_space<vmem>> -> memref<1x128xi32, #tpu.memory_space<vmem>>
    %dma_start3A_96 = tpu.memref_squeeze %dma_start3A_95 : memref<1x128xi32, #tpu.memory_space<vmem>> -> memref<128xi32, #tpu.memory_space<vmem>>
    %dma_start3A_97 = arith.constant 0 : i32
    %dma_start3A_98 = tpu.memref_slice %arg3[%add3A_83, %dma_start3A_97] : memref<2528x128xi32, #tpu.memory_space<hbm>> -> memref<1x128xi32, #tpu.memory_space<hbm>>
    %dma_start3A_99 = tpu.memref_squeeze %dma_start3A_98 : memref<1x128xi32, #tpu.memory_space<hbm>> -> memref<128xi32, #tpu.memory_space<hbm>>
    tpu.enqueue_dma source(%dma_start3A_99 : memref<128xi32, #tpu.memory_space<hbm>>) target(%dma_start3A_96 : memref<128xi32, #tpu.memory_space<vmem>>) target_semaphore(%dma_start3A_93 : memref<!tpu.dma_semaphore, #tpu.memory_space<semaphore_mem>>)
    %add3A_100 = arith.constant 2 : i32
    %add3A_101 = arith.addi %select_n3A_8, %add3A_100 : i32
    %dma_start3A_102 = arith.constant 2 : i32
    %dma_start3A_103 = arith.constant 2 : i32
    %dma_start3A_104 = arith.constant 0 : i32
    %dma_start3A_105 = tpu.memref_slice %arg8[%dma_start3A_102, %dma_start3A_104] : memref<4x128xi32, #tpu.memory_space<vmem>> -> memref<1x128xi32, #tpu.memory_space<vmem>>
    %dma_start3A_106 = tpu.memref_squeeze %dma_start3A_105 : memref<1x128xi32, #tpu.memory_space<vmem>> -> memref<128xi32, #tpu.memory_space<vmem>>
    %dma_start3A_107 = arith.constant 0 : i32
    %dma_start3A_108 = tpu.memref_slice %arg4[%add3A_101, %dma_start3A_107] : memref<2528x128xi32, #tpu.memory_space<hbm>> -> memref<1x128xi32, #tpu.memory_space<hbm>>
    %dma_start3A_109 = tpu.memref_squeeze %dma_start3A_108 : memref<1x128xi32, #tpu.memory_space<hbm>> -> memref<128xi32, #tpu.memory_space<hbm>>
    %dma_start3A_110 = tpu.memref_slice %arg11[%dma_start3A_103] : memref<4x!tpu.dma_semaphore, #tpu.memory_space<semaphore_mem>> -> memref<1x!tpu.dma_semaphore, #tpu.memory_space<semaphore_mem>>
    %dma_start3A_111 = tpu.memref_squeeze %dma_start3A_110 : memref<1x!tpu.dma_semaphore, #tpu.memory_space<semaphore_mem>> -> memref<!tpu.dma_semaphore, #tpu.memory_space<semaphore_mem>>
    %dma_start3A_112 = arith.constant 0 : i32
    %dma_start3A_113 = tpu.memref_slice %arg8[%dma_start3A_102, %dma_start3A_112] : memref<4x128xi32, #tpu.memory_space<vmem>> -> memref<1x128xi32, #tpu.memory_space<vmem>>
    %dma_start3A_114 = tpu.memref_squeeze %dma_start3A_113 : memref<1x128xi32, #tpu.memory_space<vmem>> -> memref<128xi32, #tpu.memory_space<vmem>>
    %dma_start3A_115 = arith.constant 0 : i32
    %dma_start3A_116 = tpu.memref_slice %arg4[%add3A_101, %dma_start3A_115] : memref<2528x128xi32, #tpu.memory_space<hbm>> -> memref<1x128xi32, #tpu.memory_space<hbm>>
    %dma_start3A_117 = tpu.memref_squeeze %dma_start3A_116 : memref<1x128xi32, #tpu.memory_space<hbm>> -> memref<128xi32, #tpu.memory_space<hbm>>
    tpu.enqueue_dma source(%dma_start3A_117 : memref<128xi32, #tpu.memory_space<hbm>>) target(%dma_start3A_114 : memref<128xi32, #tpu.memory_space<vmem>>) target_semaphore(%dma_start3A_111 : memref<!tpu.dma_semaphore, #tpu.memory_space<semaphore_mem>>)
    %barrier3A = arith.constant 0 : index
    tpu.barrier barrier_id(%barrier3A)
    %add3A_118 = arith.constant 0 : i32
    %add3A_119 = arith.addi %select_n3A_8, %add3A_118 : i32
    %dma_wait3A = arith.constant 0 : i32
    %dma_wait3A_120 = arith.constant 0 : i32
    %dma_wait3A_121 = arith.constant 0 : i32
    %dma_wait3A_122 = tpu.memref_slice %arg7[%dma_wait3A, %dma_wait3A_121] : memref<4x128xi32, #tpu.memory_space<vmem>> -> memref<1x128xi32, #tpu.memory_space<vmem>>
    %dma_wait3A_123 = tpu.memref_squeeze %dma_wait3A_122 : memref<1x128xi32, #tpu.memory_space<vmem>> -> memref<128xi32, #tpu.memory_space<vmem>>
    %dma_wait3A_124 = arith.constant 0 : i32
    %dma_wait3A_125 = tpu.memref_slice %arg3[%add3A_119, %dma_wait3A_124] : memref<2528x128xi32, #tpu.memory_space<hbm>> -> memref<1x128xi32, #tpu.memory_space<hbm>>
    %dma_wait3A_126 = tpu.memref_squeeze %dma_wait3A_125 : memref<1x128xi32, #tpu.memory_space<hbm>> -> memref<128xi32, #tpu.memory_space<hbm>>
    %dma_wait3A_127 = tpu.memref_slice %arg11[%dma_wait3A_120] : memref<4x!tpu.dma_semaphore, #tpu.memory_space<semaphore_mem>> -> memref<1x!tpu.dma_semaphore, #tpu.memory_space<semaphore_mem>>
    %dma_wait3A_128 = tpu.memref_squeeze %dma_wait3A_127 : memref<1x!tpu.dma_semaphore, #tpu.memory_space<semaphore_mem>> -> memref<!tpu.dma_semaphore, #tpu.memory_space<semaphore_mem>>
    %dma_wait3A_129 = arith.constant 0 : i32
    %dma_wait3A_130 = tpu.memref_slice %arg7[%dma_wait3A, %dma_wait3A_129] : memref<4x128xi32, #tpu.memory_space<vmem>> -> memref<1x128xi32, #tpu.memory_space<vmem>>
    %dma_wait3A_131 = tpu.memref_squeeze %dma_wait3A_130 : memref<1x128xi32, #tpu.memory_space<vmem>> -> memref<128xi32, #tpu.memory_space<vmem>>
    %dma_wait3A_132 = arith.constant 0 : i32
    %dma_wait3A_133 = tpu.memref_slice %arg3[%add3A_119, %dma_wait3A_132] : memref<2528x128xi32, #tpu.memory_space<hbm>> -> memref<1x128xi32, #tpu.memory_space<hbm>>
    %dma_wait3A_134 = tpu.memref_squeeze %dma_wait3A_133 : memref<1x128xi32, #tpu.memory_space<hbm>> -> memref<128xi32, #tpu.memory_space<hbm>>
    tpu.wait_dma2 semaphore(%dma_wait3A_128 : memref<!tpu.dma_semaphore, #tpu.memory_space<semaphore_mem>>) src(%dma_wait3A_134 : memref<128xi32, #tpu.memory_space<hbm>>) dst(%dma_wait3A_131 : memref<128xi32, #tpu.memory_space<vmem>>)
    %add3A_135 = arith.constant 0 : i32
    %add3A_136 = arith.addi %select_n3A_8, %add3A_135 : i32
    %dma_wait3A_137 = arith.constant 0 : i32
    %dma_wait3A_138 = arith.constant 0 : i32
    %dma_wait3A_139 = arith.constant 0 : i32
    %dma_wait3A_140 = tpu.memref_slice %arg8[%dma_wait3A_137, %dma_wait3A_139] : memref<4x128xi32, #tpu.memory_space<vmem>> -> memref<1x128xi32, #tpu.memory_space<vmem>>
    %dma_wait3A_141 = tpu.memref_squeeze %dma_wait3A_140 : memref<1x128xi32, #tpu.memory_space<vmem>> -> memref<128xi32, #tpu.memory_space<vmem>>
    %dma_wait3A_142 = arith.constant 0 : i32
    %dma_wait3A_143 = tpu.memref_slice %arg4[%add3A_136, %dma_wait3A_142] : memref<2528x128xi32, #tpu.memory_space<hbm>> -> memref<1x128xi32, #tpu.memory_space<hbm>>
    %dma_wait3A_144 = tpu.memref_squeeze %dma_wait3A_143 : memref<1x128xi32, #tpu.memory_space<hbm>> -> memref<128xi32, #tpu.memory_space<hbm>>
    %dma_wait3A_145 = tpu.memref_slice %arg11[%dma_wait3A_138] : memref<4x!tpu.dma_semaphore, #tpu.memory_space<semaphore_mem>> -> memref<1x!tpu.dma_semaphore, #tpu.memory_space<semaphore_mem>>
    %dma_wait3A_146 = tpu.memref_squeeze %dma_wait3A_145 : memref<1x!tpu.dma_semaphore, #tpu.memory_space<semaphore_mem>> -> memref<!tpu.dma_semaphore, #tpu.memory_space<semaphore_mem>>
    %dma_wait3A_147 = arith.constant 0 : i32
    %dma_wait3A_148 = tpu.memref_slice %arg8[%dma_wait3A_137, %dma_wait3A_147] : memref<4x128xi32, #tpu.memory_space<vmem>> -> memref<1x128xi32, #tpu.memory_space<vmem>>
    %dma_wait3A_149 = tpu.memref_squeeze %dma_wait3A_148 : memref<1x128xi32, #tpu.memory_space<vmem>> -> memref<128xi32, #tpu.memory_space<vmem>>
    %dma_wait3A_150 = arith.constant 0 : i32
    %dma_wait3A_151 = tpu.memref_slice %arg4[%add3A_136, %dma_wait3A_150] : memref<2528x128xi32, #tpu.memory_space<hbm>> -> memref<1x128xi32, #tpu.memory_space<hbm>>
    %dma_wait3A_152 = tpu.memref_squeeze %dma_wait3A_151 : memref<1x128xi32, #tpu.memory_space<hbm>> -> memref<128xi32, #tpu.memory_space<hbm>>
    tpu.wait_dma2 semaphore(%dma_wait3A_146 : memref<!tpu.dma_semaphore, #tpu.memory_space<semaphore_mem>>) src(%dma_wait3A_152 : memref<128xi32, #tpu.memory_space<hbm>>) dst(%dma_wait3A_149 : memref<128xi32, #tpu.memory_space<vmem>>)
    %dma_start3A_153 = arith.constant 0 : i32
    %dma_start3A_154 = arith.constant 0 : i32
    %dma_start3A_155 = arith.constant 0 : i32
    %dma_start3A_156 = arith.constant 0 : i32
    %dma_start3A_157 = arith.constant 0 : i32
    %dma_start3A_158 = tpu.memref_slice %arg9[%dma_start3A_154, %dma_start3A_156, %dma_start3A_157] : memref<2x128x128xf32, #tpu.memory_space<vmem>> -> memref<1x128x128xf32, #tpu.memory_space<vmem>>
    %dma_start3A_159 = tpu.memref_squeeze %dma_start3A_158 : memref<1x128x128xf32, #tpu.memory_space<vmem>> -> memref<128x128xf32, #tpu.memory_space<vmem>>
    %dma_start3A_160 = arith.constant 0 : i32
    %dma_start3A_161 = tpu.memref_slice %arg7[%dma_start3A_153, %dma_start3A_160] : memref<4x128xi32, #tpu.memory_space<vmem>> -> memref<1x128xi32, #tpu.memory_space<vmem>>
    %dma_start3A_162 = tpu.memref_squeeze %dma_start3A_161 : memref<1x128xi32, #tpu.memory_space<vmem>> -> memref<128xi32, #tpu.memory_space<vmem>>
    %dma_start3A_163 = arith.constant 0 : i32
    %dma_start3A_164 = arith.constant 0 : i32
    %dma_start3A_165 = tpu.memref_slice %arg2[%dma_start3A_163, %dma_start3A_164] : memref<10112x128xf32, #tpu.memory_space<hbm>> -> memref<10112x128xf32, #tpu.memory_space<hbm>>
    %dma_start3A_166 = tpu.memref_slice %arg12[%dma_start3A_155] : memref<2x!tpu.dma_semaphore, #tpu.memory_space<semaphore_mem>> -> memref<1x!tpu.dma_semaphore, #tpu.memory_space<semaphore_mem>>
    %dma_start3A_167 = tpu.memref_squeeze %dma_start3A_166 : memref<1x!tpu.dma_semaphore, #tpu.memory_space<semaphore_mem>> -> memref<!tpu.dma_semaphore, #tpu.memory_space<semaphore_mem>>
    tpu.enqueue_indirect_dma source(%dma_start3A_165 : memref<10112x128xf32, #tpu.memory_space<hbm>>) target(%dma_start3A_159 : memref<128x128xf32, #tpu.memory_space<vmem>>) offsets(%dma_start3A_162 : memref<128xi32, #tpu.memory_space<vmem>>) semaphore(%dma_start3A_167 : memref<!tpu.dma_semaphore, #tpu.memory_space<semaphore_mem>>)
    %scan3A = arith.constant 0 : i32
    %scan3A_168 = arith.constant 0 : i32
    %scan3A_169 = arith.constant 114 : i32
    %scan3A_170 = arith.addi %scan3A_168, %scan3A_169 : i32
    %scan3A_171 = arith.constant 1 : i32
    scf.for %scan3A_212 = %scan3A_168 to %scan3A_170 step %scan3A_171  : i32 {
      %rem3A_213 = arith.constant 2 : i32
      %rem3A_214 = arith.remsi %scan3A_212, %rem3A_213 : i32
      %sub3A_215 = arith.constant 1 : i32
      %sub3A_216 = arith.subi %sub3A_215, %rem3A_214 : i32
      %add3A_217 = arith.constant 1 : i32
      %add3A_218 = arith.addi %scan3A_212, %add3A_217 : i32
      %rem3A_219 = arith.constant 4 : i32
      %rem3A_220 = arith.remsi %add3A_218, %rem3A_219 : i32
      %add3A_221 = arith.constant 3 : i32
      %add3A_222 = arith.addi %scan3A_212, %add3A_221 : i32
      %rem3A_223 = arith.constant 4 : i32
      %rem3A_224 = arith.remsi %add3A_222, %rem3A_223 : i32
      %add3A_225 = arith.constant 1 : i32
      %add3A_226 = arith.addi %scan3A_212, %add3A_225 : i32
      %lt3A = arith.cmpi slt, %add3A_226, %select_n3A : i32
      %convert_element_type3A = arith.extui %lt3A : i1 to i32
      %cond3A = arith.constant 0 : i32
      %cond3A_227 = arith.cmpi ne, %convert_element_type3A, %cond3A : i32
      scf.if %cond3A_227 {
        %add3A_238 = arith.constant 1 : i32
        %add3A_239 = arith.addi %scan3A_212, %add3A_238 : i32
        %add3A_240 = arith.addi %select_n3A_8, %add3A_239 : i32
        %dma_wait3A_241 = arith.constant 0 : i32
        %dma_wait3A_242 = tpu.memref_slice %arg7[%rem3A_220, %dma_wait3A_241] : memref<4x128xi32, #tpu.memory_space<vmem>> -> memref<1x128xi32, #tpu.memory_space<vmem>>
        %dma_wait3A_243 = tpu.memref_squeeze %dma_wait3A_242 : memref<1x128xi32, #tpu.memory_space<vmem>> -> memref<128xi32, #tpu.memory_space<vmem>>
        %dma_wait3A_244 = arith.constant 0 : i32
        %dma_wait3A_245 = tpu.memref_slice %arg3[%add3A_240, %dma_wait3A_244] : memref<2528x128xi32, #tpu.memory_space<hbm>> -> memref<1x128xi32, #tpu.memory_space<hbm>>
        %dma_wait3A_246 = tpu.memref_squeeze %dma_wait3A_245 : memref<1x128xi32, #tpu.memory_space<hbm>> -> memref<128xi32, #tpu.memory_space<hbm>>
        %dma_wait3A_247 = tpu.memref_slice %arg11[%rem3A_220] : memref<4x!tpu.dma_semaphore, #tpu.memory_space<semaphore_mem>> -> memref<1x!tpu.dma_semaphore, #tpu.memory_space<semaphore_mem>>
        %dma_wait3A_248 = tpu.memref_squeeze %dma_wait3A_247 : memref<1x!tpu.dma_semaphore, #tpu.memory_space<semaphore_mem>> -> memref<!tpu.dma_semaphore, #tpu.memory_space<semaphore_mem>>
        %dma_wait3A_249 = arith.constant 0 : i32
        %dma_wait3A_250 = tpu.memref_slice %arg7[%rem3A_220, %dma_wait3A_249] : memref<4x128xi32, #tpu.memory_space<vmem>> -> memref<1x128xi32, #tpu.memory_space<vmem>>
        %dma_wait3A_251 = tpu.memref_squeeze %dma_wait3A_250 : memref<1x128xi32, #tpu.memory_space<vmem>> -> memref<128xi32, #tpu.memory_space<vmem>>
        %dma_wait3A_252 = arith.constant 0 : i32
        %dma_wait3A_253 = tpu.memref_slice %arg3[%add3A_240, %dma_wait3A_252] : memref<2528x128xi32, #tpu.memory_space<hbm>> -> memref<1x128xi32, #tpu.memory_space<hbm>>
        %dma_wait3A_254 = tpu.memref_squeeze %dma_wait3A_253 : memref<1x128xi32, #tpu.memory_space<hbm>> -> memref<128xi32, #tpu.memory_space<hbm>>
        tpu.wait_dma2 semaphore(%dma_wait3A_248 : memref<!tpu.dma_semaphore, #tpu.memory_space<semaphore_mem>>) src(%dma_wait3A_254 : memref<128xi32, #tpu.memory_space<hbm>>) dst(%dma_wait3A_251 : memref<128xi32, #tpu.memory_space<vmem>>)
        %add3A_255 = arith.addi %select_n3A_8, %add3A_239 : i32
        %dma_wait3A_256 = arith.constant 0 : i32
        %dma_wait3A_257 = tpu.memref_slice %arg8[%rem3A_220, %dma_wait3A_256] : memref<4x128xi32, #tpu.memory_space<vmem>> -> memref<1x128xi32, #tpu.memory_space<vmem>>
        %dma_wait3A_258 = tpu.memref_squeeze %dma_wait3A_257 : memref<1x128xi32, #tpu.memory_space<vmem>> -> memref<128xi32, #tpu.memory_space<vmem>>
        %dma_wait3A_259 = arith.constant 0 : i32
        %dma_wait3A_260 = tpu.memref_slice %arg4[%add3A_255, %dma_wait3A_259] : memref<2528x128xi32, #tpu.memory_space<hbm>> -> memref<1x128xi32, #tpu.memory_space<hbm>>
        %dma_wait3A_261 = tpu.memref_squeeze %dma_wait3A_260 : memref<1x128xi32, #tpu.memory_space<hbm>> -> memref<128xi32, #tpu.memory_space<hbm>>
        %dma_wait3A_262 = tpu.memref_slice %arg11[%rem3A_220] : memref<4x!tpu.dma_semaphore, #tpu.memory_space<semaphore_mem>> -> memref<1x!tpu.dma_semaphore, #tpu.memory_space<semaphore_mem>>
        %dma_wait3A_263 = tpu.memref_squeeze %dma_wait3A_262 : memref<1x!tpu.dma_semaphore, #tpu.memory_space<semaphore_mem>> -> memref<!tpu.dma_semaphore, #tpu.memory_space<semaphore_mem>>
        %dma_wait3A_264 = arith.constant 0 : i32
        %dma_wait3A_265 = tpu.memref_slice %arg8[%rem3A_220, %dma_wait3A_264] : memref<4x128xi32, #tpu.memory_space<vmem>> -> memref<1x128xi32, #tpu.memory_space<vmem>>
        %dma_wait3A_266 = tpu.memref_squeeze %dma_wait3A_265 : memref<1x128xi32, #tpu.memory_space<vmem>> -> memref<128xi32, #tpu.memory_space<vmem>>
        %dma_wait3A_267 = arith.constant 0 : i32
        %dma_wait3A_268 = tpu.memref_slice %arg4[%add3A_255, %dma_wait3A_267] : memref<2528x128xi32, #tpu.memory_space<hbm>> -> memref<1x128xi32, #tpu.memory_space<hbm>>
        %dma_wait3A_269 = tpu.memref_squeeze %dma_wait3A_268 : memref<1x128xi32, #tpu.memory_space<hbm>> -> memref<128xi32, #tpu.memory_space<hbm>>
        tpu.wait_dma2 semaphore(%dma_wait3A_263 : memref<!tpu.dma_semaphore, #tpu.memory_space<semaphore_mem>>) src(%dma_wait3A_269 : memref<128xi32, #tpu.memory_space<hbm>>) dst(%dma_wait3A_266 : memref<128xi32, #tpu.memory_space<vmem>>)
        %ge3A = arith.constant 1 : i32
        %ge3A_270 = arith.cmpi sge, %scan3A_212, %ge3A : i32
        %convert_element_type3A_271 = arith.extui %ge3A_270 : i1 to i32
        %cond3A_272 = arith.constant 0 : i32
        %cond3A_273 = arith.cmpi ne, %convert_element_type3A_271, %cond3A_272 : i32
        scf.if %cond3A_273 {
          %add3A_286 = arith.constant 3 : i32
          %add3A_287 = arith.addi %scan3A_212, %add3A_286 : i32
          %rem3A_288 = arith.constant 4 : i32
          %rem3A_289 = arith.remsi %add3A_287, %rem3A_288 : i32
          %dma_wait3A_290 = arith.constant 0 : i32
          %dma_wait3A_291 = arith.constant 0 : i32
          %dma_wait3A_292 = tpu.memref_slice %arg9[%sub3A_216, %dma_wait3A_290, %dma_wait3A_291] : memref<2x128x128xf32, #tpu.memory_space<vmem>> -> memref<1x128x128xf32, #tpu.memory_space<vmem>>
          %dma_wait3A_293 = tpu.memref_squeeze %dma_wait3A_292 : memref<1x128x128xf32, #tpu.memory_space<vmem>> -> memref<128x128xf32, #tpu.memory_space<vmem>>
          %dma_wait3A_294 = arith.constant 0 : i32
          %dma_wait3A_295 = tpu.memref_slice %arg8[%rem3A_289, %dma_wait3A_294] : memref<4x128xi32, #tpu.memory_space<vmem>> -> memref<1x128xi32, #tpu.memory_space<vmem>>
          %dma_wait3A_296 = tpu.memref_squeeze %dma_wait3A_295 : memref<1x128xi32, #tpu.memory_space<vmem>> -> memref<128xi32, #tpu.memory_space<vmem>>
          %dma_wait3A_297 = arith.constant 0 : i32
          %dma_wait3A_298 = arith.constant 0 : i32
          %dma_wait3A_299 = tpu.memref_slice %arg10[%dma_wait3A_297, %dma_wait3A_298] : memref<10112x128xf32, #tpu.memory_space<vmem_shared>> -> memref<10112x128xf32, #tpu.memory_space<vmem_shared>>
          %dma_wait3A_300 = tpu.memref_slice %arg13[%sub3A_216] : memref<2x!tpu.dma_semaphore, #tpu.memory_space<semaphore_mem>> -> memref<1x!tpu.dma_semaphore, #tpu.memory_space<semaphore_mem>>
          %dma_wait3A_301 = tpu.memref_squeeze %dma_wait3A_300 : memref<1x!tpu.dma_semaphore, #tpu.memory_space<semaphore_mem>> -> memref<!tpu.dma_semaphore, #tpu.memory_space<semaphore_mem>>
          tpu.wait_indirect_dma semaphore(%dma_wait3A_301 : memref<!tpu.dma_semaphore, #tpu.memory_space<semaphore_mem>>) src(%dma_wait3A_293 : memref<128x128xf32, #tpu.memory_space<vmem>>) dst(%dma_wait3A_299 : memref<10112x128xf32, #tpu.memory_space<vmem_shared>>)
        } else {
        }
        %dma_start3A_274 = arith.constant 0 : i32
        %dma_start3A_275 = arith.constant 0 : i32
        %dma_start3A_276 = tpu.memref_slice %arg9[%sub3A_216, %dma_start3A_274, %dma_start3A_275] : memref<2x128x128xf32, #tpu.memory_space<vmem>> -> memref<1x128x128xf32, #tpu.memory_space<vmem>>
        %dma_start3A_277 = tpu.memref_squeeze %dma_start3A_276 : memref<1x128x128xf32, #tpu.memory_space<vmem>> -> memref<128x128xf32, #tpu.memory_space<vmem>>
        %dma_start3A_278 = arith.constant 0 : i32
        %dma_start3A_279 = tpu.memref_slice %arg7[%rem3A_220, %dma_start3A_278] : memref<4x128xi32, #tpu.memory_space<vmem>> -> memref<1x128xi32, #tpu.memory_space<vmem>>
        %dma_start3A_280 = tpu.memref_squeeze %dma_start3A_279 : memref<1x128xi32, #tpu.memory_space<vmem>> -> memref<128xi32, #tpu.memory_space<vmem>>
        %dma_start3A_281 = arith.constant 0 : i32
        %dma_start3A_282 = arith.constant 0 : i32
        %dma_start3A_283 = tpu.memref_slice %arg2[%dma_start3A_281, %dma_start3A_282] : memref<10112x128xf32, #tpu.memory_space<hbm>> -> memref<10112x128xf32, #tpu.memory_space<hbm>>
        %dma_start3A_284 = tpu.memref_slice %arg12[%sub3A_216] : memref<2x!tpu.dma_semaphore, #tpu.memory_space<semaphore_mem>> -> memref<1x!tpu.dma_semaphore, #tpu.memory_space<semaphore_mem>>
        %dma_start3A_285 = tpu.memref_squeeze %dma_start3A_284 : memref<1x!tpu.dma_semaphore, #tpu.memory_space<semaphore_mem>> -> memref<!tpu.dma_semaphore, #tpu.memory_space<semaphore_mem>>
        tpu.enqueue_indirect_dma source(%dma_start3A_283 : memref<10112x128xf32, #tpu.memory_space<hbm>>) target(%dma_start3A_277 : memref<128x128xf32, #tpu.memory_space<vmem>>) offsets(%dma_start3A_280 : memref<128xi32, #tpu.memory_space<vmem>>) semaphore(%dma_start3A_285 : memref<!tpu.dma_semaphore, #tpu.memory_space<semaphore_mem>>)
      } else {
      }
      %add3A_228 = arith.constant 3 : i32
      %add3A_229 = arith.addi %scan3A_212, %add3A_228 : i32
      %lt3A_230 = arith.cmpi slt, %add3A_229, %select_n3A : i32
      %convert_element_type3A_231 = arith.extui %lt3A_230 : i1 to i32
      %cond3A_232 = arith.constant 0 : i32
      %cond3A_233 = arith.cmpi ne, %convert_element_type3A_231, %cond3A_232 : i32
      scf.if %cond3A_233 {
        %add3A_238 = arith.constant 3 : i32
        %add3A_239 = arith.addi %scan3A_212, %add3A_238 : i32
        %add3A_240 = arith.addi %select_n3A_8, %add3A_239 : i32
        %dma_start3A_241 = arith.constant 0 : i32
        %dma_start3A_242 = tpu.memref_slice %arg7[%rem3A_224, %dma_start3A_241] : memref<4x128xi32, #tpu.memory_space<vmem>> -> memref<1x128xi32, #tpu.memory_space<vmem>>
        %dma_start3A_243 = tpu.memref_squeeze %dma_start3A_242 : memref<1x128xi32, #tpu.memory_space<vmem>> -> memref<128xi32, #tpu.memory_space<vmem>>
        %dma_start3A_244 = arith.constant 0 : i32
        %dma_start3A_245 = tpu.memref_slice %arg3[%add3A_240, %dma_start3A_244] : memref<2528x128xi32, #tpu.memory_space<hbm>> -> memref<1x128xi32, #tpu.memory_space<hbm>>
        %dma_start3A_246 = tpu.memref_squeeze %dma_start3A_245 : memref<1x128xi32, #tpu.memory_space<hbm>> -> memref<128xi32, #tpu.memory_space<hbm>>
        %dma_start3A_247 = tpu.memref_slice %arg11[%rem3A_224] : memref<4x!tpu.dma_semaphore, #tpu.memory_space<semaphore_mem>> -> memref<1x!tpu.dma_semaphore, #tpu.memory_space<semaphore_mem>>
        %dma_start3A_248 = tpu.memref_squeeze %dma_start3A_247 : memref<1x!tpu.dma_semaphore, #tpu.memory_space<semaphore_mem>> -> memref<!tpu.dma_semaphore, #tpu.memory_space<semaphore_mem>>
        %dma_start3A_249 = arith.constant 0 : i32
        %dma_start3A_250 = tpu.memref_slice %arg7[%rem3A_224, %dma_start3A_249] : memref<4x128xi32, #tpu.memory_space<vmem>> -> memref<1x128xi32, #tpu.memory_space<vmem>>
        %dma_start3A_251 = tpu.memref_squeeze %dma_start3A_250 : memref<1x128xi32, #tpu.memory_space<vmem>> -> memref<128xi32, #tpu.memory_space<vmem>>
        %dma_start3A_252 = arith.constant 0 : i32
        %dma_start3A_253 = tpu.memref_slice %arg3[%add3A_240, %dma_start3A_252] : memref<2528x128xi32, #tpu.memory_space<hbm>> -> memref<1x128xi32, #tpu.memory_space<hbm>>
        %dma_start3A_254 = tpu.memref_squeeze %dma_start3A_253 : memref<1x128xi32, #tpu.memory_space<hbm>> -> memref<128xi32, #tpu.memory_space<hbm>>
        tpu.enqueue_dma source(%dma_start3A_254 : memref<128xi32, #tpu.memory_space<hbm>>) target(%dma_start3A_251 : memref<128xi32, #tpu.memory_space<vmem>>) target_semaphore(%dma_start3A_248 : memref<!tpu.dma_semaphore, #tpu.memory_space<semaphore_mem>>)
        %add3A_255 = arith.addi %select_n3A_8, %add3A_239 : i32
        %dma_start3A_256 = arith.constant 0 : i32
        %dma_start3A_257 = tpu.memref_slice %arg8[%rem3A_224, %dma_start3A_256] : memref<4x128xi32, #tpu.memory_space<vmem>> -> memref<1x128xi32, #tpu.memory_space<vmem>>
        %dma_start3A_258 = tpu.memref_squeeze %dma_start3A_257 : memref<1x128xi32, #tpu.memory_space<vmem>> -> memref<128xi32, #tpu.memory_space<vmem>>
        %dma_start3A_259 = arith.constant 0 : i32
        %dma_start3A_260 = tpu.memref_slice %arg4[%add3A_255, %dma_start3A_259] : memref<2528x128xi32, #tpu.memory_space<hbm>> -> memref<1x128xi32, #tpu.memory_space<hbm>>
        %dma_start3A_261 = tpu.memref_squeeze %dma_start3A_260 : memref<1x128xi32, #tpu.memory_space<hbm>> -> memref<128xi32, #tpu.memory_space<hbm>>
        %dma_start3A_262 = tpu.memref_slice %arg11[%rem3A_224] : memref<4x!tpu.dma_semaphore, #tpu.memory_space<semaphore_mem>> -> memref<1x!tpu.dma_semaphore, #tpu.memory_space<semaphore_mem>>
        %dma_start3A_263 = tpu.memref_squeeze %dma_start3A_262 : memref<1x!tpu.dma_semaphore, #tpu.memory_space<semaphore_mem>> -> memref<!tpu.dma_semaphore, #tpu.memory_space<semaphore_mem>>
        %dma_start3A_264 = arith.constant 0 : i32
        %dma_start3A_265 = tpu.memref_slice %arg8[%rem3A_224, %dma_start3A_264] : memref<4x128xi32, #tpu.memory_space<vmem>> -> memref<1x128xi32, #tpu.memory_space<vmem>>
        %dma_start3A_266 = tpu.memref_squeeze %dma_start3A_265 : memref<1x128xi32, #tpu.memory_space<vmem>> -> memref<128xi32, #tpu.memory_space<vmem>>
        %dma_start3A_267 = arith.constant 0 : i32
        %dma_start3A_268 = tpu.memref_slice %arg4[%add3A_255, %dma_start3A_267] : memref<2528x128xi32, #tpu.memory_space<hbm>> -> memref<1x128xi32, #tpu.memory_space<hbm>>
        %dma_start3A_269 = tpu.memref_squeeze %dma_start3A_268 : memref<1x128xi32, #tpu.memory_space<hbm>> -> memref<128xi32, #tpu.memory_space<hbm>>
        tpu.enqueue_dma source(%dma_start3A_269 : memref<128xi32, #tpu.memory_space<hbm>>) target(%dma_start3A_266 : memref<128xi32, #tpu.memory_space<vmem>>) target_semaphore(%dma_start3A_263 : memref<!tpu.dma_semaphore, #tpu.memory_space<semaphore_mem>>)
      } else {
      }
      %lt3A_234 = arith.cmpi slt, %scan3A_212, %select_n3A : i32
      %convert_element_type3A_235 = arith.extui %lt3A_234 : i1 to i32
      %cond3A_236 = arith.constant 0 : i32
      %cond3A_237 = arith.cmpi ne, %convert_element_type3A_235, %cond3A_236 : i32
      scf.if %cond3A_237 {
        %rem3A_238 = arith.constant 4 : i32
        %rem3A_239 = arith.remsi %scan3A_212, %rem3A_238 : i32
        %dma_wait3A_240 = arith.constant 0 : i32
        %dma_wait3A_241 = arith.constant 0 : i32
        %dma_wait3A_242 = tpu.memref_slice %arg9[%rem3A_214, %dma_wait3A_240, %dma_wait3A_241] : memref<2x128x128xf32, #tpu.memory_space<vmem>> -> memref<1x128x128xf32, #tpu.memory_space<vmem>>
        %dma_wait3A_243 = tpu.memref_squeeze %dma_wait3A_242 : memref<1x128x128xf32, #tpu.memory_space<vmem>> -> memref<128x128xf32, #tpu.memory_space<vmem>>
        %dma_wait3A_244 = arith.constant 0 : i32
        %dma_wait3A_245 = tpu.memref_slice %arg7[%rem3A_239, %dma_wait3A_244] : memref<4x128xi32, #tpu.memory_space<vmem>> -> memref<1x128xi32, #tpu.memory_space<vmem>>
        %dma_wait3A_246 = tpu.memref_squeeze %dma_wait3A_245 : memref<1x128xi32, #tpu.memory_space<vmem>> -> memref<128xi32, #tpu.memory_space<vmem>>
        %dma_wait3A_247 = arith.constant 0 : i32
        %dma_wait3A_248 = arith.constant 0 : i32
        %dma_wait3A_249 = tpu.memref_slice %arg2[%dma_wait3A_247, %dma_wait3A_248] : memref<10112x128xf32, #tpu.memory_space<hbm>> -> memref<10112x128xf32, #tpu.memory_space<hbm>>
        %dma_wait3A_250 = tpu.memref_slice %arg12[%rem3A_214] : memref<2x!tpu.dma_semaphore, #tpu.memory_space<semaphore_mem>> -> memref<1x!tpu.dma_semaphore, #tpu.memory_space<semaphore_mem>>
        %dma_wait3A_251 = tpu.memref_squeeze %dma_wait3A_250 : memref<1x!tpu.dma_semaphore, #tpu.memory_space<semaphore_mem>> -> memref<!tpu.dma_semaphore, #tpu.memory_space<semaphore_mem>>
        tpu.wait_indirect_dma semaphore(%dma_wait3A_251 : memref<!tpu.dma_semaphore, #tpu.memory_space<semaphore_mem>>) src(%dma_wait3A_249 : memref<10112x128xf32, #tpu.memory_space<hbm>>) dst(%dma_wait3A_243 : memref<128x128xf32, #tpu.memory_space<vmem>>)
        %rem3A_252 = arith.constant 4 : i32
        %rem3A_253 = arith.remsi %scan3A_212, %rem3A_252 : i32
        %dma_start3A_254 = arith.constant 0 : i32
        %dma_start3A_255 = arith.constant 0 : i32
        %dma_start3A_256 = tpu.memref_slice %arg9[%rem3A_214, %dma_start3A_254, %dma_start3A_255] : memref<2x128x128xf32, #tpu.memory_space<vmem>> -> memref<1x128x128xf32, #tpu.memory_space<vmem>>
        %dma_start3A_257 = tpu.memref_squeeze %dma_start3A_256 : memref<1x128x128xf32, #tpu.memory_space<vmem>> -> memref<128x128xf32, #tpu.memory_space<vmem>>
        %dma_start3A_258 = arith.constant 0 : i32
        %dma_start3A_259 = tpu.memref_slice %arg8[%rem3A_253, %dma_start3A_258] : memref<4x128xi32, #tpu.memory_space<vmem>> -> memref<1x128xi32, #tpu.memory_space<vmem>>
        %dma_start3A_260 = tpu.memref_squeeze %dma_start3A_259 : memref<1x128xi32, #tpu.memory_space<vmem>> -> memref<128xi32, #tpu.memory_space<vmem>>
        %dma_start3A_261 = arith.constant 0 : i32
        %dma_start3A_262 = arith.constant 0 : i32
        %dma_start3A_263 = tpu.memref_slice %arg10[%dma_start3A_261, %dma_start3A_262] : memref<10112x128xf32, #tpu.memory_space<vmem_shared>> -> memref<10112x128xf32, #tpu.memory_space<vmem_shared>>
        %dma_start3A_264 = tpu.memref_slice %arg13[%rem3A_214] : memref<2x!tpu.dma_semaphore, #tpu.memory_space<semaphore_mem>> -> memref<1x!tpu.dma_semaphore, #tpu.memory_space<semaphore_mem>>
        %dma_start3A_265 = tpu.memref_squeeze %dma_start3A_264 : memref<1x!tpu.dma_semaphore, #tpu.memory_space<semaphore_mem>> -> memref<!tpu.dma_semaphore, #tpu.memory_space<semaphore_mem>>
        tpu.enqueue_indirect_dma source(%dma_start3A_257 : memref<128x128xf32, #tpu.memory_space<vmem>>) target(%dma_start3A_263 : memref<10112x128xf32, #tpu.memory_space<vmem_shared>>) offsets(%dma_start3A_260 : memref<128xi32, #tpu.memory_space<vmem>>) semaphore(%dma_start3A_265 : memref<!tpu.dma_semaphore, #tpu.memory_space<semaphore_mem>>) {add = true}
      } else {
      }
    }
    %scan3A_172 = arith.constant 114 : i32
    %sub3A = arith.constant 2 : i32
    %sub3A_173 = arith.subi %select_n3A, %sub3A : i32
    %rem3A = arith.constant 2 : i32
    %rem3A_174 = arith.remsi %sub3A_173, %rem3A : i32
    %rem3A_175 = arith.constant 4 : i32
    %rem3A_176 = arith.remsi %sub3A_173, %rem3A_175 : i32
    %rem3A_177 = arith.constant 2 : i32
    %rem3A_178 = arith.remsi %sub3A_173, %rem3A_177 : i32
    %dma_wait3A_179 = arith.constant 0 : i32
    %dma_wait3A_180 = arith.constant 0 : i32
    %dma_wait3A_181 = tpu.memref_slice %arg9[%rem3A_174, %dma_wait3A_179, %dma_wait3A_180] : memref<2x128x128xf32, #tpu.memory_space<vmem>> -> memref<1x128x128xf32, #tpu.memory_space<vmem>>
    %dma_wait3A_182 = tpu.memref_squeeze %dma_wait3A_181 : memref<1x128x128xf32, #tpu.memory_space<vmem>> -> memref<128x128xf32, #tpu.memory_space<vmem>>
    %dma_wait3A_183 = arith.constant 0 : i32
    %dma_wait3A_184 = tpu.memref_slice %arg8[%rem3A_176, %dma_wait3A_183] : memref<4x128xi32, #tpu.memory_space<vmem>> -> memref<1x128xi32, #tpu.memory_space<vmem>>
    %dma_wait3A_185 = tpu.memref_squeeze %dma_wait3A_184 : memref<1x128xi32, #tpu.memory_space<vmem>> -> memref<128xi32, #tpu.memory_space<vmem>>
    %dma_wait3A_186 = arith.constant 0 : i32
    %dma_wait3A_187 = arith.constant 0 : i32
    %dma_wait3A_188 = tpu.memref_slice %arg10[%dma_wait3A_186, %dma_wait3A_187] : memref<10112x128xf32, #tpu.memory_space<vmem_shared>> -> memref<10112x128xf32, #tpu.memory_space<vmem_shared>>
    %dma_wait3A_189 = tpu.memref_slice %arg13[%rem3A_178] : memref<2x!tpu.dma_semaphore, #tpu.memory_space<semaphore_mem>> -> memref<1x!tpu.dma_semaphore, #tpu.memory_space<semaphore_mem>>
    %dma_wait3A_190 = tpu.memref_squeeze %dma_wait3A_189 : memref<1x!tpu.dma_semaphore, #tpu.memory_space<semaphore_mem>> -> memref<!tpu.dma_semaphore, #tpu.memory_space<semaphore_mem>>
    tpu.wait_indirect_dma semaphore(%dma_wait3A_190 : memref<!tpu.dma_semaphore, #tpu.memory_space<semaphore_mem>>) src(%dma_wait3A_182 : memref<128x128xf32, #tpu.memory_space<vmem>>) dst(%dma_wait3A_188 : memref<10112x128xf32, #tpu.memory_space<vmem_shared>>)
    %sub3A_191 = arith.constant 1 : i32
    %sub3A_192 = arith.subi %select_n3A, %sub3A_191 : i32
    %rem3A_193 = arith.constant 2 : i32
    %rem3A_194 = arith.remsi %sub3A_192, %rem3A_193 : i32
    %rem3A_195 = arith.constant 4 : i32
    %rem3A_196 = arith.remsi %sub3A_192, %rem3A_195 : i32
    %rem3A_197 = arith.constant 2 : i32
    %rem3A_198 = arith.remsi %sub3A_192, %rem3A_197 : i32
    %dma_wait3A_199 = arith.constant 0 : i32
    %dma_wait3A_200 = arith.constant 0 : i32
    %dma_wait3A_201 = tpu.memref_slice %arg9[%rem3A_194, %dma_wait3A_199, %dma_wait3A_200] : memref<2x128x128xf32, #tpu.memory_space<vmem>> -> memref<1x128x128xf32, #tpu.memory_space<vmem>>
    %dma_wait3A_202 = tpu.memref_squeeze %dma_wait3A_201 : memref<1x128x128xf32, #tpu.memory_space<vmem>> -> memref<128x128xf32, #tpu.memory_space<vmem>>
    %dma_wait3A_203 = arith.constant 0 : i32
    %dma_wait3A_204 = tpu.memref_slice %arg8[%rem3A_196, %dma_wait3A_203] : memref<4x128xi32, #tpu.memory_space<vmem>> -> memref<1x128xi32, #tpu.memory_space<vmem>>
    %dma_wait3A_205 = tpu.memref_squeeze %dma_wait3A_204 : memref<1x128xi32, #tpu.memory_space<vmem>> -> memref<128xi32, #tpu.memory_space<vmem>>
    %dma_wait3A_206 = arith.constant 0 : i32
    %dma_wait3A_207 = arith.constant 0 : i32
    %dma_wait3A_208 = tpu.memref_slice %arg10[%dma_wait3A_206, %dma_wait3A_207] : memref<10112x128xf32, #tpu.memory_space<vmem_shared>> -> memref<10112x128xf32, #tpu.memory_space<vmem_shared>>
    %dma_wait3A_209 = tpu.memref_slice %arg13[%rem3A_198] : memref<2x!tpu.dma_semaphore, #tpu.memory_space<semaphore_mem>> -> memref<1x!tpu.dma_semaphore, #tpu.memory_space<semaphore_mem>>
    %dma_wait3A_210 = tpu.memref_squeeze %dma_wait3A_209 : memref<1x!tpu.dma_semaphore, #tpu.memory_space<semaphore_mem>> -> memref<!tpu.dma_semaphore, #tpu.memory_space<semaphore_mem>>
    tpu.wait_indirect_dma semaphore(%dma_wait3A_210 : memref<!tpu.dma_semaphore, #tpu.memory_space<semaphore_mem>>) src(%dma_wait3A_202 : memref<128x128xf32, #tpu.memory_space<vmem>>) dst(%dma_wait3A_208 : memref<10112x128xf32, #tpu.memory_space<vmem_shared>>)
    %barrier3A_211 = arith.constant 0 : index
    tpu.barrier barrier_id(%barrier3A_211)
    "tpu.region"() ({
      %run_scoped3A = tpu.sem_alloc : memref<!tpu.dma_semaphore, #tpu.memory_space<semaphore_mem>>
      %dma_start3A_212 = arith.constant 0 : i32
      %dma_start3A_213 = tpu.memref_slice %arg6[%arg0, %mul3A_10, %dma_start3A_212] : memref<2x10112x128xf32, #tpu.memory_space<hbm>> -> memref<1x632x128xf32, #tpu.memory_space<hbm>>
      %dma_start3A_214 = tpu.memref_squeeze %dma_start3A_213 : memref<1x632x128xf32, #tpu.memory_space<hbm>> -> memref<632x128xf32, #tpu.memory_space<hbm>>
      %dma_start3A_215 = arith.constant 0 : i32
      %dma_start3A_216 = tpu.memref_slice %arg10[%mul3A_10, %dma_start3A_215] : memref<10112x128xf32, #tpu.memory_space<vmem_shared>> -> memref<632x128xf32, #tpu.memory_space<vmem_shared>>
      tpu.enqueue_dma source(%dma_start3A_216 : memref<632x128xf32, #tpu.memory_space<vmem_shared>>) target(%dma_start3A_214 : memref<632x128xf32, #tpu.memory_space<hbm>>) target_semaphore(%run_scoped3A : memref<!tpu.dma_semaphore, #tpu.memory_space<semaphore_mem>>)
      %dma_wait3A_217 = arith.constant 0 : i32
      %dma_wait3A_218 = tpu.memref_slice %arg6[%arg0, %mul3A_10, %dma_wait3A_217] : memref<2x10112x128xf32, #tpu.memory_space<hbm>> -> memref<1x632x128xf32, #tpu.memory_space<hbm>>
      %dma_wait3A_219 = tpu.memref_squeeze %dma_wait3A_218 : memref<1x632x128xf32, #tpu.memory_space<hbm>> -> memref<632x128xf32, #tpu.memory_space<hbm>>
      %dma_wait3A_220 = arith.constant 0 : i32
      %dma_wait3A_221 = tpu.memref_slice %arg10[%mul3A_10, %dma_wait3A_220] : memref<10112x128xf32, #tpu.memory_space<vmem_shared>> -> memref<632x128xf32, #tpu.memory_space<vmem_shared>>
      tpu.wait_dma2 semaphore(%run_scoped3A : memref<!tpu.dma_semaphore, #tpu.memory_space<semaphore_mem>>) src(%dma_wait3A_221 : memref<632x128xf32, #tpu.memory_space<vmem_shared>>) dst(%dma_wait3A_219 : memref<632x128xf32, #tpu.memory_space<hbm>>)
      tpu.yield
    }) : () -> ()
    return
  }
}

module attributes {stable_mosaic.version = 14 : i64} {
  func.func @body(%arg0: i32, %arg1: memref<128x128xf32, #tpu.memory_space<vmem>>, %arg2: memref<128x128xf32, #tpu.memory_space<vmem>>, %arg3: memref<2x128x128xf32, #tpu.memory_space<vmem>>, %arg4: memref<128x128xf32, #tpu.memory_space<vmem>>, %arg5: memref<128x128xf32, #tpu.memory_space<vmem>>) attributes {dimension_semantics = [#tpu.dimension_semantics<arbitrary>], iteration_bounds = array<i64: 79>, scalar_prefetch = 0 : i64, scratch_operands = 0 : i64, tpu.core_type = #tpu.core_type<tc>, window_params = [{transform_indices = @transform_0, window_bounds = array<i64: 128, 128>}, {pipeline_mode = #tpu.pipeline_mode<synchronous>, transform_indices = @transform_1, window_bounds = array<i64: 128, 128>}, {transform_indices = @transform_2, window_bounds = array<i64: 2, 128, 128>}, {transform_indices = @transform_3, window_bounds = array<i64: 128, 128>}, {transform_indices = @transform_4, window_bounds = array<i64: 128, 128>}]} {
    %get3A = arith.constant 0 : index
    %get3A_0 = arith.constant 0 : index
    %get3A_1 = arith.constant 0 : index
    %get3A_2 = vector.load %arg3[%get3A, %get3A_0, %get3A_1] : memref<2x128x128xf32, #tpu.memory_space<vmem>>, vector<1x128x128xf32>
    %get3A_3 = vector.shape_cast %get3A_2 : vector<1x128x128xf32> to vector<128x128xf32>
    %get3A_4 = arith.constant 1 : index
    %get3A_5 = arith.constant 0 : index
    %get3A_6 = arith.constant 0 : index
    %get3A_7 = vector.load %arg3[%get3A_4, %get3A_5, %get3A_6] : memref<2x128x128xf32, #tpu.memory_space<vmem>>, vector<1x128x128xf32>
    %get3A_8 = vector.shape_cast %get3A_7 : vector<1x128x128xf32> to vector<128x128xf32>
    %add3A = arith.addf %get3A_3, %get3A_8 : vector<128x128xf32>
    %add3A_9 = arith.constant 1.000000e+00 : f32
    %add3A_10 = vector.broadcast %add3A_9 : f32 to vector<128x128xf32>
    %add3A_11 = arith.addf %add3A, %add3A_10 : vector<128x128xf32>
    %iota3A = tpu.iota {dimensions = array<i32: 0>} : vector<128x1xi32>
    %mul3A = arith.constant 128 : i32
    %mul3A_12 = arith.muli %arg0, %mul3A : i32
    %add3A_13 = vector.broadcast %mul3A_12 : i32 to vector<128x1xi32>
    %add3A_14 = arith.addi %iota3A, %add3A_13 : vector<128x1xi32>
    %lt3A = arith.constant 10000 : i32
    %lt3A_15 = vector.broadcast %lt3A : i32 to vector<128x1xi32>
    %lt3A_16 = arith.cmpi slt, %add3A_14, %lt3A_15 : vector<128x1xi32>
    %convert_element_type3A = arith.extui %lt3A_16 : vector<128x1xi1> to vector<128x1xi32>
    %convert_element_type3A_17 = arith.sitofp %convert_element_type3A : vector<128x1xi32> to vector<128x1xf32>
    %rsqrt3A = math.rsqrt %add3A_11 : vector<128x128xf32>
    %mul3A_18 = vector.broadcast %convert_element_type3A_17 : vector<128x1xf32> to vector<128x128xf32>
    %mul3A_19 = arith.mulf %rsqrt3A, %mul3A_18 : vector<128x128xf32>
    %swap3A = arith.constant 0 : index
    %swap3A_20 = arith.constant 0 : index
    %swap3A_21 = vector.load %arg5[%swap3A, %swap3A_20] : memref<128x128xf32, #tpu.memory_space<vmem>>, vector<128x128xf32>
    tpu.vector_store %arg5[%swap3A, %swap3A_20], %mul3A_19 {strides = array<i32>} : memref<128x128xf32, #tpu.memory_space<vmem>>, vector<128x128xf32>,
    %get3A_22 = arith.constant 0 : index
    %get3A_23 = arith.constant 0 : index
    %get3A_24 = vector.load %arg1[%get3A_22, %get3A_23] : memref<128x128xf32, #tpu.memory_space<vmem>>, vector<128x128xf32>
    %get3A_25 = arith.constant 0 : index
    %get3A_26 = arith.constant 0 : index
    %get3A_27 = vector.load %arg2[%get3A_25, %get3A_26] : memref<128x128xf32, #tpu.memory_space<vmem>>, vector<128x128xf32>
    %dot_general3A = arith.constant dense<0.000000e+00> : vector<128x128xf32>
    %dot_general3A_28 = tpu.matmul %get3A_24, %get3A_27, %dot_general3A {dimension_numbers = #tpu.dot_dimension_numbers<[1], [0], [0], [1], [0, 0, 1, 1], [], []>, transpose_lhs_hint = false} : vector<128x128xf32>, vector<128x128xf32>, vector<128x128xf32> -> vector<128x128xf32>
    %mul3A_29 = arith.mulf %dot_general3A_28, %mul3A_19 : vector<128x128xf32>
    %swap3A_30 = arith.constant 0 : index
    %swap3A_31 = arith.constant 0 : index
    %swap3A_32 = vector.load %arg4[%swap3A_30, %swap3A_31] : memref<128x128xf32, #tpu.memory_space<vmem>>, vector<128x128xf32>
    tpu.vector_store %arg4[%swap3A_30, %swap3A_31], %mul3A_29 {strides = array<i32>} : memref<128x128xf32, #tpu.memory_space<vmem>>, vector<128x128xf32>,
    return
  }
  func.func @transform_0(%arg0: i32) -> (i32, i32) {
    %c0_i32 = arith.constant 0 : i32
    %c0_i32_0 = arith.constant 0 : i32
    return %arg0, %c0_i32 : i32, i32
  }
  func.func @transform_1(%arg0: i32) -> (i32, i32) {
    %c0_i32 = arith.constant 0 : i32
    %c0_i32_0 = arith.constant 0 : i32
    %c0_i32_1 = arith.constant 0 : i32
    return %c0_i32, %c0_i32_0 : i32, i32
  }
  func.func @transform_2(%arg0: i32) -> (i32, i32, i32) {
    %c0_i32 = arith.constant 0 : i32
    %c0_i32_0 = arith.constant 0 : i32
    %c0_i32_1 = arith.constant 0 : i32
    return %c0_i32, %arg0, %c0_i32_0 : i32, i32, i32
  }
  func.func @transform_3(%arg0: i32) -> (i32, i32) {
    %c0_i32 = arith.constant 0 : i32
    %c0_i32_0 = arith.constant 0 : i32
    return %arg0, %c0_i32 : i32, i32
  }
  func.func @transform_4(%arg0: i32) -> (i32, i32) {
    %c0_i32 = arith.constant 0 : i32
    %c0_i32_0 = arith.constant 0 : i32
    return %arg0, %c0_i32 : i32, i32
  }
}

module attributes {stable_mosaic.version = 14 : i64} {
  func.func @body(%arg0: i32, %arg1: memref<2x128x128xf32, #tpu.memory_space<vmem>>, %arg2: memref<128x128xf32, #tpu.memory_space<vmem>>, %arg3: memref<128x128xf32, #tpu.memory_space<vmem>>, %arg4: memref<1x128xf32, #tpu.memory_space<vmem>>, %arg5: memref<128x128xf32, #tpu.memory_space<vmem>>, %arg6: memref<8x128xf32, #tpu.memory_space<vmem>>) attributes {dimension_semantics = [#tpu.dimension_semantics<arbitrary>], iteration_bounds = array<i64: 79>, scalar_prefetch = 0 : i64, scratch_operands = 0 : i64, tpu.core_type = #tpu.core_type<tc>, window_params = [{transform_indices = @transform_0, window_bounds = array<i64: 2, 128, 128>}, {transform_indices = @transform_1, window_bounds = array<i64: 128, 128>}, {transform_indices = @transform_2, window_bounds = array<i64: 128, 128>}, {pipeline_mode = #tpu.pipeline_mode<synchronous>, transform_indices = @transform_3, window_bounds = array<i64: 1, 128>}, {transform_indices = @transform_4, window_bounds = array<i64: 128, 128>}, {pipeline_mode = #tpu.pipeline_mode<synchronous>, transform_indices = @transform_5, window_bounds = array<i64: 8, 128>}]} {
    %iota3A = tpu.iota {dimensions = array<i32: 0>} : vector<128x1xi32>
    %mul3A = arith.constant 128 : i32
    %mul3A_0 = arith.muli %arg0, %mul3A : i32
    %add3A = vector.broadcast %mul3A_0 : i32 to vector<128x1xi32>
    %add3A_1 = arith.addi %iota3A, %add3A : vector<128x1xi32>
    %lt3A = arith.constant 10000 : i32
    %lt3A_2 = vector.broadcast %lt3A : i32 to vector<128x1xi32>
    %lt3A_3 = arith.cmpi slt, %add3A_1, %lt3A_2 : vector<128x1xi32>
    %convert_element_type3A = arith.extui %lt3A_3 : vector<128x1xi1> to vector<128x1xi32>
    %convert_element_type3A_4 = arith.sitofp %convert_element_type3A : vector<128x1xi32> to vector<128x1xf32>
    %get3A = arith.constant 0 : index
    %get3A_5 = arith.constant 0 : index
    %get3A_6 = arith.constant 0 : index
    %get3A_7 = vector.load %arg1[%get3A, %get3A_5, %get3A_6] : memref<2x128x128xf32, #tpu.memory_space<vmem>>, vector<1x128x128xf32>
    %get3A_8 = vector.shape_cast %get3A_7 : vector<1x128x128xf32> to vector<128x128xf32>
    %get3A_9 = arith.constant 1 : index
    %get3A_10 = arith.constant 0 : index
    %get3A_11 = arith.constant 0 : index
    %get3A_12 = vector.load %arg1[%get3A_9, %get3A_10, %get3A_11] : memref<2x128x128xf32, #tpu.memory_space<vmem>>, vector<1x128x128xf32>
    %get3A_13 = vector.shape_cast %get3A_12 : vector<1x128x128xf32> to vector<128x128xf32>
    %add3A_14 = arith.addf %get3A_8, %get3A_13 : vector<128x128xf32>
    %get3A_15 = arith.constant 0 : index
    %get3A_16 = arith.constant 0 : index
    %get3A_17 = vector.load %arg3[%get3A_15, %get3A_16] : memref<128x128xf32, #tpu.memory_space<vmem>>, vector<128x128xf32>
    %get3A_18 = arith.constant 0 : index
    %get3A_19 = arith.constant 0 : index
    %get3A_20 = vector.load %arg2[%get3A_18, %get3A_19] : memref<128x128xf32, #tpu.memory_space<vmem>>, vector<128x128xf32>
    %add3A_21 = arith.addf %add3A_14, %get3A_20 : vector<128x128xf32>
    %mul3A_22 = arith.mulf %get3A_17, %add3A_21 : vector<128x128xf32>
    %get3A_23 = arith.constant 0 : index
    %get3A_24 = arith.constant 0 : index
    %get3A_25 = vector.load %arg4[%get3A_23, %get3A_24] : memref<1x128xf32, #tpu.memory_space<vmem>>, vector<1x128xf32>
    %add3A_26 = vector.broadcast %get3A_25 : vector<1x128xf32> to vector<128x128xf32>
    %add3A_27 = arith.addf %mul3A_22, %add3A_26 : vector<128x128xf32>
    %mul3A_28 = vector.broadcast %convert_element_type3A_4 : vector<128x1xf32> to vector<128x128xf32>
    %mul3A_29 = arith.mulf %add3A_27, %mul3A_28 : vector<128x128xf32>
    %swap3A = arith.constant 0 : index
    %swap3A_30 = arith.constant 0 : index
    %swap3A_31 = vector.load %arg5[%swap3A, %swap3A_30] : memref<128x128xf32, #tpu.memory_space<vmem>>, vector<128x128xf32>
    tpu.vector_store %arg5[%swap3A, %swap3A_30], %mul3A_29 {strides = array<i32>} : memref<128x128xf32, #tpu.memory_space<vmem>>, vector<128x128xf32>,
    %eq3A = arith.constant 0 : i32
    %eq3A_32 = arith.cmpi eq, %arg0, %eq3A : i32
    %convert_element_type3A_33 = arith.extui %eq3A_32 : i1 to i32
    %cond3A = arith.constant 0 : i32
    %cond3A_34 = arith.cmpi ne, %convert_element_type3A_33, %cond3A : i32
    scf.if %cond3A_34 {
      %broadcast_in_dim3A_54 = arith.constant 0.000000e+00 : f32
      %broadcast_in_dim3A_55 = vector.broadcast %broadcast_in_dim3A_54 : f32 to vector<8x128xf32>
      %swap3A_56 = arith.constant 0 : index
      %swap3A_57 = arith.constant 0 : index
      %swap3A_58 = vector.load %arg6[%swap3A_56, %swap3A_57] : memref<8x128xf32, #tpu.memory_space<vmem>>, vector<8x128xf32>
      tpu.vector_store %arg6[%swap3A_56, %swap3A_57], %broadcast_in_dim3A_55 {strides = array<i32>} : memref<8x128xf32, #tpu.memory_space<vmem>>, vector<8x128xf32>,
    } else {
    }
    %get3A_35 = arith.constant 0 : index
    %get3A_36 = arith.constant 0 : index
    %get3A_37 = vector.load %arg6[%get3A_35, %get3A_36] : memref<8x128xf32, #tpu.memory_space<vmem>>, vector<1x128xf32>
    %reduce_sum3A = arith.constant dense<0.000000e+00> : vector<128xf32>
    %reduce_sum3A_38 = vector.multi_reduction <add>, %mul3A_29, %reduce_sum3A [0] : vector<128x128xf32> to vector<128xf32>
    %broadcast_in_dim3A = vector.shape_cast %reduce_sum3A_38 : vector<128xf32> to vector<1x128xf32>
    %add3A_39 = arith.addf %get3A_37, %broadcast_in_dim3A : vector<1x128xf32>
    %swap3A_40 = arith.constant 0 : index
    %swap3A_41 = arith.constant 0 : index
    %swap3A_42 = vector.load %arg6[%swap3A_40, %swap3A_41] : memref<8x128xf32, #tpu.memory_space<vmem>>, vector<1x128xf32>
    tpu.vector_store %arg6[%swap3A_40, %swap3A_41], %add3A_39 {strides = array<i32>} : memref<8x128xf32, #tpu.memory_space<vmem>>, vector<1x128xf32>,
    %get3A_43 = arith.constant 1 : index
    %get3A_44 = arith.constant 0 : index
    %get3A_45 = vector.load %arg6[%get3A_43, %get3A_44] : memref<8x128xf32, #tpu.memory_space<vmem>>, vector<1x128xf32>
    %mul3A_46 = arith.mulf %mul3A_29, %mul3A_29 : vector<128x128xf32>
    %reduce_sum3A_47 = arith.constant dense<0.000000e+00> : vector<128xf32>
    %reduce_sum3A_48 = vector.multi_reduction <add>, %mul3A_46, %reduce_sum3A_47 [0] : vector<128x128xf32> to vector<128xf32>
    %broadcast_in_dim3A_49 = vector.shape_cast %reduce_sum3A_48 : vector<128xf32> to vector<1x128xf32>
    %add3A_50 = arith.addf %get3A_45, %broadcast_in_dim3A_49 : vector<1x128xf32>
    %swap3A_51 = arith.constant 1 : index
    %swap3A_52 = arith.constant 0 : index
    %swap3A_53 = vector.load %arg6[%swap3A_51, %swap3A_52] : memref<8x128xf32, #tpu.memory_space<vmem>>, vector<1x128xf32>
    tpu.vector_store %arg6[%swap3A_51, %swap3A_52], %add3A_50 {strides = array<i32>} : memref<8x128xf32, #tpu.memory_space<vmem>>, vector<1x128xf32>,
    return
  }
  func.func @transform_0(%arg0: i32) -> (i32, i32, i32) {
    %c0_i32 = arith.constant 0 : i32
    %c0_i32_0 = arith.constant 0 : i32
    %c0_i32_1 = arith.constant 0 : i32
    return %c0_i32, %arg0, %c0_i32_0 : i32, i32, i32
  }
  func.func @transform_1(%arg0: i32) -> (i32, i32) {
    %c0_i32 = arith.constant 0 : i32
    %c0_i32_0 = arith.constant 0 : i32
    return %arg0, %c0_i32 : i32, i32
  }
  func.func @transform_2(%arg0: i32) -> (i32, i32) {
    %c0_i32 = arith.constant 0 : i32
    %c0_i32_0 = arith.constant 0 : i32
    return %arg0, %c0_i32 : i32, i32
  }
  func.func @transform_3(%arg0: i32) -> (i32, i32) {
    %c0_i32 = arith.constant 0 : i32
    %c0_i32_0 = arith.constant 0 : i32
    %c0_i32_1 = arith.constant 0 : i32
    return %c0_i32, %c0_i32_0 : i32, i32
  }
  func.func @transform_4(%arg0: i32) -> (i32, i32) {
    %c0_i32 = arith.constant 0 : i32
    %c0_i32_0 = arith.constant 0 : i32
    return %arg0, %c0_i32 : i32, i32
  }
  func.func @transform_5(%arg0: i32) -> (i32, i32) {
    %c0_i32 = arith.constant 0 : i32
    %c0_i32_0 = arith.constant 0 : i32
    %c0_i32_1 = arith.constant 0 : i32
    return %c0_i32, %c0_i32_0 : i32, i32
  }
}

module attributes {stable_mosaic.version = 14 : i64} {
  func.func @body(%arg0: i32, %arg1: memref<128x128xf32, #tpu.memory_space<vmem>>, %arg2: memref<8x128xf32, #tpu.memory_space<vmem>>, %arg3: memref<1x128xf32, #tpu.memory_space<vmem>>, %arg4: memref<1x128xf32, #tpu.memory_space<vmem>>, %arg5: memref<128x128xf32, #tpu.memory_space<vmem>>, %arg6: memref<128x128xf32, #tpu.memory_space<vmem>>, %arg7: memref<128x128xf32, #tpu.memory_space<vmem>>) attributes {dimension_semantics = [#tpu.dimension_semantics<arbitrary>], iteration_bounds = array<i64: 79>, scalar_prefetch = 0 : i64, scratch_operands = 0 : i64, tpu.core_type = #tpu.core_type<tc>, window_params = [{transform_indices = @transform_0, window_bounds = array<i64: 128, 128>}, {pipeline_mode = #tpu.pipeline_mode<synchronous>, transform_indices = @transform_1, window_bounds = array<i64: 8, 128>}, {pipeline_mode = #tpu.pipeline_mode<synchronous>, transform_indices = @transform_2, window_bounds = array<i64: 1, 128>}, {pipeline_mode = #tpu.pipeline_mode<synchronous>, transform_indices = @transform_3, window_bounds = array<i64: 1, 128>}, {pipeline_mode = #tpu.pipeline_mode<synchronous>, transform_indices = @transform_4, window_bounds = array<i64: 128, 128>}, {transform_indices = @transform_5, window_bounds = array<i64: 128, 128>}, {transform_indices = @transform_6, window_bounds = array<i64: 128, 128>}]} {
    %get3A = arith.constant 0 : index
    %get3A_0 = arith.constant 0 : index
    %get3A_1 = vector.load %arg2[%get3A, %get3A_0] : memref<8x128xf32, #tpu.memory_space<vmem>>, vector<1x128xf32>
    %mul3A = arith.constant 9.99999974E-5 : f32
    %mul3A_2 = vector.broadcast %mul3A : f32 to vector<1x128xf32>
    %mul3A_3 = arith.mulf %get3A_1, %mul3A_2 : vector<1x128xf32>
    %get3A_4 = arith.constant 1 : index
    %get3A_5 = arith.constant 0 : index
    %get3A_6 = vector.load %arg2[%get3A_4, %get3A_5] : memref<8x128xf32, #tpu.memory_space<vmem>>, vector<1x128xf32>
    %mul3A_7 = arith.constant 9.99999974E-5 : f32
    %mul3A_8 = vector.broadcast %mul3A_7 : f32 to vector<1x128xf32>
    %mul3A_9 = arith.mulf %get3A_6, %mul3A_8 : vector<1x128xf32>
    %mul3A_10 = arith.mulf %mul3A_3, %mul3A_3 : vector<1x128xf32>
    %sub3A = arith.subf %mul3A_9, %mul3A_10 : vector<1x128xf32>
    %get3A_11 = arith.constant 0 : index
    %get3A_12 = arith.constant 0 : index
    %get3A_13 = vector.load %arg3[%get3A_11, %get3A_12] : memref<1x128xf32, #tpu.memory_space<vmem>>, vector<1x128xf32>
    %add3A = arith.constant 9.99999974E-6 : f32
    %add3A_14 = vector.broadcast %add3A : f32 to vector<1x128xf32>
    %add3A_15 = arith.addf %sub3A, %add3A_14 : vector<1x128xf32>
    %rsqrt3A = math.rsqrt %add3A_15 : vector<1x128xf32>
    %mul3A_16 = arith.mulf %get3A_13, %rsqrt3A : vector<1x128xf32>
    %get3A_17 = arith.constant 0 : index
    %get3A_18 = arith.constant 0 : index
    %get3A_19 = vector.load %arg4[%get3A_17, %get3A_18] : memref<1x128xf32, #tpu.memory_space<vmem>>, vector<1x128xf32>
    %mul3A_20 = arith.mulf %mul3A_3, %mul3A_16 : vector<1x128xf32>
    %sub3A_21 = arith.subf %get3A_19, %mul3A_20 : vector<1x128xf32>
    %get3A_22 = arith.constant 0 : index
    %get3A_23 = arith.constant 0 : index
    %get3A_24 = vector.load %arg1[%get3A_22, %get3A_23] : memref<128x128xf32, #tpu.memory_space<vmem>>, vector<128x128xf32>
    %mul3A_25 = vector.broadcast %mul3A_16 : vector<1x128xf32> to vector<128x128xf32>
    %mul3A_26 = arith.mulf %get3A_24, %mul3A_25 : vector<128x128xf32>
    %add3A_27 = vector.broadcast %sub3A_21 : vector<1x128xf32> to vector<128x128xf32>
    %add3A_28 = arith.addf %mul3A_26, %add3A_27 : vector<128x128xf32>
    %max3A = arith.constant 0.000000e+00 : f32
    %max3A_29 = vector.broadcast %max3A : f32 to vector<128x128xf32>
    %max3A_30 = arith.maximumf %add3A_28, %max3A_29 : vector<128x128xf32>
    %get3A_31 = arith.constant 0 : index
    %get3A_32 = arith.constant 0 : index
    %get3A_33 = vector.load %arg5[%get3A_31, %get3A_32] : memref<128x128xf32, #tpu.memory_space<vmem>>, vector<128x128xf32>
    %dot_general3A = arith.constant dense<0.000000e+00> : vector<128x128xf32>
    %dot_general3A_34 = tpu.matmul %max3A_30, %get3A_33, %dot_general3A {dimension_numbers = #tpu.dot_dimension_numbers<[1], [0], [0], [1], [0, 0, 1, 1], [], []>, transpose_lhs_hint = false} : vector<128x128xf32>, vector<128x128xf32>, vector<128x128xf32> -> vector<128x128xf32>
    %get3A_35 = arith.constant 0 : index
    %get3A_36 = arith.constant 0 : index
    %get3A_37 = vector.load %arg6[%get3A_35, %get3A_36] : memref<128x128xf32, #tpu.memory_space<vmem>>, vector<128x128xf32>
    %mul3A_38 = arith.mulf %dot_general3A_34, %get3A_37 : vector<128x128xf32>
    %swap3A = arith.constant 0 : index
    %swap3A_39 = arith.constant 0 : index
    %swap3A_40 = vector.load %arg7[%swap3A, %swap3A_39] : memref<128x128xf32, #tpu.memory_space<vmem>>, vector<128x128xf32>
    tpu.vector_store %arg7[%swap3A, %swap3A_39], %mul3A_38 {strides = array<i32>} : memref<128x128xf32, #tpu.memory_space<vmem>>, vector<128x128xf32>,
    return
  }
  func.func @transform_0(%arg0: i32) -> (i32, i32) {
    %c0_i32 = arith.constant 0 : i32
    %c0_i32_0 = arith.constant 0 : i32
    return %arg0, %c0_i32 : i32, i32
  }
  func.func @transform_1(%arg0: i32) -> (i32, i32) {
    %c0_i32 = arith.constant 0 : i32
    %c0_i32_0 = arith.constant 0 : i32
    %c0_i32_1 = arith.constant 0 : i32
    return %c0_i32, %c0_i32_0 : i32, i32
  }
  func.func @transform_2(%arg0: i32) -> (i32, i32) {
    %c0_i32 = arith.constant 0 : i32
    %c0_i32_0 = arith.constant 0 : i32
    %c0_i32_1 = arith.constant 0 : i32
    return %c0_i32, %c0_i32_0 : i32, i32
  }
  func.func @transform_3(%arg0: i32) -> (i32, i32) {
    %c0_i32 = arith.constant 0 : i32
    %c0_i32_0 = arith.constant 0 : i32
    %c0_i32_1 = arith.constant 0 : i32
    return %c0_i32, %c0_i32_0 : i32, i32
  }
  func.func @transform_4(%arg0: i32) -> (i32, i32) {
    %c0_i32 = arith.constant 0 : i32
    %c0_i32_0 = arith.constant 0 : i32
    %c0_i32_1 = arith.constant 0 : i32
    return %c0_i32, %c0_i32_0 : i32, i32
  }
  func.func @transform_5(%arg0: i32) -> (i32, i32) {
    %c0_i32 = arith.constant 0 : i32
    %c0_i32_0 = arith.constant 0 : i32
    return %arg0, %c0_i32 : i32, i32
  }
  func.func @transform_6(%arg0: i32) -> (i32, i32) {
    %c0_i32 = arith.constant 0 : i32
    %c0_i32_0 = arith.constant 0 : i32
    return %arg0, %c0_i32 : i32, i32
  }
}

module attributes {stable_mosaic.version = 14 : i64} {
  func.func @body(%arg0: i32, %arg1: memref<128x128xf32, #tpu.memory_space<vmem>>, %arg2: memref<8x128xf32, #tpu.memory_space<vmem>>, %arg3: memref<1x128xf32, #tpu.memory_space<vmem>>, %arg4: memref<1x128xf32, #tpu.memory_space<vmem>>, %arg5: memref<1x1x128xi32, #tpu.memory_space<vmem>>, %arg6: memref<128x128xf32, #tpu.memory_space<vmem>>, %arg7: memref<1x128xf32, #tpu.memory_space<vmem>>, %arg8: memref<128x128xf32, #tpu.memory_space<vmem>>, %arg9: memref<1x128xf32, #tpu.memory_space<vmem>>, %arg10: memref<64x128xf32, #tpu.memory_space<vmem>>, %arg11: memref<64x128xf32, #tpu.memory_space<vmem>>, %arg12: memref<64x128xf32, #tpu.memory_space<vmem>>) attributes {dimension_semantics = [#tpu.dimension_semantics<arbitrary>], iteration_bounds = array<i64: 79>, scalar_prefetch = 0 : i64, scratch_operands = 2 : i64, tpu.core_type = #tpu.core_type<tc>, window_params = [{transform_indices = @transform_0, window_bounds = array<i64: 128, 128>}, {pipeline_mode = #tpu.pipeline_mode<synchronous>, transform_indices = @transform_1, window_bounds = array<i64: 8, 128>}, {pipeline_mode = #tpu.pipeline_mode<synchronous>, transform_indices = @transform_2, window_bounds = array<i64: 1, 128>}, {pipeline_mode = #tpu.pipeline_mode<synchronous>, transform_indices = @transform_3, window_bounds = array<i64: 1, 128>}, {transform_indices = @transform_4, window_bounds = array<i64: 1, 1, 128>}, {pipeline_mode = #tpu.pipeline_mode<synchronous>, transform_indices = @transform_5, window_bounds = array<i64: 128, 128>}, {pipeline_mode = #tpu.pipeline_mode<synchronous>, transform_indices = @transform_6, window_bounds = array<i64: 1, 128>}, {pipeline_mode = #tpu.pipeline_mode<synchronous>, transform_indices = @transform_7, window_bounds = array<i64: 128, 128>}, {pipeline_mode = #tpu.pipeline_mode<synchronous>, transform_indices = @transform_8, window_bounds = array<i64: 1, 128>}, {pipeline_mode = #tpu.pipeline_mode<synchronous>, transform_indices = @transform_9, window_bounds = array<i64: 64, 128>}]} {
    %get3A = arith.constant 0 : index
    %get3A_0 = arith.constant 0 : index
    %get3A_1 = vector.load %arg2[%get3A, %get3A_0] : memref<8x128xf32, #tpu.memory_space<vmem>>, vector<1x128xf32>
    %mul3A = arith.constant 9.99999974E-5 : f32
    %mul3A_2 = vector.broadcast %mul3A : f32 to vector<1x128xf32>
    %mul3A_3 = arith.mulf %get3A_1, %mul3A_2 : vector<1x128xf32>
    %get3A_4 = arith.constant 1 : index
    %get3A_5 = arith.constant 0 : index
    %get3A_6 = vector.load %arg2[%get3A_4, %get3A_5] : memref<8x128xf32, #tpu.memory_space<vmem>>, vector<1x128xf32>
    %mul3A_7 = arith.constant 9.99999974E-5 : f32
    %mul3A_8 = vector.broadcast %mul3A_7 : f32 to vector<1x128xf32>
    %mul3A_9 = arith.mulf %get3A_6, %mul3A_8 : vector<1x128xf32>
    %mul3A_10 = arith.mulf %mul3A_3, %mul3A_3 : vector<1x128xf32>
    %sub3A = arith.subf %mul3A_9, %mul3A_10 : vector<1x128xf32>
    %get3A_11 = arith.constant 0 : index
    %get3A_12 = arith.constant 0 : index
    %get3A_13 = vector.load %arg3[%get3A_11, %get3A_12] : memref<1x128xf32, #tpu.memory_space<vmem>>, vector<1x128xf32>
    %add3A = arith.constant 9.99999974E-6 : f32
    %add3A_14 = vector.broadcast %add3A : f32 to vector<1x128xf32>
    %add3A_15 = arith.addf %sub3A, %add3A_14 : vector<1x128xf32>
    %rsqrt3A = math.rsqrt %add3A_15 : vector<1x128xf32>
    %mul3A_16 = arith.mulf %get3A_13, %rsqrt3A : vector<1x128xf32>
    %get3A_17 = arith.constant 0 : index
    %get3A_18 = arith.constant 0 : index
    %get3A_19 = vector.load %arg4[%get3A_17, %get3A_18] : memref<1x128xf32, #tpu.memory_space<vmem>>, vector<1x128xf32>
    %mul3A_20 = arith.mulf %mul3A_3, %mul3A_16 : vector<1x128xf32>
    %sub3A_21 = arith.subf %get3A_19, %mul3A_20 : vector<1x128xf32>
    %get3A_22 = arith.constant 0 : index
    %get3A_23 = arith.constant 0 : index
    %get3A_24 = vector.load %arg1[%get3A_22, %get3A_23] : memref<128x128xf32, #tpu.memory_space<vmem>>, vector<128x128xf32>
    %mul3A_25 = vector.broadcast %mul3A_16 : vector<1x128xf32> to vector<128x128xf32>
    %mul3A_26 = arith.mulf %get3A_24, %mul3A_25 : vector<128x128xf32>
    %add3A_27 = vector.broadcast %sub3A_21 : vector<1x128xf32> to vector<128x128xf32>
    %add3A_28 = arith.addf %mul3A_26, %add3A_27 : vector<128x128xf32>
    %max3A = arith.constant 0.000000e+00 : f32
    %max3A_29 = vector.broadcast %max3A : f32 to vector<128x128xf32>
    %max3A_30 = arith.maximumf %add3A_28, %max3A_29 : vector<128x128xf32>
    %get3A_31 = arith.constant 0 : index
    %get3A_32 = arith.constant 0 : index
    %get3A_33 = arith.constant 0 : index
    %get3A_34 = vector.load %arg5[%get3A_31, %get3A_32, %get3A_33] : memref<1x1x128xi32, #tpu.memory_space<vmem>>, vector<1x1x128xi32>
    %get3A_35 = vector.shape_cast %get3A_34 : vector<1x1x128xi32> to vector<1x128xi32>
    %broadcast_in_dim3A = vector.shape_cast %get3A_35 : vector<1x128xi32> to vector<1x128xi32>
    %broadcast_in_dim3A_36 = vector.broadcast %broadcast_in_dim3A : vector<1x128xi32> to vector<64x128xi32>
    %iota3A = tpu.iota {dimensions = array<i32: 0>} : vector<64x128xi32>
    %eq3A = arith.cmpi eq, %iota3A, %broadcast_in_dim3A_36 : vector<64x128xi32>
    %convert_element_type3A = arith.extui %eq3A : vector<64x128xi1> to vector<64x128xi32>
    %convert_element_type3A_37 = arith.sitofp %convert_element_type3A : vector<64x128xi32> to vector<64x128xf32>
    %eq3A_38 = arith.constant 0 : i32
    %eq3A_39 = arith.cmpi eq, %arg0, %eq3A_38 : i32
    %convert_element_type3A_40 = arith.extui %eq3A_39 : i1 to i32
    %cond3A = arith.constant 0 : i32
    %cond3A_41 = arith.cmpi ne, %convert_element_type3A_40, %cond3A : i32
    scf.if %cond3A_41 {
      %broadcast_in_dim3A_65 = arith.constant 0.000000e+00 : f32
      %broadcast_in_dim3A_66 = vector.broadcast %broadcast_in_dim3A_65 : f32 to vector<64x128xf32>
      %swap3A_67 = arith.constant 0 : index
      %swap3A_68 = arith.constant 0 : index
      %swap3A_69 = vector.load %arg11[%swap3A_67, %swap3A_68] : memref<64x128xf32, #tpu.memory_space<vmem>>, vector<64x128xf32>
      tpu.vector_store %arg11[%swap3A_67, %swap3A_68], %broadcast_in_dim3A_66 {strides = array<i32>} : memref<64x128xf32, #tpu.memory_space<vmem>>, vector<64x128xf32>,
      %broadcast_in_dim3A_70 = arith.constant 0.000000e+00 : f32
      %broadcast_in_dim3A_71 = vector.broadcast %broadcast_in_dim3A_70 : f32 to vector<64x128xf32>
      %swap3A_72 = arith.constant 0 : index
      %swap3A_73 = arith.constant 0 : index
      %swap3A_74 = vector.load %arg12[%swap3A_72, %swap3A_73] : memref<64x128xf32, #tpu.memory_space<vmem>>, vector<64x128xf32>
      tpu.vector_store %arg12[%swap3A_72, %swap3A_73], %broadcast_in_dim3A_71 {strides = array<i32>} : memref<64x128xf32, #tpu.memory_space<vmem>>, vector<64x128xf32>,
    } else {
    }
    %get3A_42 = arith.constant 0 : index
    %get3A_43 = arith.constant 0 : index
    %get3A_44 = vector.load %arg11[%get3A_42, %get3A_43] : memref<64x128xf32, #tpu.memory_space<vmem>>, vector<64x128xf32>
    %dot_general3A = arith.constant dense<0.000000e+00> : vector<64x128xf32>
    %dot_general3A_45 = tpu.matmul %convert_element_type3A_37, %max3A_30, %dot_general3A {dimension_numbers = #tpu.dot_dimension_numbers<[1], [0], [0], [1], [0, 0, 1, 1], [], []>, transpose_lhs_hint = false} : vector<64x128xf32>, vector<128x128xf32>, vector<64x128xf32> -> vector<64x128xf32>
    %add3A_46 = arith.addf %get3A_44, %dot_general3A_45 : vector<64x128xf32>
    %swap3A = arith.constant 0 : index
    %swap3A_47 = arith.constant 0 : index
    %swap3A_48 = vector.load %arg11[%swap3A, %swap3A_47] : memref<64x128xf32, #tpu.memory_space<vmem>>, vector<64x128xf32>
    tpu.vector_store %arg11[%swap3A, %swap3A_47], %add3A_46 {strides = array<i32>} : memref<64x128xf32, #tpu.memory_space<vmem>>, vector<64x128xf32>,
    %get3A_49 = arith.constant 0 : index
    %get3A_50 = arith.constant 0 : index
    %get3A_51 = vector.load %arg12[%get3A_49, %get3A_50] : memref<64x128xf32, #tpu.memory_space<vmem>>, vector<64x128xf32>
    %reduce_sum3A = arith.constant dense<0.000000e+00> : vector<64xf32>
    %reduce_sum3A_52 = vector.multi_reduction <add>, %convert_element_type3A_37, %reduce_sum3A [1] : vector<64x128xf32> to vector<64xf32>
    %broadcast_in_dim3A_53 = vector.shape_cast %reduce_sum3A_52 : vector<64xf32> to vector<64x1xf32>
    %broadcast_in_dim3A_54 = vector.shape_cast %broadcast_in_dim3A_53 : vector<64x1xf32> to vector<64x1xf32>
    %broadcast_in_dim3A_55 = vector.broadcast %broadcast_in_dim3A_54 : vector<64x1xf32> to vector<64x128xf32>
    %add3A_56 = arith.addf %get3A_51, %broadcast_in_dim3A_55 : vector<64x128xf32>
    %swap3A_57 = arith.constant 0 : index
    %swap3A_58 = arith.constant 0 : index
    %swap3A_59 = vector.load %arg12[%swap3A_57, %swap3A_58] : memref<64x128xf32, #tpu.memory_space<vmem>>, vector<64x128xf32>
    tpu.vector_store %arg12[%swap3A_57, %swap3A_58], %add3A_56 {strides = array<i32>} : memref<64x128xf32, #tpu.memory_space<vmem>>, vector<64x128xf32>,
    %eq3A_60 = arith.constant 78 : i32
    %eq3A_61 = arith.cmpi eq, %arg0, %eq3A_60 : i32
    %convert_element_type3A_62 = arith.extui %eq3A_61 : i1 to i32
    %cond3A_63 = arith.constant 0 : i32
    %cond3A_64 = arith.cmpi ne, %convert_element_type3A_62, %cond3A_63 : i32
    scf.if %cond3A_64 {
      %get3A_65 = arith.constant 0 : index
      %get3A_66 = arith.constant 0 : index
      %get3A_67 = vector.load %arg11[%get3A_65, %get3A_66] : memref<64x128xf32, #tpu.memory_space<vmem>>, vector<64x128xf32>
      %get3A_68 = arith.constant 0 : index
      %get3A_69 = arith.constant 0 : index
      %get3A_70 = vector.load %arg12[%get3A_68, %get3A_69] : memref<64x128xf32, #tpu.memory_space<vmem>>, vector<64x128xf32>
      %max3A_71 = arith.constant 1.000000e+00 : f32
      %max3A_72 = vector.broadcast %max3A_71 : f32 to vector<64x128xf32>
      %max3A_73 = arith.maximumf %get3A_70, %max3A_72 : vector<64x128xf32>
      %div3A = arith.divf %get3A_67, %max3A_73 : vector<64x128xf32>
      %get3A_74 = arith.constant 0 : index
      %get3A_75 = arith.constant 0 : index
      %get3A_76 = vector.load %arg6[%get3A_74, %get3A_75] : memref<128x128xf32, #tpu.memory_space<vmem>>, vector<128x128xf32>
      %dot_general3A_77 = arith.constant dense<0.000000e+00> : vector<64x128xf32>
      %dot_general3A_78 = tpu.matmul %div3A, %get3A_76, %dot_general3A_77 {dimension_numbers = #tpu.dot_dimension_numbers<[1], [0], [0], [1], [0, 0, 1, 1], [], []>, transpose_lhs_hint = false} : vector<64x128xf32>, vector<128x128xf32>, vector<64x128xf32> -> vector<64x128xf32>
      %get3A_79 = arith.constant 0 : index
      %get3A_80 = arith.constant 0 : index
      %get3A_81 = vector.load %arg7[%get3A_79, %get3A_80] : memref<1x128xf32, #tpu.memory_space<vmem>>, vector<1x128xf32>
      %add3A_82 = vector.broadcast %get3A_81 : vector<1x128xf32> to vector<64x128xf32>
      %add3A_83 = arith.addf %dot_general3A_78, %add3A_82 : vector<64x128xf32>
      %max3A_84 = arith.constant 0.000000e+00 : f32
      %max3A_85 = vector.broadcast %max3A_84 : f32 to vector<64x128xf32>
      %max3A_86 = arith.maximumf %add3A_83, %max3A_85 : vector<64x128xf32>
      %get3A_87 = arith.constant 0 : index
      %get3A_88 = arith.constant 0 : index
      %get3A_89 = vector.load %arg8[%get3A_87, %get3A_88] : memref<128x128xf32, #tpu.memory_space<vmem>>, vector<128x128xf32>
      %dot_general3A_90 = arith.constant dense<0.000000e+00> : vector<64x128xf32>
      %dot_general3A_91 = tpu.matmul %max3A_86, %get3A_89, %dot_general3A_90 {dimension_numbers = #tpu.dot_dimension_numbers<[1], [0], [0], [1], [0, 0, 1, 1], [], []>, transpose_lhs_hint = false} : vector<64x128xf32>, vector<128x128xf32>, vector<64x128xf32> -> vector<64x128xf32>
      %get3A_92 = arith.constant 0 : index
      %get3A_93 = arith.constant 0 : index
      %get3A_94 = vector.load %arg9[%get3A_92, %get3A_93] : memref<1x128xf32, #tpu.memory_space<vmem>>, vector<1x128xf32>
      %add3A_95 = vector.broadcast %get3A_94 : vector<1x128xf32> to vector<64x128xf32>
      %add3A_96 = arith.addf %dot_general3A_91, %add3A_95 : vector<64x128xf32>
      %swap3A_97 = arith.constant 0 : index
      %swap3A_98 = arith.constant 0 : index
      %swap3A_99 = vector.load %arg10[%swap3A_97, %swap3A_98] : memref<64x128xf32, #tpu.memory_space<vmem>>, vector<64x128xf32>
      tpu.vector_store %arg10[%swap3A_97, %swap3A_98], %add3A_96 {strides = array<i32>} : memref<64x128xf32, #tpu.memory_space<vmem>>, vector<64x128xf32>,
    } else {
    }
    return
  }
  func.func @transform_0(%arg0: i32) -> (i32, i32) {
    %c0_i32 = arith.constant 0 : i32
    %c0_i32_0 = arith.constant 0 : i32
    return %arg0, %c0_i32 : i32, i32
  }
  func.func @transform_1(%arg0: i32) -> (i32, i32) {
    %c0_i32 = arith.constant 0 : i32
    %c0_i32_0 = arith.constant 0 : i32
    %c0_i32_1 = arith.constant 0 : i32
    return %c0_i32, %c0_i32_0 : i32, i32
  }
  func.func @transform_2(%arg0: i32) -> (i32, i32) {
    %c0_i32 = arith.constant 0 : i32
    %c0_i32_0 = arith.constant 0 : i32
    %c0_i32_1 = arith.constant 0 : i32
    return %c0_i32, %c0_i32_0 : i32, i32
  }
  func.func @transform_3(%arg0: i32) -> (i32, i32) {
    %c0_i32 = arith.constant 0 : i32
    %c0_i32_0 = arith.constant 0 : i32
    %c0_i32_1 = arith.constant 0 : i32
    return %c0_i32, %c0_i32_0 : i32, i32
  }
  func.func @transform_4(%arg0: i32) -> (i32, i32, i32) {
    %c0_i32 = arith.constant 0 : i32
    %c0_i32_0 = arith.constant 0 : i32
    %c0_i32_1 = arith.constant 0 : i32
    return %arg0, %c0_i32, %c0_i32_0 : i32, i32, i32
  }
  func.func @transform_5(%arg0: i32) -> (i32, i32) {
    %c0_i32 = arith.constant 0 : i32
    %c0_i32_0 = arith.constant 0 : i32
    %c0_i32_1 = arith.constant 0 : i32
    return %c0_i32, %c0_i32_0 : i32, i32
  }
  func.func @transform_6(%arg0: i32) -> (i32, i32) {
    %c0_i32 = arith.constant 0 : i32
    %c0_i32_0 = arith.constant 0 : i32
    %c0_i32_1 = arith.constant 0 : i32
    return %c0_i32, %c0_i32_0 : i32, i32
  }
  func.func @transform_7(%arg0: i32) -> (i32, i32) {
    %c0_i32 = arith.constant 0 : i32
    %c0_i32_0 = arith.constant 0 : i32
    %c0_i32_1 = arith.constant 0 : i32
    return %c0_i32, %c0_i32_0 : i32, i32
  }
  func.func @transform_8(%arg0: i32) -> (i32, i32) {
    %c0_i32 = arith.constant 0 : i32
    %c0_i32_0 = arith.constant 0 : i32
    %c0_i32_1 = arith.constant 0 : i32
    return %c0_i32, %c0_i32_0 : i32, i32
  }
  func.func @transform_9(%arg0: i32) -> (i32, i32) {
    %c0_i32 = arith.constant 0 : i32
    %c0_i32_0 = arith.constant 0 : i32
    %c0_i32_1 = arith.constant 0 : i32
    return %c0_i32, %c0_i32_0 : i32, i32
  }
}

</mosaic_0001>

<sc_bundles>
// kernel: kernel.13.cloned.1.call-start
scs
__scs_entry_jumppad:
0x0: {  	(pc) =	sbr.rel $0x88, $3  }
0x1: {  	(tag) =	ssettag $0x0;
	lr =	simm.s32 $0x1  }
0x2: {  	[smem:$0x3F8E] =	sst lr;
	_ =	strace $0xD0000000  }
0x3: {  	_ = 	snop  }
0x4: {  	_ = 	snop  }
0x5: {  	_ = 	snop  }
0x6: {  	_ = 	snop  }
0x7: {  	_ = 	snop  }
__scs_overlays_trampoline_lowered:
0x8: {  	[smem:$0x3F9D] =	sst s0  }
0x9: {  	[smem:$0x3F9E] =	sst s1  }
0xa: {  	[smem:$0x3F9F] =	sst s2  }
0xb: {  	[smem:$0x3FA0] =	sst s3  }
0xc: {  	[smem:$0x3FA1] =	sst s4  }
0xd: {  	[smem:$0x3FA2] =	sst s5  }
0xe: {  	[smem:$0x3FA3] =	sst s6  }
0xf: {  	[smem:$0x3FA4] =	sst s7  }
0x10: {  	[smem:$0x3FA5] =	sst s8  }
0x11: {  	[smem:$0x3FA6] =	sst s9;
	s0 =	simm.s32 @!p0 $0x0  }
0x12: {  	s1 =	sld [smem:$0x3F8C];
	s0 =	simm.s32 @p0 $0x1  }
0x13: {  	[smem:$0x3FA7] =	sst s0;
	s0 =	simm.s32 @!p1 $0x0  }
0x14: {  	s2 =	sld [smem:$0x3F8B];
	s0 =	simm.s32 @p1 $0x1  }
0x15: {  	[smem:$0x3FA8] =	sst s0;
	s0 =	simm.s32 @!p2 $0x0  }
0x16: {  	s3 =	sld [smem:$0x3FDB];
	s0 =	simm.s32 @p2 $0x1  }
0x17: {  	s4 =	simm.s32 $0x1BF5;
	[smem:$0x3FAA] =	sst s0  }
0x18: {  	s0 =	sld [smem:$0x3F8D];
	_ =	swait.ge [sflag:s4], $0x0  }
0x19: {  	s7 =	sld [smem:$0x3F8E]  }
0x1a: {  	s8 =	sadd.s32 $0xFFFFE003, lr  }
0x1b: {  	s9 =	sadd.s32 $0xFFFFFEF7, lr;
	s5 =	simm.s32 $0xFFFFFFFF;
	p2 =	slt.u32 s8, $0xFFFFF086  }
0x1c: {  	p1 =	slt.u32 s9, $0xF7A;
	s5 =	simm.s32 @!p2 $0x0  }
0x1d: {  	s5 =	simm.s32 @p1 $0x1;
	p0 =	seq.s32 s7, s2  }
0x1e: {  	s7 =	smul.u32 @!p0 $0xF7A, s2;
	p2 =	seq.s32 @!p0 s5, $0x0  }
0x1f: {  	s9 =	smul.u32 $0xF7A, s1;
	s8 =	simm.s32 @!p0 $0x1BF5;
	p2 =	por !p2, p0  }
0x20: {  	[sflag:s8] =	ssyncset.s32 @!p0 $0xFFFFF086;
	s6 =	sadd.s32 @!p0 s3, s7;
	s7 =	simm.s32 @!p0 $0x108  }
0x21: {  	s3 =	sadd.s32 s3, s9;
	s6 =	sadd.s32 @!p0 $0x88, s6;
	s7 =	simm.s32 @p2 $0x1082  }
0x22: {  	[simem:s7], [sflag:s8] =	dma.local @!p0 [hbm:s6], $0xF7A  }
0x23: {  	s9 =	sor.u32 $0xD0000000, s2;
	s6 =	simm.s32 $0x108;
	_ =	swait.ge @!p0 [sflag:s8], $0x0  }
0x24: {  	s3 =	sadd.s32 $0x88, s3;
	s6 =	simm.s32 @!p1 $0x1082;
	[sflag:s4] =	ssyncset.s32 $0xFFFFF086  }
0x25: {  	[simem:s6], [sflag:s4] =	dma.local [hbm:s3], $0xF7A  }
0x26: {  	[smem:$0x3F8E] =	sst s1;
	(tag) =	ssettag s2;
	_ =	strace s9  }
0x27: {  	s1 =	sld [smem:$0x3F9E]  }
0x28: {  	s2 =	sld [smem:$0x3F9F]  }
0x29: {  	s4 =	sld [smem:$0x3FA1]  }
0x2a: {  	p0 =	seq.s32 s5, $0x0;
	s5 =	sld [smem:$0x3FA2]  }
0x2b: {  	s6 =	sld [smem:$0x3FA3]  }
0x2c: {  	s7 =	sld [smem:$0x3FA4]  }
0x2d: {  	s3 =	simm.s32 $0x108;
	s8 =	sld [smem:$0x3FA5]  }
0x2e: {  	s3 =	simm.s32 @!p0 $0x1082;
	s9 =	sld [smem:$0x3FA6]  }
0x2f: {  	lr =	sadd.s32 s0, s3;
	s0 =	sld [smem:$0x3F9D]  }
0x30: {  	s3 =	sld [smem:$0x3FA0]  }
0x31: {  	[smem:$0x3FA9] =	sst s10  }
0x32: {  	s10 =	sld [smem:$0x3FA7];
	_ =	sdelay $0x3  }
0x33: {  	p0 =	seq.s32 s10, $0x1;
	s10 =	sld [smem:$0x3FA9];
	_ =	sdelay $0x3  }
0x34: {  	[smem:$0x3FA9] =	sst s10  }
0x35: {  	s10 =	sld [smem:$0x3FA8];
	_ =	sdelay $0x3  }
0x36: {  	p1 =	seq.s32 s10, $0x1;
	s10 =	sld [smem:$0x3FA9];
	_ =	sdelay $0x3  }
0x37: {  	[smem:$0x3FA9] =	sst s10  }
0x38: {  	s10 =	sld [smem:$0x3FAA]  }
0x39: {  	_ = 	snop;
	(pc) =	sbr.ind lr, $3  }
0x3a: {  	_ = 	snop  }
0x3b: {  	_ = 	snop  }
0x3c: {  	p2 =	seq.s32 s10, $0x1;
	s10 =	sld [smem:$0x3FA9]  }
0x3d: {  	_ =	shalt  }
0x3e: {  	_ =	shalt  }
0x3f: {  	_ =	shalt  }
0x40: {  	_ =	shalt  }
0x41: {  	_ =	shalt  }
0x42: {  	_ =	shalt  }
0x43: {  	_ =	shalt  }
0x44: {  	_ =	shalt  }
0x45: {  	_ =	shalt  }
0x46: {  	_ =	shalt  }
0x47: {  	_ =	shalt  }
0x48: {  	_ =	shalt  }
0x49: {  	_ =	shalt  }
0x4a: {  	_ =	shalt  }
0x4b: {  	_ =	shalt  }
0x4c: {  	_ =	shalt  }
0x4d: {  	_ =	shalt  }
0x4e: {  	_ =	shalt  }
0x4f: {  	_ =	shalt  }
0x50: {  	_ =	shalt  }
0x51: {  	_ =	shalt  }
0x52: {  	_ =	shalt  }
0x53: {  	_ =	shalt  }
0x54: {  	_ =	shalt  }
0x55: {  	_ =	shalt  }
0x56: {  	_ =	shalt  }
0x57: {  	_ =	shalt  }
0x58: {  	_ =	shalt  }
0x59: {  	_ =	shalt  }
0x5a: {  	_ =	shalt  }
0x5b: {  	_ =	shalt  }
0x5c: {  	_ =	shalt  }
0x5d: {  	_ =	shalt  }
0x5e: {  	_ =	shalt  }
0x5f: {  	_ =	shalt  }
0x60: {  	_ =	shalt  }
0x61: {  	_ =	shalt  }
0x62: {  	_ =	shalt  }
0x63: {  	_ =	shalt  }
0x64: {  	_ =	shalt  }
0x65: {  	_ =	shalt  }
0x66: {  	_ =	shalt  }
0x67: {  	_ =	shalt  }
0x68: {  	_ =	shalt  }
0x69: {  	_ =	shalt  }
0x6a: {  	_ =	shalt  }
0x6b: {  	_ =	shalt  }
0x6c: {  	_ =	shalt  }
0x6d: {  	_ =	shalt  }
0x6e: {  	_ =	shalt  }
0x6f: {  	_ =	shalt  }
0x70: {  	_ =	shalt  }
0x71: {  	_ =	shalt  }
0x72: {  	_ =	shalt  }
0x73: {  	_ =	shalt  }
0x74: {  	_ =	shalt  }
0x75: {  	_ =	shalt  }
0x76: {  	_ =	shalt  }
0x77: {  	_ =	shalt  }
0x78: {  	_ =	shalt  }
0x79: {  	_ =	shalt  }
0x7a: {  	_ =	shalt  }
0x7b: {  	_ =	shalt  }
0x7c: {  	_ =	shalt  }
0x7d: {  	_ =	shalt  }
0x7e: {  	_ =	shalt  }
0x7f: {  	_ =	shalt  }
0x80: {  	_ =	shalt  }
0x81: {  	_ =	shalt  }
0x82: {  	_ =	shalt  }
0x83: {  	_ =	shalt  }
0x84: {  	_ =	shalt  }
0x85: {  	_ =	shalt  }
0x86: {  	_ =	shalt  }
0x87: {  	_ =	shalt  }
.Lfunc_end0:
.L_simem_size_0:
called_computation_lowered:
.L_overlay_start_0:
0x88: {  	s2 =	sld [smem:$0x3FD9]  }
0x89: {  	s3 =	sld [smem:$0x3FFE];
	_ =	sdelay $0x1  }
0x8a: {  	s1 =	srdreg.scid  }
0x8b: {  	s0 =	sand.u32 $0x1, s1  }
0x8c: {  	s16 =	sshll.u32 s0, $0xA;
	s2 =	sadd.s32 s3, s2  }
0x8d: {  	s2 =	sadd.s32 s2, s16  }
0x8e: {  	[smem:$0x3FB5] =	sst s2  }
0x8f: {  	_ = 	snop  }
0x90: {  	(tm) =	ssettm $0x1  }
0x91: {  	s17 =	sld [smem:$0x3FFB];
	_ =	sdelay $0x3  }
0x92: {  	_ =	strace s17  }
0x93: {  	s2 =	sld [smem:$0x3FFC];
	_ =	sdelay $0x3  }
0x94: {  	_ =	strace s2  }
0x95: {  	s2 =	sld [smem:$0x3FFD];
	_ =	sdelay $0x3  }
0x96: {  	_ =	strace s2  }
0x97: {  	_ =	strace $0x8FFFFFFF  }
0x98: {  	s18 =	sld [smem:$0x3FDB];
	_ =	sdelay $0x1  }
0x99: {  	s19 =	simm.s32 $_scs_section_size  }
0x9a: {  	s4 =	simm.s32 $_size__tile_overlayer_lowered;
	s5 =	simm.s32 $_tile_overlayer_lowered  }
0x9b: {  	s22 =	simm.s32 $0x1BFF;
	s21 =	sshll.u32 s5, $0x1;
	s2 =	sadd.s32 s19, s18  }
0x9c: {  	s6 =	simm.s32 $0x0;
	s20 =	sshll.u32 s4, $0x1;
	s4 =	sadd.s32 s21, s2  }
0x9d: {  	[timem:s6], [sflag:s22] =	dma.local [hbm:s4], s20  }
0x9e: {  	_ =	swait.ge [sflag:s22], s20  }
0x9f: {  	s3 =	ssub.s32 $0x0, s20;
	[sflag:s22] =	ssyncset.done $0x0  }
0xa0: {  	[sflag:s22] =	ssyncadd.s32 s3;
	_ =	sdelay $0x1  }
0xa1: {  	s23 =	simm.s32 $0x1B8B  }
0xa2: {  	_ =	swait.ge [sflag:s23], $0x1  }
0xa3: {  	[sflag:s23] =	ssyncset.done $0x0  }
0xa4: {  	s25 =	simm.s32 $0x1B8E;
	s24 =	sld [smem:$0x3FFE];
	[sflag:s23] =	ssyncadd.s32 $0xFFFFFFFF  }
0xa5: {  	s26 =	simm.s32 $execute0_lowered;
	[smem:$0x3FD2] =	sst s25  }
0xa6: {  	s4 =	sshll.u32 s26, $0x1;
	_ =	strace $0x80000046;
	[dreg:$0x1] =	wrdreg $0xFFFFFFFF  }
0xa7: {  	s28 =	simm.s32 $_size_execute0_lowered;
	s2 =	sadd.s32 s2, s4;
	[dreg:$0x0] =	wrdreg $0x0  }
0xa8: {  	s4 =	sshll.u32 s28, $0x1;
	[dreg:$0x2] =	wrdreg s2  }
0xa9: {  	[dreg:$0x3] =	wrdreg s4  }
0xaa: {  	[dreg:$0x4] =	wrdreg $0xC0  }
0xab: {  	_ =	task [dreg:s6], $0x5FFFF  }
0xac: {  	[dreg:$0x1] =	wrdreg $0xFFFFFFFF  }
0xad: {  	[dreg:$0x0] =	wrdreg $0x60  }
0xae: {  	[dreg:$0x2] =	wrdreg s24  }
0xaf: {  	[dreg:$0x3] =	wrdreg $0x68000  }
0xb0: {  	[dreg:$0x4] =	wrdreg $0x9  }
0xb1: {  	_ =	task.clear_ibuf [dreg:s6], $0x5FFFF;
	_ =	strace $0x90000046  }
0xb2: {  	s29 =	simm.s32 $0x9;
	_ =	strace $0x80000048  }
0xb3: {  	_ =	swait.ge [sflag:s29], $0x1  }
0xb4: {  	[sflag:s29] =	ssyncadd.s32 $0xFFFFFFFF  }
0xb5: {  	_ =	strace $0x90000048  }
0xb6: {  	_ =	sfence  }
0xb7: {  	s30 =	sld [smem:$0x0];
	_ =	sdelay $0x2  }
0xb8: {  	s31 =	sshll.u32 s1, $0xD;
	s1 =	sshrl.u32 s1, $0x2  }
0xb9: {  	s3 =	sand.u32 $0x4000, s31;
	s1 =	sadd.s32 s1, s30  }
0xba: {  	s0 =	sor.u32 s3, s0;
	s1 =	sshll.u32 s1, $0x11  }
0xbb: {  	s0 =	sor.u32 s1, s0  }
0xbc: {  	s0 =	sadd.s32 $0x8F2B, s0  }
0xbd: {  	[sflag:s0] =	ssyncadd.remote.s32 $0x1  }
0xbe: {  	_ =	sfence.sel $0xFFFF  }
0xbf: {  	[dreg:$0x0] =	wrdreg $0xFFFFFFFF;
	(pc) =	sbr.abs _section_cstart, $3  }
0xc0: {  	[dreg:$0x1] =	wrdreg $0xFFFFFFFF  }
0xc1: {  	_ =	task.clear_ibuf [dreg:s6], $0x2FFFF;
	_ =	strace $0x9FFFFFFF  }
0xc2: {  	(tm) =	ssettm $0x7FFFFFFF  }
0xc3: {  	_ =	shalt  }
tec
execute0_lowered:
.L_overlay_start_1:
0x0: {  	(tag) =	ssettag $0x1  }
0x1: {  	s0 =	srdreg.scid;
	s5 =	rddreg [dreg:$0x0]  }
0x2: {  	s2 =	rddreg [dreg:$0x1];
	s4 =	sand.u32 $0x1, s0;
	s0 =	stileid.u32  }
0x3: {  	s3 =	simm.s32 $0x0;
	s13 =	simm.s32 $0x80;
	s7 =	smul.u32 $0x13C00, s0  }
0x4: {  	s14 =	simm.s32 $0x0;
	[smem:$0x7FF] =	sst s3;
	s9 =	smul.u32 $0x13C000, s4  }
0x5: {  	s1 =	sshll.u32 s4, $0x4;
	s30 =	ssub.s32 $0x2, s4;
	s10 =	smul.u32 $0x4F000, s0  }
0x6: {  	s4 =	sadd.s32 $0x40400, s5;
	s31 =	sshll.u32 s0, $0x6;
	s6 =	sor.u32 s0, s1  }
0x7: {  	s1 =	rddreg [dreg:$0x2];
	_ =	strace $0x80000047;
	s11 =	sshrl.u32 s30, $0x1  }
0x8: {  	s6 =	smul.u32 $0x500, s6;
	s8 =	sshrl.u32 s7, $0x3;
	s7 =	sadd.s32 s7, s9  }
0x9: {  	s9 =	ssub.s32 s30, s11;
	s10 =	sshrl.u32 s10, $0x2;
	s11 =	sor.u32 $0x1C01, s31  }
0xa: {  	s8 =	sadd.s32 s8, s5;
	s7 =	sshrl.u32 s7, $0x3;
	s12 =	sadd.s32 s10, s2  }
0xb: {  	s10 =	simm.s32 $0x1;
	s6 =	sadd.s32 s6, s5;
	s7 =	sadd.s32 s7, s5  }
0xc: {  	s12 =	sshrl.u32 s12, $0x3;
	s5 =	sadd.s32 $0xEC00, s6;
	s6 =	sadd.s32 $0x18C00, s8  }
0xd: {  	s7 =	sadd.s32 $0x40C00, s7;
	s8 =	smax.u32 s9, $0x1;
	s9 =	simm.s32 $0x2800  }
.LBB2_1:
0xe: {  	[tilespmem:s9], [sflag:$0x1] =	stream.linear.gather [hbm4b:s4+s3], $0x4000, $0x38;
	[tilespmem:$0x1A400] =	vst v63  }
0xf: {  	_ =	swait.ge [sflag:s10], $0x4000  }
0x10: {  	[sflag:s10] =	ssyncset.done $0x0  }
0x11: {  	[sflag:s10] =	ssyncadd.s32 $0xFFFFC000  }
0x12: {  	[tilespmem:s3], [sflag:$0x1] =	stream.linear.gather [hbm4b:s5+s3], $0x2780, $0x38;
	[tilespmem:$0x1A400] =	vst v63  }
0x13: {  	_ =	swait.ge [sflag:s10], $0x2780  }
0x14: {  	[sflag:s10] =	ssyncset.done $0x0  }
0x15: {  	[sflag:s10] =	ssyncadd.s32 $0xFFFFD880  }
0x16: {  	[spmem:s12], [sflag:s11] =	dma.local [hbm:s6], $0x2780  }
0x17: {  	_ =	swait.ge [sflag:s10], $0x2780  }
0x18: {  	[sflag:s10] =	ssyncset.done $0x0  }
0x19: {  	[sflag:s10] =	ssyncadd.s32 $0xFFFFD880  }
0x1a: {  	s15 =	simm.s32 $0x0;
	[bflag:$0x0] =	sbarrier.arrive $0xFFFF  }
0x1b: {  	[spmem:s2] =	stream.indirect.scatter.add.f32 [tilespmem:s9], [sflag:$0x1], $0x80, s15, s13, $0xb8;
	[tilespmem:$0x1A400] =	vst v63  }
0x1c: {  	_ =	swait.ge [sflag:s10], $0x4000  }
0x1d: {  	s15 =	simm.s32 $0x200;
	[sflag:s10] =	ssyncset.done $0x0  }
.LBB2_2:
0x1e: {  	s16 =	sshra.s32 s15, $0x2;
	[sflag:s10] =	ssyncadd.s32 $0xFFFFC000;
	p0 =	sne.s32 s15, $0x9C00  }
0x1f: {  	[spmem:s2] =	stream.indirect.scatter.add.f32 [tilespmem:s9], [sflag:$0x1], $0x80, s16, s13, $0xb8;
	[tilespmem:$0x1A400] =	vst v63  }
.Ltmp0:
0x20: {  	_ = 	snop;
	(pc) =	sbr.rel @p0 .LBB2_2-.Ltmp0, $4  }
0x21: {  	_ = 	snop  }
0x22: {  	s15 =	sadd.s32 $0x200, s15  }
0x23: {  	_ =	swait.ge [sflag:s10], $0x4000  }
0x24: {  	[sflag:s10] =	ssyncset.done $0x0  }
0x25: {  	s14 =	sadd.s32 $0x1, s14  }
0x26: {  	[sflag:s10] =	ssyncadd.s32 $0xFFFFC000;
	p0 =	sne.s32 s14, s8  }
.Ltmp1:
0x27: {  	[bflag:$0x0] =	sbarrier.arrive $0xFFFF;
	(pc) =	sbr.rel @p0 .LBB2_1-.Ltmp1, $4  }
0x28: {  	[hbm:s7], [sflag:s11] =	dma.local [spmem:s12], $0x2780  }
0x29: {  	_ =	swait.ge [sflag:s10], $0x2780  }
0x2a: {  	[sflag:s10] =	ssyncset.done $0x0  }
0x2b: {  	[sflag:s10] =	ssyncadd.s32 $0xFFFFD880  }
0x2c: {  	_ =	sfence.sel $0x180000  }
0x2d: {  	[bflag:$0x0] =	sbarrier.arrive $0xFFFF  }
0x2e: {  	p0 =	sne.s32 s0, $0x0;
	_ =	strace $0x90000047  }
0x2f: {  	s0 =	sadd.s32 @!p0 $0x100000, s1;
	[bflag:$0x2] =	sbarrier.arrive $0xFFFF  }
0x30: {  	[sflag:s0] =	ssyncadd.tile.s32 @!p0 $0x1;
	_ =	shalt  }
.Lfunc_end2:
_tile_overlayer_lowered:
.L_overlay_start_2:
0x31: {  	(tag) =	ssettag $0x2  }
0x32: {  	s0 =	rddreg [dreg:$0x0];
	s2 =	stileid.u32  }
0x33: {  	s1 =	rddreg [dreg:$0x1];
	p0 =	sne.s32 s2, $0x0  }
0x34: {  	s3 =	rddreg [dreg:$0x2];
	[bflag:$0x3] =	sbarrier.arrive $0xFFFF;
	s2 =	simm.s32 @!p0 $0x1C01  }
0x35: {  	[timem:s3], [sflag:s2] =	dma.local @!p0 [hbm:s0], s1  }
0x36: {  	s0 =	simm.s32 @!p0 $0x1  }
0x37: {  	_ =	swait.ge @!p0 [sflag:s0], s1  }
0x38: {  	s1 =	ssub.s32 @!p0 $0x0, s1;
	[sflag:s0] =	ssyncset.done @!p0 $0x0  }
0x39: {  	[sflag:s0] =	ssyncadd.s32 @!p0 s1  }
0x3a: {  	[bflag:$0x3] =	sbarrier.arrive $0xFFFF  }
0x3b: {  	_ =	shalt  }

// kernel: kernel.16.cloned.1.call-start
scs
__scs_entry_jumppad:
0x0: {  	(pc) =	sbr.rel $0x88, $3  }
0x1: {  	(tag) =	ssettag $0x0;
	lr =	simm.s32 $0x1  }
0x2: {  	[smem:$0x3F8E] =	sst lr;
	_ =	strace $0xD0000000  }
0x3: {  	_ = 	snop  }
0x4: {  	_ = 	snop  }
0x5: {  	_ = 	snop  }
0x6: {  	_ = 	snop  }
0x7: {  	_ = 	snop  }
__scs_overlays_trampoline_lowered:
0x8: {  	[smem:$0x3F9D] =	sst s0  }
0x9: {  	[smem:$0x3F9E] =	sst s1  }
0xa: {  	[smem:$0x3F9F] =	sst s2  }
0xb: {  	[smem:$0x3FA0] =	sst s3  }
0xc: {  	[smem:$0x3FA1] =	sst s4  }
0xd: {  	[smem:$0x3FA2] =	sst s5  }
0xe: {  	[smem:$0x3FA3] =	sst s6  }
0xf: {  	[smem:$0x3FA4] =	sst s7  }
0x10: {  	[smem:$0x3FA5] =	sst s8  }
0x11: {  	[smem:$0x3FA6] =	sst s9;
	s0 =	simm.s32 @!p0 $0x0  }
0x12: {  	s1 =	sld [smem:$0x3F8C];
	s0 =	simm.s32 @p0 $0x1  }
0x13: {  	[smem:$0x3FA7] =	sst s0;
	s0 =	simm.s32 @!p1 $0x0  }
0x14: {  	s2 =	sld [smem:$0x3F8B];
	s0 =	simm.s32 @p1 $0x1  }
0x15: {  	[smem:$0x3FA8] =	sst s0;
	s0 =	simm.s32 @!p2 $0x0  }
0x16: {  	s3 =	sld [smem:$0x3FDB];
	s0 =	simm.s32 @p2 $0x1  }
0x17: {  	s4 =	simm.s32 $0x1BF5;
	[smem:$0x3FAA] =	sst s0  }
0x18: {  	s0 =	sld [smem:$0x3F8D];
	_ =	swait.ge [sflag:s4], $0x0  }
0x19: {  	s7 =	sld [smem:$0x3F8E]  }
0x1a: {  	s8 =	sadd.s32 $0xFFFFE003, lr  }
0x1b: {  	s9 =	sadd.s32 $0xFFFFFEF7, lr;
	s5 =	simm.s32 $0xFFFFFFFF;
	p2 =	slt.u32 s8, $0xFFFFF086  }
0x1c: {  	p1 =	slt.u32 s9, $0xF7A;
	s5 =	simm.s32 @!p2 $0x0  }
0x1d: {  	s5 =	simm.s32 @p1 $0x1;
	p0 =	seq.s32 s7, s2  }
0x1e: {  	s7 =	smul.u32 @!p0 $0xF7A, s2;
	p2 =	seq.s32 @!p0 s5, $0x0  }
0x1f: {  	s9 =	smul.u32 $0xF7A, s1;
	s8 =	simm.s32 @!p0 $0x1BF5;
	p2 =	por !p2, p0  }
0x20: {  	[sflag:s8] =	ssyncset.s32 @!p0 $0xFFFFF086;
	s6 =	sadd.s32 @!p0 s3, s7;
	s7 =	simm.s32 @!p0 $0x108  }
0x21: {  	s3 =	sadd.s32 s3, s9;
	s6 =	sadd.s32 @!p0 $0x88, s6;
	s7 =	simm.s32 @p2 $0x1082  }
0x22: {  	[simem:s7], [sflag:s8] =	dma.local @!p0 [hbm:s6], $0xF7A  }
0x23: {  	s9 =	sor.u32 $0xD0000000, s2;
	s6 =	simm.s32 $0x108;
	_ =	swait.ge @!p0 [sflag:s8], $0x0  }
0x24: {  	s3 =	sadd.s32 $0x88, s3;
	s6 =	simm.s32 @!p1 $0x1082;
	[sflag:s4] =	ssyncset.s32 $0xFFFFF086  }
0x25: {  	[simem:s6], [sflag:s4] =	dma.local [hbm:s3], $0xF7A  }
0x26: {  	[smem:$0x3F8E] =	sst s1;
	(tag) =	ssettag s2;
	_ =	strace s9  }
0x27: {  	s1 =	sld [smem:$0x3F9E]  }
0x28: {  	s2 =	sld [smem:$0x3F9F]  }
0x29: {  	s4 =	sld [smem:$0x3FA1]  }
0x2a: {  	p0 =	seq.s32 s5, $0x0;
	s5 =	sld [smem:$0x3FA2]  }
0x2b: {  	s6 =	sld [smem:$0x3FA3]  }
0x2c: {  	s7 =	sld [smem:$0x3FA4]  }
0x2d: {  	s3 =	simm.s32 $0x108;
	s8 =	sld [smem:$0x3FA5]  }
0x2e: {  	s3 =	simm.s32 @!p0 $0x1082;
	s9 =	sld [smem:$0x3FA6]  }
0x2f: {  	lr =	sadd.s32 s0, s3;
	s0 =	sld [smem:$0x3F9D]  }
0x30: {  	s3 =	sld [smem:$0x3FA0]  }
0x31: {  	[smem:$0x3FA9] =	sst s10  }
0x32: {  	s10 =	sld [smem:$0x3FA7];
	_ =	sdelay $0x3  }
0x33: {  	p0 =	seq.s32 s10, $0x1;
	s10 =	sld [smem:$0x3FA9];
	_ =	sdelay $0x3  }
0x34: {  	[smem:$0x3FA9] =	sst s10  }
0x35: {  	s10 =	sld [smem:$0x3FA8];
	_ =	sdelay $0x3  }
0x36: {  	p1 =	seq.s32 s10, $0x1;
	s10 =	sld [smem:$0x3FA9];
	_ =	sdelay $0x3  }
0x37: {  	[smem:$0x3FA9] =	sst s10  }
0x38: {  	s10 =	sld [smem:$0x3FAA]  }
0x39: {  	_ = 	snop;
	(pc) =	sbr.ind lr, $3  }
0x3a: {  	_ = 	snop  }
0x3b: {  	_ = 	snop  }
0x3c: {  	p2 =	seq.s32 s10, $0x1;
	s10 =	sld [smem:$0x3FA9]  }
0x3d: {  	_ =	shalt  }
0x3e: {  	_ =	shalt  }
0x3f: {  	_ =	shalt  }
0x40: {  	_ =	shalt  }
0x41: {  	_ =	shalt  }
0x42: {  	_ =	shalt  }
0x43: {  	_ =	shalt  }
0x44: {  	_ =	shalt  }
0x45: {  	_ =	shalt  }
0x46: {  	_ =	shalt  }
0x47: {  	_ =	shalt  }
0x48: {  	_ =	shalt  }
0x49: {  	_ =	shalt  }
0x4a: {  	_ =	shalt  }
0x4b: {  	_ =	shalt  }
0x4c: {  	_ =	shalt  }
0x4d: {  	_ =	shalt  }
0x4e: {  	_ =	shalt  }
0x4f: {  	_ =	shalt  }
0x50: {  	_ =	shalt  }
0x51: {  	_ =	shalt  }
0x52: {  	_ =	shalt  }
0x53: {  	_ =	shalt  }
0x54: {  	_ =	shalt  }
0x55: {  	_ =	shalt  }
0x56: {  	_ =	shalt  }
0x57: {  	_ =	shalt  }
0x58: {  	_ =	shalt  }
0x59: {  	_ =	shalt  }
0x5a: {  	_ =	shalt  }
0x5b: {  	_ =	shalt  }
0x5c: {  	_ =	shalt  }
0x5d: {  	_ =	shalt  }
0x5e: {  	_ =	shalt  }
0x5f: {  	_ =	shalt  }
0x60: {  	_ =	shalt  }
0x61: {  	_ =	shalt  }
0x62: {  	_ =	shalt  }
0x63: {  	_ =	shalt  }
0x64: {  	_ =	shalt  }
0x65: {  	_ =	shalt  }
0x66: {  	_ =	shalt  }
0x67: {  	_ =	shalt  }
0x68: {  	_ =	shalt  }
0x69: {  	_ =	shalt  }
0x6a: {  	_ =	shalt  }
0x6b: {  	_ =	shalt  }
0x6c: {  	_ =	shalt  }
0x6d: {  	_ =	shalt  }
0x6e: {  	_ =	shalt  }
0x6f: {  	_ =	shalt  }
0x70: {  	_ =	shalt  }
0x71: {  	_ =	shalt  }
0x72: {  	_ =	shalt  }
0x73: {  	_ =	shalt  }
0x74: {  	_ =	shalt  }
0x75: {  	_ =	shalt  }
0x76: {  	_ =	shalt  }
0x77: {  	_ =	shalt  }
0x78: {  	_ =	shalt  }
0x79: {  	_ =	shalt  }
0x7a: {  	_ =	shalt  }
0x7b: {  	_ =	shalt  }
0x7c: {  	_ =	shalt  }
0x7d: {  	_ =	shalt  }
0x7e: {  	_ =	shalt  }
0x7f: {  	_ =	shalt  }
0x80: {  	_ =	shalt  }
0x81: {  	_ =	shalt  }
0x82: {  	_ =	shalt  }
0x83: {  	_ =	shalt  }
0x84: {  	_ =	shalt  }
0x85: {  	_ =	shalt  }
0x86: {  	_ =	shalt  }
0x87: {  	_ =	shalt  }
.Lfunc_end0:
.L_simem_size_0:
called_computation.1_lowered:
.L_overlay_start_0:
0x88: {  	s2 =	sld [smem:$0x3FD9]  }
0x89: {  	s3 =	sld [smem:$0x3FFE];
	_ =	sdelay $0x1  }
0x8a: {  	s1 =	srdreg.scid  }
0x8b: {  	s0 =	sand.u32 $0x1, s1  }
0x8c: {  	s16 =	sshll.u32 s0, $0xA;
	s2 =	sadd.s32 s3, s2  }
0x8d: {  	s2 =	sadd.s32 s2, s16  }
0x8e: {  	[smem:$0x3FB5] =	sst s2  }
0x8f: {  	_ = 	snop  }
0x90: {  	(tm) =	ssettm $0x1  }
0x91: {  	s17 =	sld [smem:$0x3FFB];
	_ =	sdelay $0x3  }
0x92: {  	_ =	strace s17  }
0x93: {  	s2 =	sld [smem:$0x3FFC];
	_ =	sdelay $0x3  }
0x94: {  	_ =	strace s2  }
0x95: {  	s2 =	sld [smem:$0x3FFD];
	_ =	sdelay $0x3  }
0x96: {  	_ =	strace s2  }
0x97: {  	_ =	strace $0x8FFFFFFF  }
0x98: {  	s18 =	sld [smem:$0x3FDB];
	_ =	sdelay $0x1  }
0x99: {  	s19 =	simm.s32 $_scs_section_size  }
0x9a: {  	s4 =	simm.s32 $_size__tile_overlayer_lowered;
	s5 =	simm.s32 $_tile_overlayer_lowered  }
0x9b: {  	s22 =	simm.s32 $0x1BFF;
	s21 =	sshll.u32 s5, $0x1;
	s2 =	sadd.s32 s19, s18  }
0x9c: {  	s6 =	simm.s32 $0x0;
	s20 =	sshll.u32 s4, $0x1;
	s4 =	sadd.s32 s21, s2  }
0x9d: {  	[timem:s6], [sflag:s22] =	dma.local [hbm:s4], s20  }
0x9e: {  	_ =	swait.ge [sflag:s22], s20  }
0x9f: {  	s3 =	ssub.s32 $0x0, s20;
	[sflag:s22] =	ssyncset.done $0x0  }
0xa0: {  	[sflag:s22] =	ssyncadd.s32 s3;
	_ =	sdelay $0x1  }
0xa1: {  	s23 =	simm.s32 $0x1B8B  }
0xa2: {  	_ =	swait.ge [sflag:s23], $0x1  }
0xa3: {  	[sflag:s23] =	ssyncset.done $0x0  }
0xa4: {  	s25 =	simm.s32 $0x1B8E;
	s24 =	sld [smem:$0x3FFE];
	[sflag:s23] =	ssyncadd.s32 $0xFFFFFFFF  }
0xa5: {  	s26 =	simm.s32 $execute0_lowered;
	[smem:$0x3FD2] =	sst s25  }
0xa6: {  	s4 =	sshll.u32 s26, $0x1;
	_ =	strace $0x80000049;
	[dreg:$0x1] =	wrdreg $0xFFFFFFFF  }
0xa7: {  	s28 =	simm.s32 $_size_execute0_lowered;
	s2 =	sadd.s32 s2, s4;
	[dreg:$0x0] =	wrdreg $0x0  }
0xa8: {  	s4 =	sshll.u32 s28, $0x1;
	[dreg:$0x2] =	wrdreg s2  }
0xa9: {  	[dreg:$0x3] =	wrdreg s4  }
0xaa: {  	[dreg:$0x4] =	wrdreg $0xC0  }
0xab: {  	_ =	task [dreg:s6], $0x5FFFF  }
0xac: {  	[dreg:$0x1] =	wrdreg $0xFFFFFFFF  }
0xad: {  	[dreg:$0x0] =	wrdreg $0x60  }
0xae: {  	[dreg:$0x2] =	wrdreg s24  }
0xaf: {  	[dreg:$0x3] =	wrdreg $0x84000  }
0xb0: {  	[dreg:$0x4] =	wrdreg $0x9  }
0xb1: {  	_ =	task.clear_ibuf [dreg:s6], $0x5FFFF;
	_ =	strace $0x90000049  }
0xb2: {  	s29 =	simm.s32 $0x9;
	_ =	strace $0x8000004B  }
0xb3: {  	_ =	swait.ge [sflag:s29], $0x1  }
0xb4: {  	[sflag:s29] =	ssyncadd.s32 $0xFFFFFFFF  }
0xb5: {  	_ =	strace $0x9000004B  }
0xb6: {  	_ =	sfence  }
0xb7: {  	s30 =	sld [smem:$0x0];
	_ =	sdelay $0x2  }
0xb8: {  	s31 =	sshll.u32 s1, $0xD;
	s1 =	sshrl.u32 s1, $0x2  }
0xb9: {  	s3 =	sand.u32 $0x4000, s31;
	s1 =	sadd.s32 s1, s30  }
0xba: {  	s0 =	sor.u32 s3, s0;
	s1 =	sshll.u32 s1, $0x11  }
0xbb: {  	s0 =	sor.u32 s1, s0  }
0xbc: {  	s0 =	sadd.s32 $0x8F2B, s0  }
0xbd: {  	[sflag:s0] =	ssyncadd.remote.s32 $0x1  }
0xbe: {  	_ =	sfence.sel $0xFFFF  }
0xbf: {  	[dreg:$0x0] =	wrdreg $0xFFFFFFFF;
	(pc) =	sbr.abs _section_cstart, $3  }
0xc0: {  	[dreg:$0x1] =	wrdreg $0xFFFFFFFF  }
0xc1: {  	_ =	task.clear_ibuf [dreg:s6], $0x2FFFF;
	_ =	strace $0x9FFFFFFF  }
0xc2: {  	(tm) =	ssettm $0x7FFFFFFF  }
0xc3: {  	_ =	shalt  }
tec
execute0_lowered:
.L_overlay_start_1:
0x0: {  	(tag) =	ssettag $0x1  }
0x1: {  	s0 =	rddreg [dreg:$0x0]  }
0x2: {  	s2 =	rddreg [dreg:$0x1];
	s3 =	simm.s32 $0x0;
	s12 =	stileid.u32  }
0x3: {  	s1 =	srdreg.scid;
	s29 =	simm.s32 $0x2;
	[smem:$0x7FF] =	sst s3  }
0x4: {  	s5 =	smul.u32 $0x13C00, s12;
	s1 =	sand.u32 $0x1, s1;
	s4 =	sadd.s32 $0x40400, s0  }
0x5: {  	s7 =	sadd.s32 $0x8FC00, s0;
	s9 =	sadd.s32 $0x4E00, s0;
	s11 =	smul.u32 $0x72, s12  }
0x6: {  	s19 =	smul.u32 $0x4F000, s12;
	s21 =	sshll.u32 s12, $0x6;
	_ =	strace $0x8000004A  }
0x7: {  	s6 =	smul.u32 $0x13C000, s1;
	s18 =	ssub.s32 $0x2, s1;
	p0 =	seq.s32 s1, $0x0  }
0x8: {  	s1 =	smul.u32 $0x2C, s12;
	s8 =	sshrl.u32 s5, $0x3;
	s10 =	sshrl.u32 s18, $0x1  }
0x9: {  	s11 =	sadd.s32 $0x2C0, s11;
	s8 =	sadd.s32 s8, s0;
	s5 =	sadd.s32 s5, s6  }
0xa: {  	s6 =	ssub.s32 s18, s10;
	s10 =	sshrl.u32 s19, $0x2;
	s11 =	smov.u32 @p0 s1  }
0xb: {  	s5 =	sshrl.u32 s5, $0x3;
	s20 =	sadd.s32 s10, s2;
	s8 =	sadd.s32 $0x18C00, s8  }
0xc: {  	s22 =	sshll.u32 s11, $0x4;
	s28 =	smax.u32 s6, $0x1;
	[dreg:$0x3] =	wrdreg s20  }
0xd: {  	s0 =	sadd.s32 s5, s0;
	s5 =	simm.s32 $0x2C;
	[dreg:$0x4] =	wrdreg s8  }
0xe: {  	s8 =	sor.u32 $0x1C09, s21;
	s11 =	sadd.s32 s7, s22;
	[dreg:$0xc] =	wrdreg s28  }
0xf: {  	s23 =	sadd.s32 s9, s22;
	s24 =	sor.u32 $0x10, s22;
	[dreg:$0x5] =	wrdreg s11  }
0x10: {  	s25 =	sadd.s32 $0x20, s22;
	s13 =	sadd.s32 s7, s24;
	[dreg:$0x6] =	wrdreg s23  }
0x11: {  	s1 =	sadd.s32 $0x30, s22;
	s10 =	sadd.s32 s9, s24;
	[dreg:$0x7] =	wrdreg s13  }
0x12: {  	s21 =	simm.s32 $0x9;
	s26 =	sadd.s32 s7, s25;
	[dreg:$0x8] =	wrdreg s10  }
0x13: {  	s22 =	simm.s32 $0x80;
	s0 =	sadd.s32 $0x99A00, s0;
	[dreg:$0x9] =	wrdreg s26  }
0x14: {  	s5 =	simm.s32 @!p0 $0x72;
	s30 =	sadd.s32 s7, s1;
	[dreg:$0xb] =	wrdreg s0  }
0x15: {  	s31 =	sadd.s32 s9, s1;
	s19 =	sadd.s32 $0x40, s11;
	[dreg:$0xd] =	wrdreg s30  }
0x16: {  	s20 =	sadd.s32 $0x40, s23;
	s10 =	sadd.s32 s9, s25;
	[dreg:$0xe] =	wrdreg s31  }
0x17: {  	s26 =	simm.s32 $0x1;
	s25 =	simm.s32 $0x0;
	[dreg:$0xa] =	wrdreg s10  }
.LBB2_1:
0x18: {  	s0 =	rddreg [dreg:$0x3]  }
0x19: {  	s7 =	rddreg [dreg:$0x4];
	s30 =	sshrl.u32 s0, $0x3  }
0x1a: {  	[spmem:s30], [sflag:s8] =	dma.local [hbm:s7], $0x2780  }
0x1b: {  	_ =	swait.ge [sflag:s21], $0x2780  }
0x1c: {  	[sflag:s21] =	ssyncset.done $0x0  }
0x1d: {  	s9 =	rddreg [dreg:$0x5];
	[sflag:s21] =	ssyncadd.s32 $0xFFFFD880  }
0x1e: {  	[tilespmem:s3], [sflag:$0x1] =	stream.linear.gather [hbm4b:s9+s3], $0x80, $0x38;
	[tilespmem:$0x1C000] =	vst v63  }
0x1f: {  	s0 =	simm.s32 $0x200;
	s1 =	rddreg [dreg:$0x6]  }
0x20: {  	[tilespmem:s0], [sflag:$0x1] =	stream.linear.gather [hbm4b:s1+s3], $0x80, $0x38;
	[tilespmem:$0x1C000] =	vst v63  }
0x21: {  	s10 =	rddreg [dreg:$0x7]  }
0x22: {  	[tilespmem:s22], [sflag:$0x2] =	stream.linear.gather [hbm4b:s10+s3], $0x80, $0x38;
	[tilespmem:$0x1C000] =	vst v63  }
0x23: {  	s6 =	simm.s32 $0x280;
	s11 =	rddreg [dreg:$0x8]  }
0x24: {  	[tilespmem:s6], [sflag:$0x2] =	stream.linear.gather [hbm4b:s11+s3], $0x80, $0x38;
	[tilespmem:$0x1C000] =	vst v63  }
0x25: {  	s13 =	simm.s32 $0x100;
	s12 =	rddreg [dreg:$0x9]  }
0x26: {  	[tilespmem:s13], [sflag:$0x3] =	stream.linear.gather [hbm4b:s12+s3], $0x80, $0x38;
	[tilespmem:$0x1C000] =	vst v63  }
0x27: {  	s15 =	simm.s32 $0x300;
	s14 =	rddreg [dreg:$0xa]  }
0x28: {  	[tilespmem:s15], [sflag:$0x3] =	stream.linear.gather [hbm4b:s14+s3], $0x80, $0x38;
	[tilespmem:$0x1C000] =	vst v63  }
0x29: {  	[bflag:$0x0] =	sbarrier.arrive $0xFFFF  }
0x2a: {  	_ =	swait.ge [sflag:s26], $0x80  }
0x2b: {  	[sflag:s26] =	ssyncset.done $0x0  }
0x2c: {  	[sflag:s26] =	ssyncadd.s32 $0xFFFFFF80  }
0x2d: {  	_ =	swait.ge [sflag:s26], $0x80  }
0x2e: {  	[sflag:s26] =	ssyncset.done $0x0  }
0x2f: {  	s16 =	simm.s32 $0x400;
	[sflag:s26] =	ssyncadd.s32 $0xFFFFFF80  }
0x30: {  	[tilespmem:s16], [sflag:$0x5] =	stream.indirect.gather [hbm4b:s4+s22], $0x80, s3, s22, $0xb8;
	[tilespmem:$0x1C000] =	vst v63  }
0x31: {  	_ =	swait.ge [sflag:s29], $0x80  }
0x32: {  	[sflag:s29] =	ssyncset.done $0x0  }
0x33: {  	[sflag:s29] =	ssyncadd.s32 $0xFFFFFF80  }
0x34: {  	_ =	swait.ge [sflag:s29], $0x80  }
0x35: {  	[sflag:s29] =	ssyncset.done $0x0  }
0x36: {  	s17 =	simm.s32 $0x4400;
	[sflag:s29] =	ssyncadd.s32 $0xFFFFFF80  }
0x37: {  	[tilespmem:s17], [sflag:$0x6] =	stream.indirect.gather [hbm4b:s4+s22], $0x80, s22, s22, $0xb8;
	[tilespmem:$0x1C000] =	vst v63  }
0x38: {  	s7 =	simm.s32 $0x180;
	s18 =	rddreg [dreg:$0xd]  }
0x39: {  	[tilespmem:s7], [sflag:$0x4] =	stream.linear.gather [hbm4b:s18+s3], $0x80, $0x38;
	[tilespmem:$0x1C000] =	vst v63  }
0x3a: {  	s24 =	simm.s32 $0x380;
	s28 =	simm.s32 $0x5;
	s23 =	rddreg [dreg:$0xe]  }
0x3b: {  	[tilespmem:s24], [sflag:$0x4] =	stream.linear.gather [hbm4b:s23+s3], $0x80, $0x38;
	[tilespmem:$0x1C000] =	vst v63  }
0x3c: {  	p0 =	sle.u32 s5, $0x2;
	s6 =	simm.s32 $0x2;
	_ =	swait.ge [sflag:s28], $0x4000  }
0x3d: {  	s6 =	sand.u32 @!p0 $0x3, s6;
	[sflag:s28] =	ssyncset.done $0x0  }
0x3e: {  	s7 =	sadd.s32 @!p0 $0x1, s6;
	[sflag:s28] =	ssyncadd.s32 $0xFFFFC000  }
0x3f: {  	[spmem:s2] =	stream.indirect.scatter.add.f32 [tilespmem:s16], [sflag:$0x7], $0x80, s0, s22, $0xb8;
	[tilespmem:$0x1C000] =	vst v63  }
0x40: {  	_ =	swait.ge @!p0 [sflag:s7], $0x80  }
0x41: {  	s31 =	simm.s32 $0x5;
	s10 =	simm.s32 $0x1;
	[sflag:s7] =	ssyncset.done @!p0 $0x0  }
0x42: {  	p1 =	sle.u32 s5, $0x1;
	s10 =	sand.u32 $0x1, s10;
	[sflag:s7] =	ssyncadd.s32 @!p0 $0xFFFFFF80  }
0x43: {  	s9 =	simm.s32 $0x4;
	s12 =	sxor.u32 @!p0 $0x1, s10;
	_ =	swait.ge @!p0 [sflag:s7], $0x80  }
0x44: {  	s11 =	simm.s32 $0x3;
	s13 =	sshll.u32 @!p0 s12, $0xE;
	[sflag:s7] =	ssyncset.done @!p0 $0x0  }
0x45: {  	s13 =	sor.u32 @!p0 $0x400, s13;
	[sflag:s7] =	ssyncadd.s32 @!p0 $0xFFFFFF80;
	s7 =	sadd.s32 @!p0 $0x7, s12  }
0x46: {  	s14 =	sadd.s32 @!p1 $0x7, s10;
	s0 =	sand.u32 @!p1 $0x600, s0;
	_ =	swait.ge @!p0 [sflag:s7], $0x4000  }
0x47: {  	s6 =	sshll.u32 @!p0 s6, $0x7;
	s0 =	sshrl.u32 @!p1 s0, $0x2;
	[sflag:s7] =	ssyncset.done @!p0 $0x0  }
0x48: {  	s12 =	sadd.s32 @!p0 $0x5, s12;
	[sflag:s7] =	ssyncadd.s32 @!p0 $0xFFFFC000;
	s7 =	simm.s32 @!p0 $0x80  }
0x49: {  	[tilespmem:s13], [sflag:s12] =	stream.indirect.gather @!p0 [hbm4b:s4+s7], $0x80, s6, s7, $0xb8;
	[tilespmem:$0x1C000] =	vst v63  }
0x4a: {  	s16 =	sshll.u32 @!p1 s10, $0xE;
	s13 =	sor.u32 @!p1 $0x200, s0;
	s12 =	simm.s32 $0x6  }
0x4b: {  	p1 =	por p1, p1;
	p0 =	sle.u32 s5, $0x4;
	s0 =	sand.u32 $0x3, s9  }
0x4c: {  	s6 =	sadd.s32 @!p0 $0x1, s0;
	s0 =	sshll.u32 @!p0 s0, $0x7;
	s7 =	simm.s32 @!p0 $0x0  }
0x4d: {  	[tilespmem:s0], [sflag:s6] =	stream.linear.gather @!p0 [hbm4b:s19+s7], $0x80, $0x38;
	[tilespmem:$0x1C000] =	vst v63  }
0x4e: {  	s10 =	sadd.s32 @!p1 $0x5, s10;
	s15 =	simm.s32 @!p1 $0x80;
	s9 =	sor.u32 @!p0 $0x200, s0  }
0x4f: {  	[tilespmem:s9], [sflag:s6] =	stream.linear.gather @!p0 [hbm4b:s20+s7], $0x80, $0x38;
	[tilespmem:$0x1C000] =	vst v63  }
0x50: {  	s0 =	sadd.s32 $0x10, s20;
	s6 =	simm.s32 $0x400;
	_ =	swait.ge @!p1 [sflag:s10], $0x4000  }
0x51: {  	s7 =	sadd.s32 $0x10, s19;
	p0 =	sle.u32 s5, $0x3;
	[sflag:s10] =	ssyncset.done @!p1 $0x0  }
0x52: {  	s9 =	simm.s32 $0x2;
	[sflag:s10] =	ssyncadd.s32 @!p1 $0xFFFFC000;
	s10 =	sor.u32 @!p1 $0x400, s16  }
.LBB2_2:
0x53: {  	s16 =	sadd.s32 $0xFFFFFFFE, s12;
	s17 =	sand.u32 $0x1, s9;
	p3 =	sge.u32 s9, s5  }
0x54: {  	s9 =	smov.u32 s31;
	s31 =	smov.u32 s12;
	s18 =	smov.u32 s0  }
0x55: {  	[spmem:s2] =	stream.indirect.scatter.add.f32 @!p1 [tilespmem:s10], [sflag:s14], $0x80, s13, s15, $0xb8;
	[tilespmem:$0x1C000] =	vst v63  }
0x56: {  	s11 =	sand.u32 @!p0 $0x3, s11;
	s10 =	sxor.u32 @!p0 $0x1, s17;
	s13 =	sand.u32 @!p3 $0x600, s6  }
0x57: {  	s15 =	sadd.s32 @!p0 $0x1, s11;
	s28 =	sshll.u32 @!p0 s11, $0x7;
	s11 =	sshll.u32 @!p0 s10, $0xE  }
0x58: {  	s23 =	sadd.s32 @!p0 $0x5, s10;
	s1 =	sor.u32 @!p0 $0x400, s11;
	_ =	swait.ge @!p0 [sflag:s15], $0x80  }
0x59: {  	s24 =	sshll.u32 @!p3 s17, $0xE;
	s11 =	sshrl.u32 @!p3 s13, $0x2;
	[sflag:s15] =	ssyncset.done @!p0 $0x0  }
0x5a: {  	s14 =	sadd.s32 @!p3 $0x7, s17;
	s13 =	sor.u32 @!p3 $0x200, s11;
	[sflag:s15] =	ssyncadd.s32 @!p0 $0xFFFFFF80  }
0x5b: {  	s12 =	sadd.s32 $0x1, s12;
	s11 =	smov.u32 s16;
	_ =	swait.ge @!p0 [sflag:s15], $0x80  }
0x5c: {  	p2 =	sne.s32 s12, $0x75;
	p1 =	por p3, p3;
	[sflag:s15] =	ssyncset.done @!p0 $0x0  }
0x5d: {  	s10 =	sadd.s32 @!p0 $0x7, s10;
	[sflag:s15] =	ssyncadd.s32 @!p0 $0xFFFFFF80  }
0x5e: {  	_ =	swait.ge @!p0 [sflag:s10], $0x4000  }
0x5f: {  	s0 =	sadd.s32 $0x10, s0;
	p3 =	sge.u32 s9, s5;
	[sflag:s10] =	ssyncset.done @!p0 $0x0  }
0x60: {  	s9 =	sand.u32 $0x3, s9;
	[sflag:s10] =	ssyncadd.s32 @!p0 $0xFFFFC000;
	s10 =	simm.s32 @!p0 $0x80  }
0x61: {  	[tilespmem:s1], [sflag:s23] =	stream.indirect.gather @!p0 [hbm4b:s4+s10], $0x80, s28, s10, $0xb8;
	[tilespmem:$0x1C000] =	vst v63  }
0x62: {  	s1 =	sadd.s32 @!p3 $0x1, s9;
	s9 =	sshll.u32 @!p3 s9, $0x7;
	s10 =	simm.s32 @!p3 $0x0  }
0x63: {  	[tilespmem:s9], [sflag:s1] =	stream.linear.gather @!p3 [hbm4b:s7+s10], $0x80, $0x38;
	[tilespmem:$0x1C000] =	vst v63  }
.Ltmp0:
0x64: {  	s16 =	sadd.s32 @!p1 $0x5, s17;
	s9 =	sor.u32 @!p3 $0x200, s9;
	(pc) =	sbr.rel @p2 .LBB2_2-.Ltmp0, $4  }
0x65: {  	[tilespmem:s9], [sflag:s1] =	stream.linear.gather @!p3 [hbm4b:s18+s10], $0x80, $0x38;
	[tilespmem:$0x1C000] =	vst v63  }
0x66: {  	s6 =	sadd.s32 $0x200, s6;
	s7 =	sadd.s32 $0x10, s7;
	_ =	swait.ge @!p1 [sflag:s16], $0x4000  }
0x67: {  	s15 =	simm.s32 @!p1 $0x80;
	p0 =	sge.u32 s11, s5;
	[sflag:s16] =	ssyncset.done @!p1 $0x0  }
0x68: {  	s9 =	sadd.s32 $0xFFFFFFFD, s31;
	s10 =	sor.u32 @!p1 $0x400, s24;
	[sflag:s16] =	ssyncadd.s32 @!p1 $0xFFFFC000  }
0x69: {  	[spmem:s2] =	stream.indirect.scatter.add.f32 @!p1 [tilespmem:s10], [sflag:s14], $0x80, s13, s15, $0xb8;
	[tilespmem:$0x1C000] =	vst v63  }
0x6a: {  	s1 =	sand.u32 @!p0 $0x3, s11  }
0x6b: {  	s10 =	sadd.s32 @!p0 $0x1, s1  }
0x6c: {  	_ =	swait.ge @!p0 [sflag:s10], $0x80  }
0x6d: {  	[sflag:s10] =	ssyncset.done @!p0 $0x0  }
0x6e: {  	[sflag:s10] =	ssyncadd.s32 @!p0 $0xFFFFFF80  }
0x6f: {  	s11 =	sand.u32 $0x1, s9;
	_ =	swait.ge @!p0 [sflag:s10], $0x80  }
0x70: {  	s12 =	sxor.u32 @!p0 $0x1, s11;
	[sflag:s10] =	ssyncset.done @!p0 $0x0  }
0x71: {  	p1 =	sge.u32 s9, s5;
	[sflag:s10] =	ssyncadd.s32 @!p0 $0xFFFFFF80;
	s10 =	sadd.s32 @!p0 $0x7, s12  }
0x72: {  	p2 =	sge.u32 s31, s5;
	s9 =	sshll.u32 @!p0 s12, $0xE;
	_ =	swait.ge @!p0 [sflag:s10], $0x4000  }
0x73: {  	s1 =	sshll.u32 @!p0 s1, $0x7;
	s9 =	sor.u32 @!p0 $0x400, s9;
	[sflag:s10] =	ssyncset.done @!p0 $0x0  }
0x74: {  	s12 =	sadd.s32 @!p0 $0x5, s12;
	[sflag:s10] =	ssyncadd.s32 @!p0 $0xFFFFC000;
	s10 =	simm.s32 @!p0 $0x80  }
0x75: {  	[tilespmem:s9], [sflag:s12] =	stream.indirect.gather @!p0 [hbm4b:s4+s10], $0x80, s1, s10, $0xb8;
	[tilespmem:$0x1C000] =	vst v63  }
0x76: {  	s23 =	simm.s32 $0x7;
	p0 =	por p1, p1;
	s1 =	sand.u32 $0x3, s31  }
0x77: {  	s10 =	simm.s32 @!p2 $0x0;
	s9 =	sadd.s32 @!p2 $0x1, s1;
	s1 =	sshll.u32 @!p2 s1, $0x7  }
0x78: {  	[tilespmem:s1], [sflag:s9] =	stream.linear.gather @!p2 [hbm4b:s7+s10], $0x80, $0x38;
	[tilespmem:$0x1C000] =	vst v63  }
0x79: {  	s6 =	sand.u32 @!p1 $0x600, s6;
	s1 =	sor.u32 @!p2 $0x200, s1;
	s7 =	sadd.s32 @!p0 $0x5, s11  }
0x7a: {  	[tilespmem:s1], [sflag:s9] =	stream.linear.gather @!p2 [hbm4b:s0+s10], $0x80, $0x38;
	[tilespmem:$0x1C000] =	vst v63  }
0x7b: {  	s0 =	sshll.u32 @!p1 s11, $0xE;
	s1 =	sshrl.u32 @!p1 s6, $0x2;
	_ =	swait.ge @!p0 [sflag:s7], $0x4000  }
0x7c: {  	s6 =	sadd.s32 @!p1 $0x7, s11;
	s9 =	simm.s32 @!p0 $0x80;
	[sflag:s7] =	ssyncset.done @!p0 $0x0  }
0x7d: {  	s1 =	sor.u32 @!p1 $0x200, s1;
	s0 =	sor.u32 @!p0 $0x400, s0;
	[sflag:s7] =	ssyncadd.s32 @!p0 $0xFFFFC000  }
0x7e: {  	[spmem:s2] =	stream.indirect.scatter.add.f32 @!p0 [tilespmem:s0], [sflag:s6], $0x80, s1, s9, $0xb8;
	[tilespmem:$0x1C000] =	vst v63  }
0x7f: {  	_ =	swait.ge [sflag:s23], $0x4000  }
0x80: {  	[sflag:s23] =	ssyncset.done $0x0  }
0x81: {  	s24 =	simm.s32 $0x8;
	[sflag:s23] =	ssyncadd.s32 $0xFFFFC000  }
0x82: {  	_ =	swait.ge [sflag:s24], $0x4000  }
0x83: {  	[sflag:s24] =	ssyncset.done $0x0  }
0x84: {  	[sflag:s24] =	ssyncadd.s32 $0xFFFFC000  }
0x85: {  	[bflag:$0x0] =	sbarrier.arrive $0xFFFF  }
0x86: {  	s28 =	rddreg [dreg:$0xb]  }
0x87: {  	[hbm:s28], [sflag:s8] =	dma.local [spmem:s30], $0x2780  }
0x88: {  	_ =	swait.ge [sflag:s21], $0x2780  }
0x89: {  	s25 =	sadd.s32 $0x1, s25;
	s31 =	rddreg [dreg:$0xc]  }
0x8a: {  	p0 =	sne.s32 s25, s31  }
.Ltmp1:
0x8b: {  	_ = 	snop;
	(pc) =	sbr.rel @p0 .LBB2_1-.Ltmp1, $3  }
0x8c: {  	_ =	sdelay $0x1  }
0x8d: {  	[sflag:s21] =	ssyncset.done $0x0  }
0x8e: {  	[sflag:s21] =	ssyncadd.s32 $0xFFFFD880  }
0x8f: {  	_ =	sfence.sel $0x180000  }
0x90: {  	[bflag:$0x0] =	sbarrier.arrive $0xFFFF  }
0x91: {  	_ =	strace $0x9000004A  }
0x92: {  	s0 =	stileid.u32;
	[bflag:$0x2] =	sbarrier.arrive $0xFFFF  }
0x93: {  	p0 =	sne.s32 s0, $0x0;
	s0 =	rddreg [dreg:$0x2]  }
0x94: {  	s0 =	sadd.s32 @!p0 $0x100000, s0  }
0x95: {  	[sflag:s0] =	ssyncadd.tile.s32 @!p0 $0x1;
	_ =	shalt  }
.Lfunc_end2:
_tile_overlayer_lowered:
.L_overlay_start_2:
0x96: {  	(tag) =	ssettag $0x2  }
0x97: {  	s0 =	rddreg [dreg:$0x0];
	s2 =	stileid.u32  }
0x98: {  	s1 =	rddreg [dreg:$0x1];
	p0 =	sne.s32 s2, $0x0  }
0x99: {  	s3 =	rddreg [dreg:$0x2];
	[bflag:$0x3] =	sbarrier.arrive $0xFFFF;
	s2 =	simm.s32 @!p0 $0x1C09  }
0x9a: {  	[timem:s3], [sflag:s2] =	dma.local @!p0 [hbm:s0], s1  }
0x9b: {  	s0 =	simm.s32 @!p0 $0x9  }
0x9c: {  	_ =	swait.ge @!p0 [sflag:s0], s1  }
0x9d: {  	s1 =	ssub.s32 @!p0 $0x0, s1;
	[sflag:s0] =	ssyncset.done @!p0 $0x0  }
0x9e: {  	[sflag:s0] =	ssyncadd.s32 @!p0 s1  }
0x9f: {  	[bflag:$0x3] =	sbarrier.arrive $0xFFFF  }
0xa0: {  	_ =	shalt  }

// kernel: kernel.19.cloned.1.call-start
scs
__scs_entry_jumppad:
0x0: {  	(pc) =	sbr.rel $0x88, $3  }
0x1: {  	(tag) =	ssettag $0x0;
	lr =	simm.s32 $0x1  }
0x2: {  	[smem:$0x3F8E] =	sst lr;
	_ =	strace $0xD0000000  }
0x3: {  	_ = 	snop  }
0x4: {  	_ = 	snop  }
0x5: {  	_ = 	snop  }
0x6: {  	_ = 	snop  }
0x7: {  	_ = 	snop  }
__scs_overlays_trampoline_lowered:
0x8: {  	[smem:$0x3F9D] =	sst s0  }
0x9: {  	[smem:$0x3F9E] =	sst s1  }
0xa: {  	[smem:$0x3F9F] =	sst s2  }
0xb: {  	[smem:$0x3FA0] =	sst s3  }
0xc: {  	[smem:$0x3FA1] =	sst s4  }
0xd: {  	[smem:$0x3FA2] =	sst s5  }
0xe: {  	[smem:$0x3FA3] =	sst s6  }
0xf: {  	[smem:$0x3FA4] =	sst s7  }
0x10: {  	[smem:$0x3FA5] =	sst s8  }
0x11: {  	[smem:$0x3FA6] =	sst s9;
	s0 =	simm.s32 @!p0 $0x0  }
0x12: {  	s1 =	sld [smem:$0x3F8C];
	s0 =	simm.s32 @p0 $0x1  }
0x13: {  	[smem:$0x3FA7] =	sst s0;
	s0 =	simm.s32 @!p1 $0x0  }
0x14: {  	s2 =	sld [smem:$0x3F8B];
	s0 =	simm.s32 @p1 $0x1  }
0x15: {  	[smem:$0x3FA8] =	sst s0;
	s0 =	simm.s32 @!p2 $0x0  }
0x16: {  	s3 =	sld [smem:$0x3FDB];
	s0 =	simm.s32 @p2 $0x1  }
0x17: {  	s4 =	simm.s32 $0x1BF5;
	[smem:$0x3FAA] =	sst s0  }
0x18: {  	s0 =	sld [smem:$0x3F8D];
	_ =	swait.ge [sflag:s4], $0x0  }
0x19: {  	s7 =	sld [smem:$0x3F8E]  }
0x1a: {  	s8 =	sadd.s32 $0xFFFFE003, lr  }
0x1b: {  	s9 =	sadd.s32 $0xFFFFFEF7, lr;
	s5 =	simm.s32 $0xFFFFFFFF;
	p2 =	slt.u32 s8, $0xFFFFF086  }
0x1c: {  	p1 =	slt.u32 s9, $0xF7A;
	s5 =	simm.s32 @!p2 $0x0  }
0x1d: {  	s5 =	simm.s32 @p1 $0x1;
	p0 =	seq.s32 s7, s2  }
0x1e: {  	s7 =	smul.u32 @!p0 $0xF7A, s2;
	p2 =	seq.s32 @!p0 s5, $0x0  }
0x1f: {  	s9 =	smul.u32 $0xF7A, s1;
	s8 =	simm.s32 @!p0 $0x1BF5;
	p2 =	por !p2, p0  }
0x20: {  	[sflag:s8] =	ssyncset.s32 @!p0 $0xFFFFF086;
	s6 =	sadd.s32 @!p0 s3, s7;
	s7 =	simm.s32 @!p0 $0x108  }
0x21: {  	s3 =	sadd.s32 s3, s9;
	s6 =	sadd.s32 @!p0 $0x88, s6;
	s7 =	simm.s32 @p2 $0x1082  }
0x22: {  	[simem:s7], [sflag:s8] =	dma.local @!p0 [hbm:s6], $0xF7A  }
0x23: {  	s9 =	sor.u32 $0xD0000000, s2;
	s6 =	simm.s32 $0x108;
	_ =	swait.ge @!p0 [sflag:s8], $0x0  }
0x24: {  	s3 =	sadd.s32 $0x88, s3;
	s6 =	simm.s32 @!p1 $0x1082;
	[sflag:s4] =	ssyncset.s32 $0xFFFFF086  }
0x25: {  	[simem:s6], [sflag:s4] =	dma.local [hbm:s3], $0xF7A  }
0x26: {  	[smem:$0x3F8E] =	sst s1;
	(tag) =	ssettag s2;
	_ =	strace s9  }
0x27: {  	s1 =	sld [smem:$0x3F9E]  }
0x28: {  	s2 =	sld [smem:$0x3F9F]  }
0x29: {  	s4 =	sld [smem:$0x3FA1]  }
0x2a: {  	p0 =	seq.s32 s5, $0x0;
	s5 =	sld [smem:$0x3FA2]  }
0x2b: {  	s6 =	sld [smem:$0x3FA3]  }
0x2c: {  	s7 =	sld [smem:$0x3FA4]  }
0x2d: {  	s3 =	simm.s32 $0x108;
	s8 =	sld [smem:$0x3FA5]  }
0x2e: {  	s3 =	simm.s32 @!p0 $0x1082;
	s9 =	sld [smem:$0x3FA6]  }
0x2f: {  	lr =	sadd.s32 s0, s3;
	s0 =	sld [smem:$0x3F9D]  }
0x30: {  	s3 =	sld [smem:$0x3FA0]  }
0x31: {  	[smem:$0x3FA9] =	sst s10  }
0x32: {  	s10 =	sld [smem:$0x3FA7];
	_ =	sdelay $0x3  }
0x33: {  	p0 =	seq.s32 s10, $0x1;
	s10 =	sld [smem:$0x3FA9];
	_ =	sdelay $0x3  }
0x34: {  	[smem:$0x3FA9] =	sst s10  }
0x35: {  	s10 =	sld [smem:$0x3FA8];
	_ =	sdelay $0x3  }
0x36: {  	p1 =	seq.s32 s10, $0x1;
	s10 =	sld [smem:$0x3FA9];
	_ =	sdelay $0x3  }
0x37: {  	[smem:$0x3FA9] =	sst s10  }
0x38: {  	s10 =	sld [smem:$0x3FAA]  }
0x39: {  	_ = 	snop;
	(pc) =	sbr.ind lr, $3  }
0x3a: {  	_ = 	snop  }
0x3b: {  	_ = 	snop  }
0x3c: {  	p2 =	seq.s32 s10, $0x1;
	s10 =	sld [smem:$0x3FA9]  }
0x3d: {  	_ =	shalt  }
0x3e: {  	_ =	shalt  }
0x3f: {  	_ =	shalt  }
0x40: {  	_ =	shalt  }
0x41: {  	_ =	shalt  }
0x42: {  	_ =	shalt  }
0x43: {  	_ =	shalt  }
0x44: {  	_ =	shalt  }
0x45: {  	_ =	shalt  }
0x46: {  	_ =	shalt  }
0x47: {  	_ =	shalt  }
0x48: {  	_ =	shalt  }
0x49: {  	_ =	shalt  }
0x4a: {  	_ =	shalt  }
0x4b: {  	_ =	shalt  }
0x4c: {  	_ =	shalt  }
0x4d: {  	_ =	shalt  }
0x4e: {  	_ =	shalt  }
0x4f: {  	_ =	shalt  }
0x50: {  	_ =	shalt  }
0x51: {  	_ =	shalt  }
0x52: {  	_ =	shalt  }
0x53: {  	_ =	shalt  }
0x54: {  	_ =	shalt  }
0x55: {  	_ =	shalt  }
0x56: {  	_ =	shalt  }
0x57: {  	_ =	shalt  }
0x58: {  	_ =	shalt  }
0x59: {  	_ =	shalt  }
0x5a: {  	_ =	shalt  }
0x5b: {  	_ =	shalt  }
0x5c: {  	_ =	shalt  }
0x5d: {  	_ =	shalt  }
0x5e: {  	_ =	shalt  }
0x5f: {  	_ =	shalt  }
0x60: {  	_ =	shalt  }
0x61: {  	_ =	shalt  }
0x62: {  	_ =	shalt  }
0x63: {  	_ =	shalt  }
0x64: {  	_ =	shalt  }
0x65: {  	_ =	shalt  }
0x66: {  	_ =	shalt  }
0x67: {  	_ =	shalt  }
0x68: {  	_ =	shalt  }
0x69: {  	_ =	shalt  }
0x6a: {  	_ =	shalt  }
0x6b: {  	_ =	shalt  }
0x6c: {  	_ =	shalt  }
0x6d: {  	_ =	shalt  }
0x6e: {  	_ =	shalt  }
0x6f: {  	_ =	shalt  }
0x70: {  	_ =	shalt  }
0x71: {  	_ =	shalt  }
0x72: {  	_ =	shalt  }
0x73: {  	_ =	shalt  }
0x74: {  	_ =	shalt  }
0x75: {  	_ =	shalt  }
0x76: {  	_ =	shalt  }
0x77: {  	_ =	shalt  }
0x78: {  	_ =	shalt  }
0x79: {  	_ =	shalt  }
0x7a: {  	_ =	shalt  }
0x7b: {  	_ =	shalt  }
0x7c: {  	_ =	shalt  }
0x7d: {  	_ =	shalt  }
0x7e: {  	_ =	shalt  }
0x7f: {  	_ =	shalt  }
0x80: {  	_ =	shalt  }
0x81: {  	_ =	shalt  }
0x82: {  	_ =	shalt  }
0x83: {  	_ =	shalt  }
0x84: {  	_ =	shalt  }
0x85: {  	_ =	shalt  }
0x86: {  	_ =	shalt  }
0x87: {  	_ =	shalt  }
.Lfunc_end0:
.L_simem_size_0:
called_computation.2_lowered:
.L_overlay_start_0:
0x88: {  	s2 =	sld [smem:$0x3FD9]  }
0x89: {  	s3 =	sld [smem:$0x3FFE];
	_ =	sdelay $0x1  }
0x8a: {  	s1 =	srdreg.scid  }
0x8b: {  	s0 =	sand.u32 $0x1, s1  }
0x8c: {  	s16 =	sshll.u32 s0, $0xA;
	s2 =	sadd.s32 s3, s2  }
0x8d: {  	s2 =	sadd.s32 s2, s16  }
0x8e: {  	[smem:$0x3FB5] =	sst s2  }
0x8f: {  	_ = 	snop  }
0x90: {  	(tm) =	ssettm $0x1  }
0x91: {  	s17 =	sld [smem:$0x3FFB];
	_ =	sdelay $0x3  }
0x92: {  	_ =	strace s17  }
0x93: {  	s2 =	sld [smem:$0x3FFC];
	_ =	sdelay $0x3  }
0x94: {  	_ =	strace s2  }
0x95: {  	s2 =	sld [smem:$0x3FFD];
	_ =	sdelay $0x3  }
0x96: {  	_ =	strace s2  }
0x97: {  	_ =	strace $0x8FFFFFFF  }
0x98: {  	s18 =	sld [smem:$0x3FDB];
	_ =	sdelay $0x1  }
0x99: {  	s19 =	simm.s32 $_scs_section_size  }
0x9a: {  	s4 =	simm.s32 $_size__tile_overlayer_lowered;
	s5 =	simm.s32 $_tile_overlayer_lowered  }
0x9b: {  	s22 =	simm.s32 $0x1BFF;
	s21 =	sshll.u32 s5, $0x1;
	s2 =	sadd.s32 s19, s18  }
0x9c: {  	s6 =	simm.s32 $0x0;
	s20 =	sshll.u32 s4, $0x1;
	s4 =	sadd.s32 s21, s2  }
0x9d: {  	[timem:s6], [sflag:s22] =	dma.local [hbm:s4], s20  }
0x9e: {  	_ =	swait.ge [sflag:s22], s20  }
0x9f: {  	s3 =	ssub.s32 $0x0, s20;
	[sflag:s22] =	ssyncset.done $0x0  }
0xa0: {  	[sflag:s22] =	ssyncadd.s32 s3;
	_ =	sdelay $0x1  }
0xa1: {  	s23 =	simm.s32 $0x1B8B  }
0xa2: {  	_ =	swait.ge [sflag:s23], $0x1  }
0xa3: {  	[sflag:s23] =	ssyncset.done $0x0  }
0xa4: {  	s25 =	simm.s32 $0x1B8E;
	s24 =	sld [smem:$0x3FFE];
	[sflag:s23] =	ssyncadd.s32 $0xFFFFFFFF  }
0xa5: {  	s26 =	simm.s32 $execute0_lowered;
	[smem:$0x3FD2] =	sst s25  }
0xa6: {  	s4 =	sshll.u32 s26, $0x1;
	_ =	strace $0x8000004C;
	[dreg:$0x1] =	wrdreg $0xFFFFFFFF  }
0xa7: {  	s28 =	simm.s32 $_size_execute0_lowered;
	s2 =	sadd.s32 s2, s4;
	[dreg:$0x0] =	wrdreg $0x0  }
0xa8: {  	s4 =	sshll.u32 s28, $0x1;
	[dreg:$0x2] =	wrdreg s2  }
0xa9: {  	[dreg:$0x3] =	wrdreg s4  }
0xaa: {  	[dreg:$0x4] =	wrdreg $0xC0  }
0xab: {  	_ =	task [dreg:s6], $0x5FFFF  }
0xac: {  	[dreg:$0x1] =	wrdreg $0xFFFFFFFF  }
0xad: {  	[dreg:$0x0] =	wrdreg $0x60  }
0xae: {  	[dreg:$0x2] =	wrdreg s24  }
0xaf: {  	[dreg:$0x3] =	wrdreg $0x84000  }
0xb0: {  	[dreg:$0x4] =	wrdreg $0x9  }
0xb1: {  	_ =	task.clear_ibuf [dreg:s6], $0x5FFFF;
	_ =	strace $0x9000004C  }
0xb2: {  	s29 =	simm.s32 $0x9;
	_ =	strace $0x8000004E  }
0xb3: {  	_ =	swait.ge [sflag:s29], $0x1  }
0xb4: {  	[sflag:s29] =	ssyncadd.s32 $0xFFFFFFFF  }
0xb5: {  	_ =	strace $0x9000004E  }
0xb6: {  	_ =	sfence  }
0xb7: {  	s30 =	sld [smem:$0x0];
	_ =	sdelay $0x2  }
0xb8: {  	s31 =	sshll.u32 s1, $0xD;
	s1 =	sshrl.u32 s1, $0x2  }
0xb9: {  	s3 =	sand.u32 $0x4000, s31;
	s1 =	sadd.s32 s1, s30  }
0xba: {  	s0 =	sor.u32 s3, s0;
	s1 =	sshll.u32 s1, $0x11  }
0xbb: {  	s0 =	sor.u32 s1, s0  }
0xbc: {  	s0 =	sadd.s32 $0x8F2B, s0  }
0xbd: {  	[sflag:s0] =	ssyncadd.remote.s32 $0x1  }
0xbe: {  	_ =	sfence.sel $0xFFFF  }
0xbf: {  	[dreg:$0x0] =	wrdreg $0xFFFFFFFF;
	(pc) =	sbr.abs _section_cstart, $3  }
0xc0: {  	[dreg:$0x1] =	wrdreg $0xFFFFFFFF  }
0xc1: {  	_ =	task.clear_ibuf [dreg:s6], $0x2FFFF;
	_ =	strace $0x9FFFFFFF  }
0xc2: {  	(tm) =	ssettm $0x7FFFFFFF  }
0xc3: {  	_ =	shalt  }
tec
execute0_lowered:
.L_overlay_start_1:
0x0: {  	(tag) =	ssettag $0x1  }
0x1: {  	s0 =	rddreg [dreg:$0x0]  }
0x2: {  	s2 =	rddreg [dreg:$0x1];
	s3 =	simm.s32 $0x0;
	s12 =	stileid.u32  }
0x3: {  	s1 =	srdreg.scid;
	s29 =	simm.s32 $0x2;
	[smem:$0x7FF] =	sst s3  }
0x4: {  	s5 =	smul.u32 $0x13C00, s12;
	s1 =	sand.u32 $0x1, s1;
	s4 =	sadd.s32 $0x40400, s0  }
0x5: {  	s7 =	sadd.s32 $0x8FC00, s0;
	s9 =	sadd.s32 $0x4E00, s0;
	s11 =	smul.u32 $0x72, s12  }
0x6: {  	s19 =	smul.u32 $0x4F000, s12;
	s21 =	sshll.u32 s12, $0x6;
	_ =	strace $0x8000004D  }
0x7: {  	s6 =	smul.u32 $0x13C000, s1;
	s18 =	ssub.s32 $0x2, s1;
	p0 =	seq.s32 s1, $0x0  }
0x8: {  	s1 =	smul.u32 $0x2C, s12;
	s8 =	sshrl.u32 s5, $0x3;
	s10 =	sshrl.u32 s18, $0x1  }
0x9: {  	s11 =	sadd.s32 $0x2C0, s11;
	s8 =	sadd.s32 s8, s0;
	s5 =	sadd.s32 s5, s6  }
0xa: {  	s6 =	ssub.s32 s18, s10;
	s10 =	sshrl.u32 s19, $0x2;
	s11 =	smov.u32 @p0 s1  }
0xb: {  	s5 =	sshrl.u32 s5, $0x3;
	s20 =	sadd.s32 s10, s2;
	s8 =	sadd.s32 $0x18C00, s8  }
0xc: {  	s22 =	sshll.u32 s11, $0x4;
	s28 =	smax.u32 s6, $0x1;
	[dreg:$0x3] =	wrdreg s20  }
0xd: {  	s0 =	sadd.s32 s5, s0;
	s5 =	simm.s32 $0x2C;
	[dreg:$0x4] =	wrdreg s8  }
0xe: {  	s8 =	sor.u32 $0x1C09, s21;
	s11 =	sadd.s32 s7, s22;
	[dreg:$0xc] =	wrdreg s28  }
0xf: {  	s23 =	sadd.s32 s9, s22;
	s24 =	sor.u32 $0x10, s22;
	[dreg:$0x5] =	wrdreg s11  }
0x10: {  	s25 =	sadd.s32 $0x20, s22;
	s13 =	sadd.s32 s7, s24;
	[dreg:$0x6] =	wrdreg s23  }
0x11: {  	s1 =	sadd.s32 $0x30, s22;
	s10 =	sadd.s32 s9, s24;
	[dreg:$0x7] =	wrdreg s13  }
0x12: {  	s21 =	simm.s32 $0x9;
	s26 =	sadd.s32 s7, s25;
	[dreg:$0x8] =	wrdreg s10  }
0x13: {  	s22 =	simm.s32 $0x80;
	s0 =	sadd.s32 $0x99A00, s0;
	[dreg:$0x9] =	wrdreg s26  }
0x14: {  	s5 =	simm.s32 @!p0 $0x72;
	s30 =	sadd.s32 s7, s1;
	[dreg:$0xb] =	wrdreg s0  }
0x15: {  	s31 =	sadd.s32 s9, s1;
	s19 =	sadd.s32 $0x40, s11;
	[dreg:$0xd] =	wrdreg s30  }
0x16: {  	s20 =	sadd.s32 $0x40, s23;
	s10 =	sadd.s32 s9, s25;
	[dreg:$0xe] =	wrdreg s31  }
0x17: {  	s26 =	simm.s32 $0x1;
	s25 =	simm.s32 $0x0;
	[dreg:$0xa] =	wrdreg s10  }
.LBB2_1:
0x18: {  	s0 =	rddreg [dreg:$0x3]  }
0x19: {  	s7 =	rddreg [dreg:$0x4];
	s30 =	sshrl.u32 s0, $0x3  }
0x1a: {  	[spmem:s30], [sflag:s8] =	dma.local [hbm:s7], $0x2780  }
0x1b: {  	_ =	swait.ge [sflag:s21], $0x2780  }
0x1c: {  	[sflag:s21] =	ssyncset.done $0x0  }
0x1d: {  	s9 =	rddreg [dreg:$0x5];
	[sflag:s21] =	ssyncadd.s32 $0xFFFFD880  }
0x1e: {  	[tilespmem:s3], [sflag:$0x1] =	stream.linear.gather [hbm4b:s9+s3], $0x80, $0x38;
	[tilespmem:$0x1C000] =	vst v63  }
0x1f: {  	s0 =	simm.s32 $0x200;
	s1 =	rddreg [dreg:$0x6]  }
0x20: {  	[tilespmem:s0], [sflag:$0x1] =	stream.linear.gather [hbm4b:s1+s3], $0x80, $0x38;
	[tilespmem:$0x1C000] =	vst v63  }
0x21: {  	s10 =	rddreg [dreg:$0x7]  }
0x22: {  	[tilespmem:s22], [sflag:$0x2] =	stream.linear.gather [hbm4b:s10+s3], $0x80, $0x38;
	[tilespmem:$0x1C000] =	vst v63  }
0x23: {  	s6 =	simm.s32 $0x280;
	s11 =	rddreg [dreg:$0x8]  }
0x24: {  	[tilespmem:s6], [sflag:$0x2] =	stream.linear.gather [hbm4b:s11+s3], $0x80, $0x38;
	[tilespmem:$0x1C000] =	vst v63  }
0x25: {  	s13 =	simm.s32 $0x100;
	s12 =	rddreg [dreg:$0x9]  }
0x26: {  	[tilespmem:s13], [sflag:$0x3] =	stream.linear.gather [hbm4b:s12+s3], $0x80, $0x38;
	[tilespmem:$0x1C000] =	vst v63  }
0x27: {  	s15 =	simm.s32 $0x300;
	s14 =	rddreg [dreg:$0xa]  }
0x28: {  	[tilespmem:s15], [sflag:$0x3] =	stream.linear.gather [hbm4b:s14+s3], $0x80, $0x38;
	[tilespmem:$0x1C000] =	vst v63  }
0x29: {  	[bflag:$0x0] =	sbarrier.arrive $0xFFFF  }
0x2a: {  	_ =	swait.ge [sflag:s26], $0x80  }
0x2b: {  	[sflag:s26] =	ssyncset.done $0x0  }
0x2c: {  	[sflag:s26] =	ssyncadd.s32 $0xFFFFFF80  }
0x2d: {  	_ =	swait.ge [sflag:s26], $0x80  }
0x2e: {  	[sflag:s26] =	ssyncset.done $0x0  }
0x2f: {  	s16 =	simm.s32 $0x400;
	[sflag:s26] =	ssyncadd.s32 $0xFFFFFF80  }
0x30: {  	[tilespmem:s16], [sflag:$0x5] =	stream.indirect.gather [hbm4b:s4+s22], $0x80, s3, s22, $0xb8;
	[tilespmem:$0x1C000] =	vst v63  }
0x31: {  	_ =	swait.ge [sflag:s29], $0x80  }
0x32: {  	[sflag:s29] =	ssyncset.done $0x0  }
0x33: {  	[sflag:s29] =	ssyncadd.s32 $0xFFFFFF80  }
0x34: {  	_ =	swait.ge [sflag:s29], $0x80  }
0x35: {  	[sflag:s29] =	ssyncset.done $0x0  }
0x36: {  	s17 =	simm.s32 $0x4400;
	[sflag:s29] =	ssyncadd.s32 $0xFFFFFF80  }
0x37: {  	[tilespmem:s17], [sflag:$0x6] =	stream.indirect.gather [hbm4b:s4+s22], $0x80, s22, s22, $0xb8;
	[tilespmem:$0x1C000] =	vst v63  }
0x38: {  	s7 =	simm.s32 $0x180;
	s18 =	rddreg [dreg:$0xd]  }
0x39: {  	[tilespmem:s7], [sflag:$0x4] =	stream.linear.gather [hbm4b:s18+s3], $0x80, $0x38;
	[tilespmem:$0x1C000] =	vst v63  }
0x3a: {  	s24 =	simm.s32 $0x380;
	s28 =	simm.s32 $0x5;
	s23 =	rddreg [dreg:$0xe]  }
0x3b: {  	[tilespmem:s24], [sflag:$0x4] =	stream.linear.gather [hbm4b:s23+s3], $0x80, $0x38;
	[tilespmem:$0x1C000] =	vst v63  }
0x3c: {  	p0 =	sle.u32 s5, $0x2;
	s6 =	simm.s32 $0x2;
	_ =	swait.ge [sflag:s28], $0x4000  }
0x3d: {  	s6 =	sand.u32 @!p0 $0x3, s6;
	[sflag:s28] =	ssyncset.done $0x0  }
0x3e: {  	s7 =	sadd.s32 @!p0 $0x1, s6;
	[sflag:s28] =	ssyncadd.s32 $0xFFFFC000  }
0x3f: {  	[spmem:s2] =	stream.indirect.scatter.add.f32 [tilespmem:s16], [sflag:$0x7], $0x80, s0, s22, $0xb8;
	[tilespmem:$0x1C000] =	vst v63  }
0x40: {  	_ =	swait.ge @!p0 [sflag:s7], $0x80  }
0x41: {  	s31 =	simm.s32 $0x5;
	s10 =	simm.s32 $0x1;
	[sflag:s7] =	ssyncset.done @!p0 $0x0  }
0x42: {  	p1 =	sle.u32 s5, $0x1;
	s10 =	sand.u32 $0x1, s10;
	[sflag:s7] =	ssyncadd.s32 @!p0 $0xFFFFFF80  }
0x43: {  	s9 =	simm.s32 $0x4;
	s12 =	sxor.u32 @!p0 $0x1, s10;
	_ =	swait.ge @!p0 [sflag:s7], $0x80  }
0x44: {  	s11 =	simm.s32 $0x3;
	s13 =	sshll.u32 @!p0 s12, $0xE;
	[sflag:s7] =	ssyncset.done @!p0 $0x0  }
0x45: {  	s13 =	sor.u32 @!p0 $0x400, s13;
	[sflag:s7] =	ssyncadd.s32 @!p0 $0xFFFFFF80;
	s7 =	sadd.s32 @!p0 $0x7, s12  }
0x46: {  	s14 =	sadd.s32 @!p1 $0x7, s10;
	s0 =	sand.u32 @!p1 $0x600, s0;
	_ =	swait.ge @!p0 [sflag:s7], $0x4000  }
0x47: {  	s6 =	sshll.u32 @!p0 s6, $0x7;
	s0 =	sshrl.u32 @!p1 s0, $0x2;
	[sflag:s7] =	ssyncset.done @!p0 $0x0  }
0x48: {  	s12 =	sadd.s32 @!p0 $0x5, s12;
	[sflag:s7] =	ssyncadd.s32 @!p0 $0xFFFFC000;
	s7 =	simm.s32 @!p0 $0x80  }
0x49: {  	[tilespmem:s13], [sflag:s12] =	stream.indirect.gather @!p0 [hbm4b:s4+s7], $0x80, s6, s7, $0xb8;
	[tilespmem:$0x1C000] =	vst v63  }
0x4a: {  	s16 =	sshll.u32 @!p1 s10, $0xE;
	s13 =	sor.u32 @!p1 $0x200, s0;
	s12 =	simm.s32 $0x6  }
0x4b: {  	p1 =	por p1, p1;
	p0 =	sle.u32 s5, $0x4;
	s0 =	sand.u32 $0x3, s9  }
0x4c: {  	s6 =	sadd.s32 @!p0 $0x1, s0;
	s0 =	sshll.u32 @!p0 s0, $0x7;
	s7 =	simm.s32 @!p0 $0x0  }
0x4d: {  	[tilespmem:s0], [sflag:s6] =	stream.linear.gather @!p0 [hbm4b:s19+s7], $0x80, $0x38;
	[tilespmem:$0x1C000] =	vst v63  }
0x4e: {  	s10 =	sadd.s32 @!p1 $0x5, s10;
	s15 =	simm.s32 @!p1 $0x80;
	s9 =	sor.u32 @!p0 $0x200, s0  }
0x4f: {  	[tilespmem:s9], [sflag:s6] =	stream.linear.gather @!p0 [hbm4b:s20+s7], $0x80, $0x38;
	[tilespmem:$0x1C000] =	vst v63  }
0x50: {  	s0 =	sadd.s32 $0x10, s20;
	s6 =	simm.s32 $0x400;
	_ =	swait.ge @!p1 [sflag:s10], $0x4000  }
0x51: {  	s7 =	sadd.s32 $0x10, s19;
	p0 =	sle.u32 s5, $0x3;
	[sflag:s10] =	ssyncset.done @!p1 $0x0  }
0x52: {  	s9 =	simm.s32 $0x2;
	[sflag:s10] =	ssyncadd.s32 @!p1 $0xFFFFC000;
	s10 =	sor.u32 @!p1 $0x400, s16  }
.LBB2_2:
0x53: {  	s16 =	sadd.s32 $0xFFFFFFFE, s12;
	s17 =	sand.u32 $0x1, s9;
	p3 =	sge.u32 s9, s5  }
0x54: {  	s9 =	smov.u32 s31;
	s31 =	smov.u32 s12;
	s18 =	smov.u32 s0  }
0x55: {  	[spmem:s2] =	stream.indirect.scatter.add.f32 @!p1 [tilespmem:s10], [sflag:s14], $0x80, s13, s15, $0xb8;
	[tilespmem:$0x1C000] =	vst v63  }
0x56: {  	s11 =	sand.u32 @!p0 $0x3, s11;
	s10 =	sxor.u32 @!p0 $0x1, s17;
	s13 =	sand.u32 @!p3 $0x600, s6  }
0x57: {  	s15 =	sadd.s32 @!p0 $0x1, s11;
	s28 =	sshll.u32 @!p0 s11, $0x7;
	s11 =	sshll.u32 @!p0 s10, $0xE  }
0x58: {  	s23 =	sadd.s32 @!p0 $0x5, s10;
	s1 =	sor.u32 @!p0 $0x400, s11;
	_ =	swait.ge @!p0 [sflag:s15], $0x80  }
0x59: {  	s24 =	sshll.u32 @!p3 s17, $0xE;
	s11 =	sshrl.u32 @!p3 s13, $0x2;
	[sflag:s15] =	ssyncset.done @!p0 $0x0  }
0x5a: {  	s14 =	sadd.s32 @!p3 $0x7, s17;
	s13 =	sor.u32 @!p3 $0x200, s11;
	[sflag:s15] =	ssyncadd.s32 @!p0 $0xFFFFFF80  }
0x5b: {  	s12 =	sadd.s32 $0x1, s12;
	s11 =	smov.u32 s16;
	_ =	swait.ge @!p0 [sflag:s15], $0x80  }
0x5c: {  	p2 =	sne.s32 s12, $0x75;
	p1 =	por p3, p3;
	[sflag:s15] =	ssyncset.done @!p0 $0x0  }
0x5d: {  	s10 =	sadd.s32 @!p0 $0x7, s10;
	[sflag:s15] =	ssyncadd.s32 @!p0 $0xFFFFFF80  }
0x5e: {  	_ =	swait.ge @!p0 [sflag:s10], $0x4000  }
0x5f: {  	s0 =	sadd.s32 $0x10, s0;
	p3 =	sge.u32 s9, s5;
	[sflag:s10] =	ssyncset.done @!p0 $0x0  }
0x60: {  	s9 =	sand.u32 $0x3, s9;
	[sflag:s10] =	ssyncadd.s32 @!p0 $0xFFFFC000;
	s10 =	simm.s32 @!p0 $0x80  }
0x61: {  	[tilespmem:s1], [sflag:s23] =	stream.indirect.gather @!p0 [hbm4b:s4+s10], $0x80, s28, s10, $0xb8;
	[tilespmem:$0x1C000] =	vst v63  }
0x62: {  	s1 =	sadd.s32 @!p3 $0x1, s9;
	s9 =	sshll.u32 @!p3 s9, $0x7;
	s10 =	simm.s32 @!p3 $0x0  }
0x63: {  	[tilespmem:s9], [sflag:s1] =	stream.linear.gather @!p3 [hbm4b:s7+s10], $0x80, $0x38;
	[tilespmem:$0x1C000] =	vst v63  }
.Ltmp0:
0x64: {  	s16 =	sadd.s32 @!p1 $0x5, s17;
	s9 =	sor.u32 @!p3 $0x200, s9;
	(pc) =	sbr.rel @p2 .LBB2_2-.Ltmp0, $4  }
0x65: {  	[tilespmem:s9], [sflag:s1] =	stream.linear.gather @!p3 [hbm4b:s18+s10], $0x80, $0x38;
	[tilespmem:$0x1C000] =	vst v63  }
0x66: {  	s6 =	sadd.s32 $0x200, s6;
	s7 =	sadd.s32 $0x10, s7;
	_ =	swait.ge @!p1 [sflag:s16], $0x4000  }
0x67: {  	s15 =	simm.s32 @!p1 $0x80;
	p0 =	sge.u32 s11, s5;
	[sflag:s16] =	ssyncset.done @!p1 $0x0  }
0x68: {  	s9 =	sadd.s32 $0xFFFFFFFD, s31;
	s10 =	sor.u32 @!p1 $0x400, s24;
	[sflag:s16] =	ssyncadd.s32 @!p1 $0xFFFFC000  }
0x69: {  	[spmem:s2] =	stream.indirect.scatter.add.f32 @!p1 [tilespmem:s10], [sflag:s14], $0x80, s13, s15, $0xb8;
	[tilespmem:$0x1C000] =	vst v63  }
0x6a: {  	s1 =	sand.u32 @!p0 $0x3, s11  }
0x6b: {  	s10 =	sadd.s32 @!p0 $0x1, s1  }
0x6c: {  	_ =	swait.ge @!p0 [sflag:s10], $0x80  }
0x6d: {  	[sflag:s10] =	ssyncset.done @!p0 $0x0  }
0x6e: {  	[sflag:s10] =	ssyncadd.s32 @!p0 $0xFFFFFF80  }
0x6f: {  	s11 =	sand.u32 $0x1, s9;
	_ =	swait.ge @!p0 [sflag:s10], $0x80  }
0x70: {  	s12 =	sxor.u32 @!p0 $0x1, s11;
	[sflag:s10] =	ssyncset.done @!p0 $0x0  }
0x71: {  	p1 =	sge.u32 s9, s5;
	[sflag:s10] =	ssyncadd.s32 @!p0 $0xFFFFFF80;
	s10 =	sadd.s32 @!p0 $0x7, s12  }
0x72: {  	p2 =	sge.u32 s31, s5;
	s9 =	sshll.u32 @!p0 s12, $0xE;
	_ =	swait.ge @!p0 [sflag:s10], $0x4000  }
0x73: {  	s1 =	sshll.u32 @!p0 s1, $0x7;
	s9 =	sor.u32 @!p0 $0x400, s9;
	[sflag:s10] =	ssyncset.done @!p0 $0x0  }
0x74: {  	s12 =	sadd.s32 @!p0 $0x5, s12;
	[sflag:s10] =	ssyncadd.s32 @!p0 $0xFFFFC000;
	s10 =	simm.s32 @!p0 $0x80  }
0x75: {  	[tilespmem:s9], [sflag:s12] =	stream.indirect.gather @!p0 [hbm4b:s4+s10], $0x80, s1, s10, $0xb8;
	[tilespmem:$0x1C000] =	vst v63  }
0x76: {  	s23 =	simm.s32 $0x7;
	p0 =	por p1, p1;
	s1 =	sand.u32 $0x3, s31  }
0x77: {  	s10 =	simm.s32 @!p2 $0x0;
	s9 =	sadd.s32 @!p2 $0x1, s1;
	s1 =	sshll.u32 @!p2 s1, $0x7  }
0x78: {  	[tilespmem:s1], [sflag:s9] =	stream.linear.gather @!p2 [hbm4b:s7+s10], $0x80, $0x38;
	[tilespmem:$0x1C000] =	vst v63  }
0x79: {  	s6 =	sand.u32 @!p1 $0x600, s6;
	s1 =	sor.u32 @!p2 $0x200, s1;
	s7 =	sadd.s32 @!p0 $0x5, s11  }
0x7a: {  	[tilespmem:s1], [sflag:s9] =	stream.linear.gather @!p2 [hbm4b:s0+s10], $0x80, $0x38;
	[tilespmem:$0x1C000] =	vst v63  }
0x7b: {  	s0 =	sshll.u32 @!p1 s11, $0xE;
	s1 =	sshrl.u32 @!p1 s6, $0x2;
	_ =	swait.ge @!p0 [sflag:s7], $0x4000  }
0x7c: {  	s6 =	sadd.s32 @!p1 $0x7, s11;
	s9 =	simm.s32 @!p0 $0x80;
	[sflag:s7] =	ssyncset.done @!p0 $0x0  }
0x7d: {  	s1 =	sor.u32 @!p1 $0x200, s1;
	s0 =	sor.u32 @!p0 $0x400, s0;
	[sflag:s7] =	ssyncadd.s32 @!p0 $0xFFFFC000  }
0x7e: {  	[spmem:s2] =	stream.indirect.scatter.add.f32 @!p0 [tilespmem:s0], [sflag:s6], $0x80, s1, s9, $0xb8;
	[tilespmem:$0x1C000] =	vst v63  }
0x7f: {  	_ =	swait.ge [sflag:s23], $0x4000  }
0x80: {  	[sflag:s23] =	ssyncset.done $0x0  }
0x81: {  	s24 =	simm.s32 $0x8;
	[sflag:s23] =	ssyncadd.s32 $0xFFFFC000  }
0x82: {  	_ =	swait.ge [sflag:s24], $0x4000  }
0x83: {  	[sflag:s24] =	ssyncset.done $0x0  }
0x84: {  	[sflag:s24] =	ssyncadd.s32 $0xFFFFC000  }
0x85: {  	[bflag:$0x0] =	sbarrier.arrive $0xFFFF  }
0x86: {  	s28 =	rddreg [dreg:$0xb]  }
0x87: {  	[hbm:s28], [sflag:s8] =	dma.local [spmem:s30], $0x2780  }
0x88: {  	_ =	swait.ge [sflag:s21], $0x2780  }
0x89: {  	s25 =	sadd.s32 $0x1, s25;
	s31 =	rddreg [dreg:$0xc]  }
0x8a: {  	p0 =	sne.s32 s25, s31  }
.Ltmp1:
0x8b: {  	_ = 	snop;
	(pc) =	sbr.rel @p0 .LBB2_1-.Ltmp1, $3  }
0x8c: {  	_ =	sdelay $0x1  }
0x8d: {  	[sflag:s21] =	ssyncset.done $0x0  }
0x8e: {  	[sflag:s21] =	ssyncadd.s32 $0xFFFFD880  }
0x8f: {  	_ =	sfence.sel $0x180000  }
0x90: {  	[bflag:$0x0] =	sbarrier.arrive $0xFFFF  }
0x91: {  	_ =	strace $0x9000004D  }
0x92: {  	s0 =	stileid.u32;
	[bflag:$0x2] =	sbarrier.arrive $0xFFFF  }
0x93: {  	p0 =	sne.s32 s0, $0x0;
	s0 =	rddreg [dreg:$0x2]  }
0x94: {  	s0 =	sadd.s32 @!p0 $0x100000, s0  }
0x95: {  	[sflag:s0] =	ssyncadd.tile.s32 @!p0 $0x1;
	_ =	shalt  }
.Lfunc_end2:
_tile_overlayer_lowered:
.L_overlay_start_2:
0x96: {  	(tag) =	ssettag $0x2  }
0x97: {  	s0 =	rddreg [dreg:$0x0];
	s2 =	stileid.u32  }
0x98: {  	s1 =	rddreg [dreg:$0x1];
	p0 =	sne.s32 s2, $0x0  }
0x99: {  	s3 =	rddreg [dreg:$0x2];
	[bflag:$0x3] =	sbarrier.arrive $0xFFFF;
	s2 =	simm.s32 @!p0 $0x1C09  }
0x9a: {  	[timem:s3], [sflag:s2] =	dma.local @!p0 [hbm:s0], s1  }
0x9b: {  	s0 =	simm.s32 @!p0 $0x9  }
0x9c: {  	_ =	swait.ge @!p0 [sflag:s0], s1  }
0x9d: {  	s1 =	ssub.s32 @!p0 $0x0, s1;
	[sflag:s0] =	ssyncset.done @!p0 $0x0  }
0x9e: {  	[sflag:s0] =	ssyncadd.s32 @!p0 s1  }
0x9f: {  	[bflag:$0x3] =	sbarrier.arrive $0xFFFF  }
0xa0: {  	_ =	shalt  }

// kernel: kernel.22.cloned.1.call-start
scs
__scs_entry_jumppad:
0x0: {  	(pc) =	sbr.rel $0x88, $3  }
0x1: {  	(tag) =	ssettag $0x0;
	lr =	simm.s32 $0x1  }
0x2: {  	[smem:$0x3F8E] =	sst lr;
	_ =	strace $0xD0000000  }
0x3: {  	_ = 	snop  }
0x4: {  	_ = 	snop  }
0x5: {  	_ = 	snop  }
0x6: {  	_ = 	snop  }
0x7: {  	_ = 	snop  }
__scs_overlays_trampoline_lowered:
0x8: {  	[smem:$0x3F9D] =	sst s0  }
0x9: {  	[smem:$0x3F9E] =	sst s1  }
0xa: {  	[smem:$0x3F9F] =	sst s2  }
0xb: {  	[smem:$0x3FA0] =	sst s3  }
0xc: {  	[smem:$0x3FA1] =	sst s4  }
0xd: {  	[smem:$0x3FA2] =	sst s5  }
0xe: {  	[smem:$0x3FA3] =	sst s6  }
0xf: {  	[smem:$0x3FA4] =	sst s7  }
0x10: {  	[smem:$0x3FA5] =	sst s8  }
0x11: {  	[smem:$0x3FA6] =	sst s9;
	s0 =	simm.s32 @!p0 $0x0  }
0x12: {  	s1 =	sld [smem:$0x3F8C];
	s0 =	simm.s32 @p0 $0x1  }
0x13: {  	[smem:$0x3FA7] =	sst s0;
	s0 =	simm.s32 @!p1 $0x0  }
0x14: {  	s2 =	sld [smem:$0x3F8B];
	s0 =	simm.s32 @p1 $0x1  }
0x15: {  	[smem:$0x3FA8] =	sst s0;
	s0 =	simm.s32 @!p2 $0x0  }
0x16: {  	s3 =	sld [smem:$0x3FDB];
	s0 =	simm.s32 @p2 $0x1  }
0x17: {  	s4 =	simm.s32 $0x1BF5;
	[smem:$0x3FAA] =	sst s0  }
0x18: {  	s0 =	sld [smem:$0x3F8D];
	_ =	swait.ge [sflag:s4], $0x0  }
0x19: {  	s7 =	sld [smem:$0x3F8E]  }
0x1a: {  	s8 =	sadd.s32 $0xFFFFE003, lr  }
0x1b: {  	s9 =	sadd.s32 $0xFFFFFEF7, lr;
	s5 =	simm.s32 $0xFFFFFFFF;
	p2 =	slt.u32 s8, $0xFFFFF086  }
0x1c: {  	p1 =	slt.u32 s9, $0xF7A;
	s5 =	simm.s32 @!p2 $0x0  }
0x1d: {  	s5 =	simm.s32 @p1 $0x1;
	p0 =	seq.s32 s7, s2  }
0x1e: {  	s7 =	smul.u32 @!p0 $0xF7A, s2;
	p2 =	seq.s32 @!p0 s5, $0x0  }
0x1f: {  	s9 =	smul.u32 $0xF7A, s1;
	s8 =	simm.s32 @!p0 $0x1BF5;
	p2 =	por !p2, p0  }
0x20: {  	[sflag:s8] =	ssyncset.s32 @!p0 $0xFFFFF086;
	s6 =	sadd.s32 @!p0 s3, s7;
	s7 =	simm.s32 @!p0 $0x108  }
0x21: {  	s3 =	sadd.s32 s3, s9;
	s6 =	sadd.s32 @!p0 $0x88, s6;
	s7 =	simm.s32 @p2 $0x1082  }
0x22: {  	[simem:s7], [sflag:s8] =	dma.local @!p0 [hbm:s6], $0xF7A  }
0x23: {  	s9 =	sor.u32 $0xD0000000, s2;
	s6 =	simm.s32 $0x108;
	_ =	swait.ge @!p0 [sflag:s8], $0x0  }
0x24: {  	s3 =	sadd.s32 $0x88, s3;
	s6 =	simm.s32 @!p1 $0x1082;
	[sflag:s4] =	ssyncset.s32 $0xFFFFF086  }
0x25: {  	[simem:s6], [sflag:s4] =	dma.local [hbm:s3], $0xF7A  }
0x26: {  	[smem:$0x3F8E] =	sst s1;
	(tag) =	ssettag s2;
	_ =	strace s9  }
0x27: {  	s1 =	sld [smem:$0x3F9E]  }
0x28: {  	s2 =	sld [smem:$0x3F9F]  }
0x29: {  	s4 =	sld [smem:$0x3FA1]  }
0x2a: {  	p0 =	seq.s32 s5, $0x0;
	s5 =	sld [smem:$0x3FA2]  }
0x2b: {  	s6 =	sld [smem:$0x3FA3]  }
0x2c: {  	s7 =	sld [smem:$0x3FA4]  }
0x2d: {  	s3 =	simm.s32 $0x108;
	s8 =	sld [smem:$0x3FA5]  }
0x2e: {  	s3 =	simm.s32 @!p0 $0x1082;
	s9 =	sld [smem:$0x3FA6]  }
0x2f: {  	lr =	sadd.s32 s0, s3;
	s0 =	sld [smem:$0x3F9D]  }
0x30: {  	s3 =	sld [smem:$0x3FA0]  }
0x31: {  	[smem:$0x3FA9] =	sst s10  }
0x32: {  	s10 =	sld [smem:$0x3FA7];
	_ =	sdelay $0x3  }
0x33: {  	p0 =	seq.s32 s10, $0x1;
	s10 =	sld [smem:$0x3FA9];
	_ =	sdelay $0x3  }
0x34: {  	[smem:$0x3FA9] =	sst s10  }
0x35: {  	s10 =	sld [smem:$0x3FA8];
	_ =	sdelay $0x3  }
0x36: {  	p1 =	seq.s32 s10, $0x1;
	s10 =	sld [smem:$0x3FA9];
	_ =	sdelay $0x3  }
0x37: {  	[smem:$0x3FA9] =	sst s10  }
0x38: {  	s10 =	sld [smem:$0x3FAA]  }
0x39: {  	_ = 	snop;
	(pc) =	sbr.ind lr, $3  }
0x3a: {  	_ = 	snop  }
0x3b: {  	_ = 	snop  }
0x3c: {  	p2 =	seq.s32 s10, $0x1;
	s10 =	sld [smem:$0x3FA9]  }
0x3d: {  	_ =	shalt  }
0x3e: {  	_ =	shalt  }
0x3f: {  	_ =	shalt  }
0x40: {  	_ =	shalt  }
0x41: {  	_ =	shalt  }
0x42: {  	_ =	shalt  }
0x43: {  	_ =	shalt  }
0x44: {  	_ =	shalt  }
0x45: {  	_ =	shalt  }
0x46: {  	_ =	shalt  }
0x47: {  	_ =	shalt  }
0x48: {  	_ =	shalt  }
0x49: {  	_ =	shalt  }
0x4a: {  	_ =	shalt  }
0x4b: {  	_ =	shalt  }
0x4c: {  	_ =	shalt  }
0x4d: {  	_ =	shalt  }
0x4e: {  	_ =	shalt  }
0x4f: {  	_ =	shalt  }
0x50: {  	_ =	shalt  }
0x51: {  	_ =	shalt  }
0x52: {  	_ =	shalt  }
0x53: {  	_ =	shalt  }
0x54: {  	_ =	shalt  }
0x55: {  	_ =	shalt  }
0x56: {  	_ =	shalt  }
0x57: {  	_ =	shalt  }
0x58: {  	_ =	shalt  }
0x59: {  	_ =	shalt  }
0x5a: {  	_ =	shalt  }
0x5b: {  	_ =	shalt  }
0x5c: {  	_ =	shalt  }
0x5d: {  	_ =	shalt  }
0x5e: {  	_ =	shalt  }
0x5f: {  	_ =	shalt  }
0x60: {  	_ =	shalt  }
0x61: {  	_ =	shalt  }
0x62: {  	_ =	shalt  }
0x63: {  	_ =	shalt  }
0x64: {  	_ =	shalt  }
0x65: {  	_ =	shalt  }
0x66: {  	_ =	shalt  }
0x67: {  	_ =	shalt  }
0x68: {  	_ =	shalt  }
0x69: {  	_ =	shalt  }
0x6a: {  	_ =	shalt  }
0x6b: {  	_ =	shalt  }
0x6c: {  	_ =	shalt  }
0x6d: {  	_ =	shalt  }
0x6e: {  	_ =	shalt  }
0x6f: {  	_ =	shalt  }
0x70: {  	_ =	shalt  }
0x71: {  	_ =	shalt  }
0x72: {  	_ =	shalt  }
0x73: {  	_ =	shalt  }
0x74: {  	_ =	shalt  }
0x75: {  	_ =	shalt  }
0x76: {  	_ =	shalt  }
0x77: {  	_ =	shalt  }
0x78: {  	_ =	shalt  }
0x79: {  	_ =	shalt  }
0x7a: {  	_ =	shalt  }
0x7b: {  	_ =	shalt  }
0x7c: {  	_ =	shalt  }
0x7d: {  	_ =	shalt  }
0x7e: {  	_ =	shalt  }
0x7f: {  	_ =	shalt  }
0x80: {  	_ =	shalt  }
0x81: {  	_ =	shalt  }
0x82: {  	_ =	shalt  }
0x83: {  	_ =	shalt  }
0x84: {  	_ =	shalt  }
0x85: {  	_ =	shalt  }
0x86: {  	_ =	shalt  }
0x87: {  	_ =	shalt  }
.Lfunc_end0:
.L_simem_size_0:
called_computation.3_lowered:
.L_overlay_start_0:
0x88: {  	s2 =	sld [smem:$0x3FD9]  }
0x89: {  	s3 =	sld [smem:$0x3FFE];
	_ =	sdelay $0x1  }
0x8a: {  	s1 =	srdreg.scid  }
0x8b: {  	s0 =	sand.u32 $0x1, s1  }
0x8c: {  	s16 =	sshll.u32 s0, $0xA;
	s2 =	sadd.s32 s3, s2  }
0x8d: {  	s2 =	sadd.s32 s2, s16  }
0x8e: {  	[smem:$0x3FB5] =	sst s2  }
0x8f: {  	_ = 	snop  }
0x90: {  	(tm) =	ssettm $0x1  }
0x91: {  	s17 =	sld [smem:$0x3FFB];
	_ =	sdelay $0x3  }
0x92: {  	_ =	strace s17  }
0x93: {  	s2 =	sld [smem:$0x3FFC];
	_ =	sdelay $0x3  }
0x94: {  	_ =	strace s2  }
0x95: {  	s2 =	sld [smem:$0x3FFD];
	_ =	sdelay $0x3  }
0x96: {  	_ =	strace s2  }
0x97: {  	_ =	strace $0x8FFFFFFF  }
0x98: {  	s18 =	sld [smem:$0x3FDB];
	_ =	sdelay $0x1  }
0x99: {  	s19 =	simm.s32 $_scs_section_size  }
0x9a: {  	s4 =	simm.s32 $_size__tile_overlayer_lowered;
	s5 =	simm.s32 $_tile_overlayer_lowered  }
0x9b: {  	s22 =	simm.s32 $0x1BFF;
	s21 =	sshll.u32 s5, $0x1;
	s2 =	sadd.s32 s19, s18  }
0x9c: {  	s6 =	simm.s32 $0x0;
	s20 =	sshll.u32 s4, $0x1;
	s4 =	sadd.s32 s21, s2  }
0x9d: {  	[timem:s6], [sflag:s22] =	dma.local [hbm:s4], s20  }
0x9e: {  	_ =	swait.ge [sflag:s22], s20  }
0x9f: {  	s3 =	ssub.s32 $0x0, s20;
	[sflag:s22] =	ssyncset.done $0x0  }
0xa0: {  	[sflag:s22] =	ssyncadd.s32 s3;
	_ =	sdelay $0x1  }
0xa1: {  	s23 =	simm.s32 $0x1B8B  }
0xa2: {  	_ =	swait.ge [sflag:s23], $0x1  }
0xa3: {  	[sflag:s23] =	ssyncset.done $0x0  }
0xa4: {  	s25 =	simm.s32 $0x1B8E;
	s24 =	sld [smem:$0x3FFE];
	[sflag:s23] =	ssyncadd.s32 $0xFFFFFFFF  }
0xa5: {  	s26 =	simm.s32 $execute0_lowered;
	[smem:$0x3FD2] =	sst s25  }
0xa6: {  	s4 =	sshll.u32 s26, $0x1;
	_ =	strace $0x8000004F;
	[dreg:$0x1] =	wrdreg $0xFFFFFFFF  }
0xa7: {  	s28 =	simm.s32 $_size_execute0_lowered;
	s2 =	sadd.s32 s2, s4;
	[dreg:$0x0] =	wrdreg $0x0  }
0xa8: {  	s4 =	sshll.u32 s28, $0x1;
	[dreg:$0x2] =	wrdreg s2  }
0xa9: {  	[dreg:$0x3] =	wrdreg s4  }
0xaa: {  	[dreg:$0x4] =	wrdreg $0xC0  }
0xab: {  	_ =	task [dreg:s6], $0x5FFFF  }
0xac: {  	[dreg:$0x1] =	wrdreg $0xFFFFFFFF  }
0xad: {  	[dreg:$0x0] =	wrdreg $0x60  }
0xae: {  	[dreg:$0x2] =	wrdreg s24  }
0xaf: {  	[dreg:$0x3] =	wrdreg $0x84000  }
0xb0: {  	[dreg:$0x4] =	wrdreg $0x9  }
0xb1: {  	_ =	task.clear_ibuf [dreg:s6], $0x5FFFF;
	_ =	strace $0x9000004F  }
0xb2: {  	s29 =	simm.s32 $0x9;
	_ =	strace $0x80000051  }
0xb3: {  	_ =	swait.ge [sflag:s29], $0x1  }
0xb4: {  	[sflag:s29] =	ssyncadd.s32 $0xFFFFFFFF  }
0xb5: {  	_ =	strace $0x90000051  }
0xb6: {  	_ =	sfence  }
0xb7: {  	s30 =	sld [smem:$0x0];
	_ =	sdelay $0x2  }
0xb8: {  	s31 =	sshll.u32 s1, $0xD;
	s1 =	sshrl.u32 s1, $0x2  }
0xb9: {  	s3 =	sand.u32 $0x4000, s31;
	s1 =	sadd.s32 s1, s30  }
0xba: {  	s0 =	sor.u32 s3, s0;
	s1 =	sshll.u32 s1, $0x11  }
0xbb: {  	s0 =	sor.u32 s1, s0  }
0xbc: {  	s0 =	sadd.s32 $0x8F2B, s0  }
0xbd: {  	[sflag:s0] =	ssyncadd.remote.s32 $0x1  }
0xbe: {  	_ =	sfence.sel $0xFFFF  }
0xbf: {  	[dreg:$0x0] =	wrdreg $0xFFFFFFFF;
	(pc) =	sbr.abs _section_cstart, $3  }
0xc0: {  	[dreg:$0x1] =	wrdreg $0xFFFFFFFF  }
0xc1: {  	_ =	task.clear_ibuf [dreg:s6], $0x2FFFF;
	_ =	strace $0x9FFFFFFF  }
0xc2: {  	(tm) =	ssettm $0x7FFFFFFF  }
0xc3: {  	_ =	shalt  }
tec
execute0_lowered:
.L_overlay_start_1:
0x0: {  	(tag) =	ssettag $0x1  }
0x1: {  	s0 =	rddreg [dreg:$0x0]  }
0x2: {  	s2 =	rddreg [dreg:$0x1];
	s3 =	simm.s32 $0x0;
	s12 =	stileid.u32  }
0x3: {  	s1 =	srdreg.scid;
	s29 =	simm.s32 $0x2;
	[smem:$0x7FF] =	sst s3  }
0x4: {  	s5 =	smul.u32 $0x13C00, s12;
	s1 =	sand.u32 $0x1, s1;
	s4 =	sadd.s32 $0x40400, s0  }
0x5: {  	s7 =	sadd.s32 $0x8FC00, s0;
	s9 =	sadd.s32 $0x4E00, s0;
	s11 =	smul.u32 $0x72, s12  }
0x6: {  	s19 =	smul.u32 $0x4F000, s12;
	s21 =	sshll.u32 s12, $0x6;
	_ =	strace $0x80000050  }
0x7: {  	s6 =	smul.u32 $0x13C000, s1;
	s18 =	ssub.s32 $0x2, s1;
	p0 =	seq.s32 s1, $0x0  }
0x8: {  	s1 =	smul.u32 $0x2C, s12;
	s8 =	sshrl.u32 s5, $0x3;
	s10 =	sshrl.u32 s18, $0x1  }
0x9: {  	s11 =	sadd.s32 $0x2C0, s11;
	s8 =	sadd.s32 s8, s0;
	s5 =	sadd.s32 s5, s6  }
0xa: {  	s6 =	ssub.s32 s18, s10;
	s10 =	sshrl.u32 s19, $0x2;
	s11 =	smov.u32 @p0 s1  }
0xb: {  	s5 =	sshrl.u32 s5, $0x3;
	s20 =	sadd.s32 s10, s2;
	s8 =	sadd.s32 $0x18C00, s8  }
0xc: {  	s22 =	sshll.u32 s11, $0x4;
	s28 =	smax.u32 s6, $0x1;
	[dreg:$0x3] =	wrdreg s20  }
0xd: {  	s0 =	sadd.s32 s5, s0;
	s5 =	simm.s32 $0x2C;
	[dreg:$0x4] =	wrdreg s8  }
0xe: {  	s8 =	sor.u32 $0x1C09, s21;
	s11 =	sadd.s32 s7, s22;
	[dreg:$0xc] =	wrdreg s28  }
0xf: {  	s23 =	sadd.s32 s9, s22;
	s24 =	sor.u32 $0x10, s22;
	[dreg:$0x5] =	wrdreg s11  }
0x10: {  	s25 =	sadd.s32 $0x20, s22;
	s13 =	sadd.s32 s7, s24;
	[dreg:$0x6] =	wrdreg s23  }
0x11: {  	s1 =	sadd.s32 $0x30, s22;
	s10 =	sadd.s32 s9, s24;
	[dreg:$0x7] =	wrdreg s13  }
0x12: {  	s21 =	simm.s32 $0x9;
	s26 =	sadd.s32 s7, s25;
	[dreg:$0x8] =	wrdreg s10  }
0x13: {  	s22 =	simm.s32 $0x80;
	s0 =	sadd.s32 $0x99A00, s0;
	[dreg:$0x9] =	wrdreg s26  }
0x14: {  	s5 =	simm.s32 @!p0 $0x72;
	s30 =	sadd.s32 s7, s1;
	[dreg:$0xb] =	wrdreg s0  }
0x15: {  	s31 =	sadd.s32 s9, s1;
	s19 =	sadd.s32 $0x40, s11;
	[dreg:$0xd] =	wrdreg s30  }
0x16: {  	s20 =	sadd.s32 $0x40, s23;
	s10 =	sadd.s32 s9, s25;
	[dreg:$0xe] =	wrdreg s31  }
0x17: {  	s26 =	simm.s32 $0x1;
	s25 =	simm.s32 $0x0;
	[dreg:$0xa] =	wrdreg s10  }
.LBB2_1:
0x18: {  	s0 =	rddreg [dreg:$0x3]  }
0x19: {  	s7 =	rddreg [dreg:$0x4];
	s30 =	sshrl.u32 s0, $0x3  }
0x1a: {  	[spmem:s30], [sflag:s8] =	dma.local [hbm:s7], $0x2780  }
0x1b: {  	_ =	swait.ge [sflag:s21], $0x2780  }
0x1c: {  	[sflag:s21] =	ssyncset.done $0x0  }
0x1d: {  	s9 =	rddreg [dreg:$0x5];
	[sflag:s21] =	ssyncadd.s32 $0xFFFFD880  }
0x1e: {  	[tilespmem:s3], [sflag:$0x1] =	stream.linear.gather [hbm4b:s9+s3], $0x80, $0x38;
	[tilespmem:$0x1C000] =	vst v63  }
0x1f: {  	s0 =	simm.s32 $0x200;
	s1 =	rddreg [dreg:$0x6]  }
0x20: {  	[tilespmem:s0], [sflag:$0x1] =	stream.linear.gather [hbm4b:s1+s3], $0x80, $0x38;
	[tilespmem:$0x1C000] =	vst v63  }
0x21: {  	s10 =	rddreg [dreg:$0x7]  }
0x22: {  	[tilespmem:s22], [sflag:$0x2] =	stream.linear.gather [hbm4b:s10+s3], $0x80, $0x38;
	[tilespmem:$0x1C000] =	vst v63  }
0x23: {  	s6 =	simm.s32 $0x280;
	s11 =	rddreg [dreg:$0x8]  }
0x24: {  	[tilespmem:s6], [sflag:$0x2] =	stream.linear.gather [hbm4b:s11+s3], $0x80, $0x38;
	[tilespmem:$0x1C000] =	vst v63  }
0x25: {  	s13 =	simm.s32 $0x100;
	s12 =	rddreg [dreg:$0x9]  }
0x26: {  	[tilespmem:s13], [sflag:$0x3] =	stream.linear.gather [hbm4b:s12+s3], $0x80, $0x38;
	[tilespmem:$0x1C000] =	vst v63  }
0x27: {  	s15 =	simm.s32 $0x300;
	s14 =	rddreg [dreg:$0xa]  }
0x28: {  	[tilespmem:s15], [sflag:$0x3] =	stream.linear.gather [hbm4b:s14+s3], $0x80, $0x38;
	[tilespmem:$0x1C000] =	vst v63  }
0x29: {  	[bflag:$0x0] =	sbarrier.arrive $0xFFFF  }
0x2a: {  	_ =	swait.ge [sflag:s26], $0x80  }
0x2b: {  	[sflag:s26] =	ssyncset.done $0x0  }
0x2c: {  	[sflag:s26] =	ssyncadd.s32 $0xFFFFFF80  }
0x2d: {  	_ =	swait.ge [sflag:s26], $0x80  }
0x2e: {  	[sflag:s26] =	ssyncset.done $0x0  }
0x2f: {  	s16 =	simm.s32 $0x400;
	[sflag:s26] =	ssyncadd.s32 $0xFFFFFF80  }
0x30: {  	[tilespmem:s16], [sflag:$0x5] =	stream.indirect.gather [hbm4b:s4+s22], $0x80, s3, s22, $0xb8;
	[tilespmem:$0x1C000] =	vst v63  }
0x31: {  	_ =	swait.ge [sflag:s29], $0x80  }
0x32: {  	[sflag:s29] =	ssyncset.done $0x0  }
0x33: {  	[sflag:s29] =	ssyncadd.s32 $0xFFFFFF80  }
0x34: {  	_ =	swait.ge [sflag:s29], $0x80  }
0x35: {  	[sflag:s29] =	ssyncset.done $0x0  }
0x36: {  	s17 =	simm.s32 $0x4400;
	[sflag:s29] =	ssyncadd.s32 $0xFFFFFF80  }
0x37: {  	[tilespmem:s17], [sflag:$0x6] =	stream.indirect.gather [hbm4b:s4+s22], $0x80, s22, s22, $0xb8;
	[tilespmem:$0x1C000] =	vst v63  }
0x38: {  	s7 =	simm.s32 $0x180;
	s18 =	rddreg [dreg:$0xd]  }
0x39: {  	[tilespmem:s7], [sflag:$0x4] =	stream.linear.gather [hbm4b:s18+s3], $0x80, $0x38;
	[tilespmem:$0x1C000] =	vst v63  }
0x3a: {  	s24 =	simm.s32 $0x380;
	s28 =	simm.s32 $0x5;
	s23 =	rddreg [dreg:$0xe]  }
0x3b: {  	[tilespmem:s24], [sflag:$0x4] =	stream.linear.gather [hbm4b:s23+s3], $0x80, $0x38;
	[tilespmem:$0x1C000] =	vst v63  }
0x3c: {  	p0 =	sle.u32 s5, $0x2;
	s6 =	simm.s32 $0x2;
	_ =	swait.ge [sflag:s28], $0x4000  }
0x3d: {  	s6 =	sand.u32 @!p0 $0x3, s6;
	[sflag:s28] =	ssyncset.done $0x0  }
0x3e: {  	s7 =	sadd.s32 @!p0 $0x1, s6;
	[sflag:s28] =	ssyncadd.s32 $0xFFFFC000  }
0x3f: {  	[spmem:s2] =	stream.indirect.scatter.add.f32 [tilespmem:s16], [sflag:$0x7], $0x80, s0, s22, $0xb8;
	[tilespmem:$0x1C000] =	vst v63  }
0x40: {  	_ =	swait.ge @!p0 [sflag:s7], $0x80  }
0x41: {  	s31 =	simm.s32 $0x5;
	s10 =	simm.s32 $0x1;
	[sflag:s7] =	ssyncset.done @!p0 $0x0  }
0x42: {  	p1 =	sle.u32 s5, $0x1;
	s10 =	sand.u32 $0x1, s10;
	[sflag:s7] =	ssyncadd.s32 @!p0 $0xFFFFFF80  }
0x43: {  	s9 =	simm.s32 $0x4;
	s12 =	sxor.u32 @!p0 $0x1, s10;
	_ =	swait.ge @!p0 [sflag:s7], $0x80  }
0x44: {  	s11 =	simm.s32 $0x3;
	s13 =	sshll.u32 @!p0 s12, $0xE;
	[sflag:s7] =	ssyncset.done @!p0 $0x0  }
0x45: {  	s13 =	sor.u32 @!p0 $0x400, s13;
	[sflag:s7] =	ssyncadd.s32 @!p0 $0xFFFFFF80;
	s7 =	sadd.s32 @!p0 $0x7, s12  }
0x46: {  	s14 =	sadd.s32 @!p1 $0x7, s10;
	s0 =	sand.u32 @!p1 $0x600, s0;
	_ =	swait.ge @!p0 [sflag:s7], $0x4000  }
0x47: {  	s6 =	sshll.u32 @!p0 s6, $0x7;
	s0 =	sshrl.u32 @!p1 s0, $0x2;
	[sflag:s7] =	ssyncset.done @!p0 $0x0  }
0x48: {  	s12 =	sadd.s32 @!p0 $0x5, s12;
	[sflag:s7] =	ssyncadd.s32 @!p0 $0xFFFFC000;
	s7 =	simm.s32 @!p0 $0x80  }
0x49: {  	[tilespmem:s13], [sflag:s12] =	stream.indirect.gather @!p0 [hbm4b:s4+s7], $0x80, s6, s7, $0xb8;
	[tilespmem:$0x1C000] =	vst v63  }
0x4a: {  	s16 =	sshll.u32 @!p1 s10, $0xE;
	s13 =	sor.u32 @!p1 $0x200, s0;
	s12 =	simm.s32 $0x6  }
0x4b: {  	p1 =	por p1, p1;
	p0 =	sle.u32 s5, $0x4;
	s0 =	sand.u32 $0x3, s9  }
0x4c: {  	s6 =	sadd.s32 @!p0 $0x1, s0;
	s0 =	sshll.u32 @!p0 s0, $0x7;
	s7 =	simm.s32 @!p0 $0x0  }
0x4d: {  	[tilespmem:s0], [sflag:s6] =	stream.linear.gather @!p0 [hbm4b:s19+s7], $0x80, $0x38;
	[tilespmem:$0x1C000] =	vst v63  }
0x4e: {  	s10 =	sadd.s32 @!p1 $0x5, s10;
	s15 =	simm.s32 @!p1 $0x80;
	s9 =	sor.u32 @!p0 $0x200, s0  }
0x4f: {  	[tilespmem:s9], [sflag:s6] =	stream.linear.gather @!p0 [hbm4b:s20+s7], $0x80, $0x38;
	[tilespmem:$0x1C000] =	vst v63  }
0x50: {  	s0 =	sadd.s32 $0x10, s20;
	s6 =	simm.s32 $0x400;
	_ =	swait.ge @!p1 [sflag:s10], $0x4000  }
0x51: {  	s7 =	sadd.s32 $0x10, s19;
	p0 =	sle.u32 s5, $0x3;
	[sflag:s10] =	ssyncset.done @!p1 $0x0  }
0x52: {  	s9 =	simm.s32 $0x2;
	[sflag:s10] =	ssyncadd.s32 @!p1 $0xFFFFC000;
	s10 =	sor.u32 @!p1 $0x400, s16  }
.LBB2_2:
0x53: {  	s16 =	sadd.s32 $0xFFFFFFFE, s12;
	s17 =	sand.u32 $0x1, s9;
	p3 =	sge.u32 s9, s5  }
0x54: {  	s9 =	smov.u32 s31;
	s31 =	smov.u32 s12;
	s18 =	smov.u32 s0  }
0x55: {  	[spmem:s2] =	stream.indirect.scatter.add.f32 @!p1 [tilespmem:s10], [sflag:s14], $0x80, s13, s15, $0xb8;
	[tilespmem:$0x1C000] =	vst v63  }
0x56: {  	s11 =	sand.u32 @!p0 $0x3, s11;
	s10 =	sxor.u32 @!p0 $0x1, s17;
	s13 =	sand.u32 @!p3 $0x600, s6  }
0x57: {  	s15 =	sadd.s32 @!p0 $0x1, s11;
	s28 =	sshll.u32 @!p0 s11, $0x7;
	s11 =	sshll.u32 @!p0 s10, $0xE  }
0x58: {  	s23 =	sadd.s32 @!p0 $0x5, s10;
	s1 =	sor.u32 @!p0 $0x400, s11;
	_ =	swait.ge @!p0 [sflag:s15], $0x80  }
0x59: {  	s24 =	sshll.u32 @!p3 s17, $0xE;
	s11 =	sshrl.u32 @!p3 s13, $0x2;
	[sflag:s15] =	ssyncset.done @!p0 $0x0  }
0x5a: {  	s14 =	sadd.s32 @!p3 $0x7, s17;
	s13 =	sor.u32 @!p3 $0x200, s11;
	[sflag:s15] =	ssyncadd.s32 @!p0 $0xFFFFFF80  }
0x5b: {  	s12 =	sadd.s32 $0x1, s12;
	s11 =	smov.u32 s16;
	_ =	swait.ge @!p0 [sflag:s15], $0x80  }
0x5c: {  	p2 =	sne.s32 s12, $0x75;
	p1 =	por p3, p3;
	[sflag:s15] =	ssyncset.done @!p0 $0x0  }
0x5d: {  	s10 =	sadd.s32 @!p0 $0x7, s10;
	[sflag:s15] =	ssyncadd.s32 @!p0 $0xFFFFFF80  }
0x5e: {  	_ =	swait.ge @!p0 [sflag:s10], $0x4000  }
0x5f: {  	s0 =	sadd.s32 $0x10, s0;
	p3 =	sge.u32 s9, s5;
	[sflag:s10] =	ssyncset.done @!p0 $0x0  }
0x60: {  	s9 =	sand.u32 $0x3, s9;
	[sflag:s10] =	ssyncadd.s32 @!p0 $0xFFFFC000;
	s10 =	simm.s32 @!p0 $0x80  }
0x61: {  	[tilespmem:s1], [sflag:s23] =	stream.indirect.gather @!p0 [hbm4b:s4+s10], $0x80, s28, s10, $0xb8;
	[tilespmem:$0x1C000] =	vst v63  }
0x62: {  	s1 =	sadd.s32 @!p3 $0x1, s9;
	s9 =	sshll.u32 @!p3 s9, $0x7;
	s10 =	simm.s32 @!p3 $0x0  }
0x63: {  	[tilespmem:s9], [sflag:s1] =	stream.linear.gather @!p3 [hbm4b:s7+s10], $0x80, $0x38;
	[tilespmem:$0x1C000] =	vst v63  }
.Ltmp0:
0x64: {  	s16 =	sadd.s32 @!p1 $0x5, s17;
	s9 =	sor.u32 @!p3 $0x200, s9;
	(pc) =	sbr.rel @p2 .LBB2_2-.Ltmp0, $4  }
0x65: {  	[tilespmem:s9], [sflag:s1] =	stream.linear.gather @!p3 [hbm4b:s18+s10], $0x80, $0x38;
	[tilespmem:$0x1C000] =	vst v63  }
0x66: {  	s6 =	sadd.s32 $0x200, s6;
	s7 =	sadd.s32 $0x10, s7;
	_ =	swait.ge @!p1 [sflag:s16], $0x4000  }
0x67: {  	s15 =	simm.s32 @!p1 $0x80;
	p0 =	sge.u32 s11, s5;
	[sflag:s16] =	ssyncset.done @!p1 $0x0  }
0x68: {  	s9 =	sadd.s32 $0xFFFFFFFD, s31;
	s10 =	sor.u32 @!p1 $0x400, s24;
	[sflag:s16] =	ssyncadd.s32 @!p1 $0xFFFFC000  }
0x69: {  	[spmem:s2] =	stream.indirect.scatter.add.f32 @!p1 [tilespmem:s10], [sflag:s14], $0x80, s13, s15, $0xb8;
	[tilespmem:$0x1C000] =	vst v63  }
0x6a: {  	s1 =	sand.u32 @!p0 $0x3, s11  }
0x6b: {  	s10 =	sadd.s32 @!p0 $0x1, s1  }
0x6c: {  	_ =	swait.ge @!p0 [sflag:s10], $0x80  }
0x6d: {  	[sflag:s10] =	ssyncset.done @!p0 $0x0  }
0x6e: {  	[sflag:s10] =	ssyncadd.s32 @!p0 $0xFFFFFF80  }
0x6f: {  	s11 =	sand.u32 $0x1, s9;
	_ =	swait.ge @!p0 [sflag:s10], $0x80  }
0x70: {  	s12 =	sxor.u32 @!p0 $0x1, s11;
	[sflag:s10] =	ssyncset.done @!p0 $0x0  }
0x71: {  	p1 =	sge.u32 s9, s5;
	[sflag:s10] =	ssyncadd.s32 @!p0 $0xFFFFFF80;
	s10 =	sadd.s32 @!p0 $0x7, s12  }
0x72: {  	p2 =	sge.u32 s31, s5;
	s9 =	sshll.u32 @!p0 s12, $0xE;
	_ =	swait.ge @!p0 [sflag:s10], $0x4000  }
0x73: {  	s1 =	sshll.u32 @!p0 s1, $0x7;
	s9 =	sor.u32 @!p0 $0x400, s9;
	[sflag:s10] =	ssyncset.done @!p0 $0x0  }
0x74: {  	s12 =	sadd.s32 @!p0 $0x5, s12;
	[sflag:s10] =	ssyncadd.s32 @!p0 $0xFFFFC000;
	s10 =	simm.s32 @!p0 $0x80  }
0x75: {  	[tilespmem:s9], [sflag:s12] =	stream.indirect.gather @!p0 [hbm4b:s4+s10], $0x80, s1, s10, $0xb8;
	[tilespmem:$0x1C000] =	vst v63  }
0x76: {  	s23 =	simm.s32 $0x7;
	p0 =	por p1, p1;
	s1 =	sand.u32 $0x3, s31  }
0x77: {  	s10 =	simm.s32 @!p2 $0x0;
	s9 =	sadd.s32 @!p2 $0x1, s1;
	s1 =	sshll.u32 @!p2 s1, $0x7  }
0x78: {  	[tilespmem:s1], [sflag:s9] =	stream.linear.gather @!p2 [hbm4b:s7+s10], $0x80, $0x38;
	[tilespmem:$0x1C000] =	vst v63  }
0x79: {  	s6 =	sand.u32 @!p1 $0x600, s6;
	s1 =	sor.u32 @!p2 $0x200, s1;
	s7 =	sadd.s32 @!p0 $0x5, s11  }
0x7a: {  	[tilespmem:s1], [sflag:s9] =	stream.linear.gather @!p2 [hbm4b:s0+s10], $0x80, $0x38;
	[tilespmem:$0x1C000] =	vst v63  }
0x7b: {  	s0 =	sshll.u32 @!p1 s11, $0xE;
	s1 =	sshrl.u32 @!p1 s6, $0x2;
	_ =	swait.ge @!p0 [sflag:s7], $0x4000  }
0x7c: {  	s6 =	sadd.s32 @!p1 $0x7, s11;
	s9 =	simm.s32 @!p0 $0x80;
	[sflag:s7] =	ssyncset.done @!p0 $0x0  }
0x7d: {  	s1 =	sor.u32 @!p1 $0x200, s1;
	s0 =	sor.u32 @!p0 $0x400, s0;
	[sflag:s7] =	ssyncadd.s32 @!p0 $0xFFFFC000  }
0x7e: {  	[spmem:s2] =	stream.indirect.scatter.add.f32 @!p0 [tilespmem:s0], [sflag:s6], $0x80, s1, s9, $0xb8;
	[tilespmem:$0x1C000] =	vst v63  }
0x7f: {  	_ =	swait.ge [sflag:s23], $0x4000  }
0x80: {  	[sflag:s23] =	ssyncset.done $0x0  }
0x81: {  	s24 =	simm.s32 $0x8;
	[sflag:s23] =	ssyncadd.s32 $0xFFFFC000  }
0x82: {  	_ =	swait.ge [sflag:s24], $0x4000  }
0x83: {  	[sflag:s24] =	ssyncset.done $0x0  }
0x84: {  	[sflag:s24] =	ssyncadd.s32 $0xFFFFC000  }
0x85: {  	[bflag:$0x0] =	sbarrier.arrive $0xFFFF  }
0x86: {  	s28 =	rddreg [dreg:$0xb]  }
0x87: {  	[hbm:s28], [sflag:s8] =	dma.local [spmem:s30], $0x2780  }
0x88: {  	_ =	swait.ge [sflag:s21], $0x2780  }
0x89: {  	s25 =	sadd.s32 $0x1, s25;
	s31 =	rddreg [dreg:$0xc]  }
0x8a: {  	p0 =	sne.s32 s25, s31  }
.Ltmp1:
0x8b: {  	_ = 	snop;
	(pc) =	sbr.rel @p0 .LBB2_1-.Ltmp1, $3  }
0x8c: {  	_ =	sdelay $0x1  }
0x8d: {  	[sflag:s21] =	ssyncset.done $0x0  }
0x8e: {  	[sflag:s21] =	ssyncadd.s32 $0xFFFFD880  }
0x8f: {  	_ =	sfence.sel $0x180000  }
0x90: {  	[bflag:$0x0] =	sbarrier.arrive $0xFFFF  }
0x91: {  	_ =	strace $0x90000050  }
0x92: {  	s0 =	stileid.u32;
	[bflag:$0x2] =	sbarrier.arrive $0xFFFF  }
0x93: {  	p0 =	sne.s32 s0, $0x0;
	s0 =	rddreg [dreg:$0x2]  }
0x94: {  	s0 =	sadd.s32 @!p0 $0x100000, s0  }
0x95: {  	[sflag:s0] =	ssyncadd.tile.s32 @!p0 $0x1;
	_ =	shalt  }
.Lfunc_end2:
_tile_overlayer_lowered:
.L_overlay_start_2:
0x96: {  	(tag) =	ssettag $0x2  }
0x97: {  	s0 =	rddreg [dreg:$0x0];
	s2 =	stileid.u32  }
0x98: {  	s1 =	rddreg [dreg:$0x1];
	p0 =	sne.s32 s2, $0x0  }
0x99: {  	s3 =	rddreg [dreg:$0x2];
	[bflag:$0x3] =	sbarrier.arrive $0xFFFF;
	s2 =	simm.s32 @!p0 $0x1C09  }
0x9a: {  	[timem:s3], [sflag:s2] =	dma.local @!p0 [hbm:s0], s1  }
0x9b: {  	s0 =	simm.s32 @!p0 $0x9  }
0x9c: {  	_ =	swait.ge @!p0 [sflag:s0], s1  }
0x9d: {  	s1 =	ssub.s32 @!p0 $0x0, s1;
	[sflag:s0] =	ssyncset.done @!p0 $0x0  }
0x9e: {  	[sflag:s0] =	ssyncadd.s32 @!p0 s1  }
0x9f: {  	[bflag:$0x3] =	sbarrier.arrive $0xFFFF  }
0xa0: {  	_ =	shalt  }

</sc_bundles>
